<compile_context>
chip_gen: v7x
topology: tpu7x:2x2x1
jax: 0.10.2.dev20260603
libtpu: 0.0.44.dev20260713+nightly
codegen_flags: <defaults>
</compile_context>

<pallas_src>
import functools

import jax
import jax.numpy as jnp
from jax import lax
from jax.experimental import pallas as pl
from jax.experimental.pallas import tpu as pltpu
from jax.experimental.pallas import tpu_sc as plsc

N = 10000
E = 160000
D = 256
HALF = 128
EPS = 1e-5

NC, NS = 2, 16
K = 72
CHUNKS = 144
KC = 128
CHUNKS_C = 81
EP = K * CHUNKS
E_PAD = EP * NS
NROWS = 10112

_f32 = jnp.float32
_i32 = jnp.int32


def _sc_run_dir(c, s, emb2, srcs, dsts, out_s,
                src_v, dst_v, rows_v, acc,
                semg0, semg1, semg2, sems0, sems1, sems2):
    w = c * NS + s
    semg = (semg0, semg1, semg2)
    sems = (sems0, sems1, sems2)

    pltpu.sync_copy(srcs.at[w], src_v)
    pltpu.sync_copy(dsts.at[s], dst_v)

    pltpu.make_async_copy(emb2.at[src_v.at[0]], rows_v.at[0], semg0).start()

    r2 = rows_v.at[2]

    def _zrow(i, _):
        for j in range(8):
            rows_v[2, i, pl.ds(j * 16, 16)] = jnp.zeros((16,), _f32)
        return 0
    lax.fori_loop(0, K, _zrow, 0)
    for k in range(8):
        pltpu.sync_copy(r2, acc.at[pl.ds(s * 632 + k * 72, 72)])
    pltpu.sync_copy(r2.at[pl.ds(0, 56)], acc.at[pl.ds(s * 632 + 576, 56)])
    plsc.subcore_barrier()

    def _step(g0, _):
        for b in range(3):
            g = g0 * 3 + b
            bn = (b + 1) % 3

            @pl.when(g >= 2)
            def _():
                pltpu.make_async_copy(rows_v.at[bn], acc.at[dst_v.at[0]],
                                      sems[bn]).wait()
            gn = lax.rem(g + 1, CHUNKS)
            pltpu.make_async_copy(emb2.at[src_v.at[gn]], rows_v.at[bn],
                                  semg[bn]).start()
            pltpu.make_async_copy(emb2.at[src_v.at[g]], rows_v.at[b],
                                  semg[b]).wait()
            pltpu.async_copy(rows_v.at[b], acc.at[dst_v.at[g]], sems[b],
                             add=True)
        return 0
    lax.fori_loop(0, CHUNKS // 3, _step, 0)

    pltpu.make_async_copy(rows_v.at[1], acc.at[dst_v.at[0]], sems1).wait()
    pltpu.make_async_copy(rows_v.at[2], acc.at[dst_v.at[0]], sems2).wait()
    pltpu.make_async_copy(emb2.at[src_v.at[0]], rows_v.at[0], semg0).wait()

    plsc.subcore_barrier()

    base = s * 624
    obase = c * N + base
    pltpu.sync_copy(acc.at[pl.ds(base, 624)], out_s.at[pl.ds(obase, 624)])

    @pl.when(s == NS - 1)
    def _tail():
        tb = NS * 624
        pltpu.sync_copy(acc.at[pl.ds(tb, 16)], out_s.at[pl.ds(c * N + tb, 16)])


def _sc_seg_body(tix, emb_flat, srcs, dsts, out_s,
                 src_v, dst_v, rows_v, acc,
                 semg0, semg1, semg2, sems0, sems1, sems2):
    c = lax.axis_index("c")
    s = lax.axis_index("s")
    _sc_run_dir(c, s, emb_flat.at[tix], srcs, dsts, out_s,
                src_v, dst_v, rows_v, acc,
                semg0, semg1, semg2, sems0, sems1, sems2)


def _make_sc_seg(tix):
    return pl.kernel(
        functools.partial(_sc_seg_body, tix),
        out_type=jax.ShapeDtypeStruct((NC * N, HALF), _f32),
        mesh=plsc.VectorSubcoreMesh(core_axis_name="c", subcore_axis_name="s",
                                    num_cores=NC, num_subcores=NS),
        compiler_params=pltpu.CompilerParams(use_tc_tiling_on_sc=False),
        cost_estimate=pl.CostEstimate(flops=int(4.2e7),
                                      bytes_accessed=int(1.9e8),
                                      transcendentals=0),
        scratch_types=(
            pltpu.VMEM((CHUNKS, K), _i32),
            pltpu.VMEM((CHUNKS, K), _i32),
            pltpu.VMEM((3, K, HALF), _f32),
            pltpu.VMEM_SHARED((NROWS, HALF), _f32),
            pltpu.SemaphoreType.DMA,
            pltpu.SemaphoreType.DMA,
            pltpu.SemaphoreType.DMA,
            pltpu.SemaphoreType.DMA,
            pltpu.SemaphoreType.DMA,
            pltpu.SemaphoreType.DMA,
        ),
    )


_sc_seg_from_user = _make_sc_seg(0)
_sc_seg_from_item = _make_sc_seg(1)


def _sc_cnt_body(dsts2, out_c, dst_v, ones_v, zc, cnt_sp):
    c = lax.axis_index("c")
    s = lax.axis_index("s")
    w = c * NS + s
    pltpu.sync_copy(dsts2.at[w], dst_v)

    def _one(i, _):
        ones_v[pl.ds(i * 16, 16)] = jnp.ones((16,), _f32)
        return 0
    lax.fori_loop(0, KC // 16, _one, 0)

    def _z(i, _):
        zc[pl.ds(i * 16, 16)] = jnp.zeros((16,), _f32)
        return 0
    lax.fori_loop(0, 632 // 8, _z, 0)

    pltpu.sync_copy(zc.at[pl.ds(0, 632)], cnt_sp.at[pl.ds(s * 632, 632)])
    plsc.subcore_barrier()

    def _step(g, _):
        pltpu.sync_copy(ones_v, cnt_sp.at[dst_v.at[g]], add=True)
        return 0
    lax.fori_loop(0, CHUNKS_C, _step, 0)
    plsc.subcore_barrier()

    base = s * 624
    pltpu.sync_copy(cnt_sp.at[pl.ds(base, 624)], out_c.at[pl.ds(c * N + base, 624)])

    @pl.when(s == NS - 1)
    def _tail():
        tb = NS * 624
        pltpu.sync_copy(cnt_sp.at[pl.ds(tb, 16)], out_c.at[pl.ds(c * N + tb, 16)])


_sc_cnt = pl.kernel(
    _sc_cnt_body,
    out_type=jax.ShapeDtypeStruct((NC * N,), _f32),
    mesh=plsc.VectorSubcoreMesh(core_axis_name="c", subcore_axis_name="s",
                                num_cores=NC, num_subcores=NS),
    compiler_params=pltpu.CompilerParams(use_tc_tiling_on_sc=False),
    cost_estimate=pl.CostEstimate(flops=int(3.3e5),
                                  bytes_accessed=int(3.0e6),
                                  transcendentals=0),
    scratch_types=(
        pltpu.VMEM((CHUNKS_C, KC), _i32),
        pltpu.VMEM((KC,), _f32),
        pltpu.VMEM((632,), _f32),
        pltpu.VMEM_SHARED((NROWS,), _f32),
    ),
)


def _edge_plan(edge_index):
    src = edge_index[0].astype(_i32)
    dst = edge_index[1].astype(_i32)
    pad = E_PAD - E
    r = jnp.arange(pad, dtype=_i32)
    src_p = jnp.concatenate([src, r % N])
    dst_p = jnp.concatenate([dst, N + (r % 16)])
    srcs = jnp.stack([src_p, src_p + N]).reshape(NC * NS, CHUNKS, K)
    dsts = dst_p.reshape(NS, CHUNKS, K)
    dsts_c = dst_p.reshape(NS, CHUNKS_C, KC)
    return srcs, dsts, dsts_c


_RB = 2000
_GRID = N // _RB


def _proj_body(xu_ref, xi_ref, w_ref, b_ref, out_ref):
    t = pl.program_id(0)
    x = jnp.where(t == 0, xu_ref[...], xi_ref[...])
    emb = jax.nn.relu(
        jnp.dot(x, w_ref[0], preferred_element_type=_f32) + b_ref[0])
    out_ref[0, 0] = emb[:, :HALF]
    out_ref[0, 1] = emb[:, HALF:]


_proj = pl.pallas_call(
    _proj_body,
    grid=(2, _GRID),
    in_specs=[
        pl.BlockSpec((_RB, D), lambda t, i: ((1 - t) * i, 0)),
        pl.BlockSpec((_RB, D), lambda t, i: (t * i, 0)),
        pl.BlockSpec((1, D, D), lambda t, i: (t, 0, 0)),
        pl.BlockSpec((1, 1, D), lambda t, i: (t, 0, 0)),
    ],
    out_specs=pl.BlockSpec((1, NC, _RB, HALF), lambda t, i: (t, 0, i, 0)),
    out_shape=jax.ShapeDtypeStruct((2, NC, N, HALF), _f32),
)


def _mixnorm_body(sums_ref, cnt_ref, emb_ref, wl_ref, bl_ref, wr_ref,
                  gw_ref, gb_ref, gms_ref, w2_ref, b2_ref,
                  out_ref, z_scr, st_scr):
    i = pl.program_id(0)

    @pl.when(i == 0)
    def _():
        st_scr[...] = jnp.zeros_like(st_scr)

    @pl.when(i < _GRID)
    def _():
        cnt = jnp.maximum(cnt_ref[...], 1.0)
        agg = jnp.concatenate([sums_ref[0], sums_ref[1]], axis=1) / cnt
        emb = jnp.concatenate([emb_ref[0, 0], emb_ref[0, 1]], axis=1)
        z = (jnp.dot(agg, wl_ref[...], preferred_element_type=_f32)
             + bl_ref[...]
             + jnp.dot(emb, wr_ref[...], preferred_element_type=_f32))
        z_scr[pl.ds(i, 1)] = z[None]
        st_scr[0:1, :] += jnp.sum(z, axis=0, keepdims=True)
        st_scr[1:2, :] += jnp.sum(z * z, axis=0, keepdims=True)

    @pl.when(i >= _GRID)
    def _():
        j = i - _GRID
        mean = st_scr[0:1, :] * (1.0 / N)
        msq = st_scr[1:2, :] * (1.0 / N)
        mm = gms_ref[...] * mean
        var = msq - 2.0 * mm * mean + mm * mm
        inv = lax.rsqrt(var + EPS)
        sc = gw_ref[...] * inv
        sh = gb_ref[...] - mm * sc
        zt = z_scr[j] * sc + sh
        out_ref[...] = (jnp.dot(zt, w2_ref[...], preferred_element_type=_f32)
                        + b2_ref[...])


def _make_mixnorm(T):
    clamp = lambda i: jnp.minimum(i, _GRID - 1)
    return pl.pallas_call(
        _mixnorm_body,
        grid=(2 * _GRID,),
        in_specs=[
            pl.BlockSpec((NC, _RB, HALF), lambda i: (0, clamp(i), 0)),
            pl.BlockSpec((_RB, 1), lambda i: ((1 - T) * _GRID + clamp(i), 0)),
            pl.BlockSpec((1, NC, _RB, HALF), lambda i: (T, 0, clamp(i), 0)),
            pl.BlockSpec((D, D), lambda i: (0, 0)),
            pl.BlockSpec((1, D), lambda i: (0, 0)),
            pl.BlockSpec((D, D), lambda i: (0, 0)),
            pl.BlockSpec((1, D), lambda i: (0, 0)),
            pl.BlockSpec((1, D), lambda i: (0, 0)),
            pl.BlockSpec((1, D), lambda i: (0, 0)),
            pl.BlockSpec((D, D), lambda i: (0, 0)),
            pl.BlockSpec((1, D), lambda i: (0, 0)),
        ],
        out_specs=pl.BlockSpec((_RB, D),
                               lambda i: (jnp.maximum(i - _GRID, 0), 0)),
        out_shape=jax.ShapeDtypeStruct((N, D), _f32),
        scratch_shapes=[
            pltpu.VMEM((_GRID, _RB, D), _f32),
            pltpu.VMEM((8, D), _f32),
        ],
    )


_mixnorm_item = _make_mixnorm(1)
_mixnorm_user = _make_mixnorm(0)


def kernel(x_user, x_item, edge_index_user_to_item, edge_index_item_to_user,
           W1_user, b1_user, W1_item, b1_item,
           Wl_ui, bl_ui, Wr_ui, Wl_iu, bl_iu, Wr_iu,
           gn_w_user, gn_b_user, gn_ms_user, gn_w_item, gn_b_item, gn_ms_item,
           W2_user, b2_user, W2_item, b2_item):
    row = lambda v: v.reshape(1, D)

    emb_all = _proj(x_user, x_item,
                    jnp.stack([W1_user, W1_item]),
                    jnp.stack([b1_user.reshape(1, D), b1_item.reshape(1, D)]))
    emb_flat = emb_all.reshape(2, NC * N, HALF)

    srcs_ui, dsts_ui, dsts_c_ui = _edge_plan(edge_index_user_to_item)
    srcs_iu, dsts_iu, dsts_c_iu = _edge_plan(edge_index_item_to_user)

    cnt2 = _sc_cnt(jnp.concatenate([dsts_c_ui, dsts_c_iu]).reshape(
        NC * NS, CHUNKS_C, KC)).reshape(NC * N, 1)
    sums_item = _sc_seg_from_user(emb_flat, srcs_ui, dsts_ui)
    sums_user = _sc_seg_from_item(emb_flat, srcs_iu, dsts_iu)

    out_item = _mixnorm_item(sums_item.reshape(NC, N, HALF), cnt2, emb_all,
                             Wl_ui, row(bl_ui), Wr_ui,
                             row(gn_w_item), row(gn_b_item), row(gn_ms_item),
                             W2_item, row(b2_item))
    out_user = _mixnorm_user(sums_user.reshape(NC, N, HALF), cnt2, emb_all,
                             Wl_iu, row(bl_iu), Wr_iu,
                             row(gn_w_user), row(gn_b_user), row(gn_ms_user),
                             W2_user, row(b2_user))
    return (out_user, out_item)

# --- scband reference (transcript-rebuilt; emitter-appended) ---
"""Pipeline reference for scband-sage-h-20323785244857 (READ-ONLY COPY).

The authoritative reference and input builder live on the scoring server;
editing this copy changes nothing except your own understanding.
"""

import jax, jax.numpy as jnp
import numpy as np

N_USER = 10000
N_ITEM = 10000
E = 160000
D_IN = 256
H = 256
D_OUT = 256
EPS = 1e-5


def _seg_mean(src_feats, dst_idx, num_segments):
    s = jax.ops.segment_sum(src_feats, dst_idx, num_segments=num_segments)
    cnt = jax.ops.segment_sum(jnp.ones((dst_idx.shape[0], 1), dtype=src_feats.dtype), dst_idx, num_segments=num_segments)
    return s / jnp.maximum(cnt, 1.0)


def _graph_norm(x, weight, bias, mean_scale):
    mean = jnp.mean(x, axis=0, keepdims=True)
    out = x - mean_scale * mean
    var = jnp.mean(out * out, axis=0, keepdims=True)
    out = out / jnp.sqrt(var + EPS)
    return weight * out + bias


def setup_inputs(seed: int = 0) -> dict:
    key = jax.random.key(seed)
    ks = jax.random.split(key, 32)
    inp = {}
    inp['x_user'] = jax.random.normal(ks[0], (N_USER, D_IN), dtype=jnp.float32)
    inp['x_item'] = jax.random.normal(ks[1], (N_ITEM, D_IN), dtype=jnp.float32)
    inp['edge_index_user_to_item'] = jax.random.randint(ks[2], (2, E), 0, N_ITEM, dtype=jnp.int64 if jax.config.jax_enable_x64 else jnp.int32)
    inp['edge_index_item_to_user'] = jax.random.randint(ks[3], (2, E), 0, N_USER, dtype=jnp.int64 if jax.config.jax_enable_x64 else jnp.int32)
    s_in = 1.0 / np.sqrt(D_IN)
    s_h = 1.0 / np.sqrt(H)
    # lin_dict (input projection per node type)
    inp['W1_user'] = jax.random.uniform(ks[4], (D_IN, H), jnp.float32, -s_in, s_in)
    inp['b1_user'] = jnp.zeros((H,), jnp.float32)
    inp['W1_item'] = jax.random.uniform(ks[5], (D_IN, H), jnp.float32, -s_in, s_in)
    inp['b1_item'] = jnp.zeros((H,), jnp.float32)
    # SAGEConv per edge type: lin_l (on aggregated neighbors, with bias), lin_r (on dst, no bias)
    inp['Wl_ui'] = jax.random.uniform(ks[6], (H, H), jnp.float32, -s_h, s_h)
    inp['bl_ui'] = jnp.zeros((H,), jnp.float32)
    inp['Wr_ui'] = jax.random.uniform(ks[7], (H, H), jnp.float32, -s_h, s_h)
    inp['Wl_iu'] = jax.random.uniform(ks[8], (H, H), jnp.float32, -s_h, s_h)
    inp['bl_iu'] = jnp.zeros((H,), jnp.float32)
    inp['Wr_iu'] = jax.random.uniform(ks[9], (H, H), jnp.float32, -s_h, s_h)
    # GraphNorm per node type
    inp['gn_w_user'] = jnp.ones((H,), jnp.float32)
    inp['gn_b_user'] = jnp.zeros((H,), jnp.float32)
    inp['gn_ms_user'] = jnp.ones((H,), jnp.float32)
    inp['gn_w_item'] = jnp.ones((H,), jnp.float32)
    inp['gn_b_item'] = jnp.zeros((H,), jnp.float32)
    inp['gn_ms_item'] = jnp.ones((H,), jnp.float32)
    # lin_dict2 (output projection per node type)
    inp['W2_user'] = jax.random.uniform(ks[10], (H, D_OUT), jnp.float32, -s_h, s_h)
    inp['b2_user'] = jnp.zeros((D_OUT,), jnp.float32)
    inp['W2_item'] = jax.random.uniform(ks[11], (H, D_OUT), jnp.float32, -s_h, s_h)
    inp['b2_item'] = jnp.zeros((D_OUT,), jnp.float32)
    return inp


def reference(x_user, x_item, edge_index_user_to_item, edge_index_item_to_user,
              W1_user, b1_user, W1_item, b1_item,
              Wl_ui, bl_ui, Wr_ui, Wl_iu, bl_iu, Wr_iu,
              gn_w_user, gn_b_user, gn_ms_user, gn_w_item, gn_b_item, gn_ms_item,
              W2_user, b2_user, W2_item, b2_item):
    # per-node-type input projection + relu
    emb_user = jax.nn.relu(x_user @ W1_user + b1_user)
    emb_item = jax.nn.relu(x_item @ W1_item + b1_item)
    out_user = jnp.zeros((N_USER, H), jnp.float32)
    out_item = jnp.zeros((N_ITEM, H), jnp.float32)
    # SAGEConv user -> item (mean aggregation, bipartite)
    src, dst = edge_index_user_to_item[0], edge_index_user_to_item[1]
    agg = _seg_mean(jnp.take(emb_user, src, axis=0), dst, N_ITEM)
    out_item = out_item + (agg @ Wl_ui + bl_ui + emb_item @ Wr_ui)
    # SAGEConv item -> user
    src, dst = edge_index_item_to_user[0], edge_index_item_to_user[1]
    agg = _seg_mean(jnp.take(emb_item, src, axis=0), dst, N_USER)
    out_user = out_user + (agg @ Wl_iu + bl_iu + emb_user @ Wr_iu)
    # GraphNorm + output projection per node type
    out_user = _graph_norm(out_user, gn_w_user, gn_b_user, gn_ms_user) @ W2_user + b2_user
    out_item = _graph_norm(out_item, gn_w_item, gn_b_item, gn_ms_item) @ W2_item + b2_item
    return (out_user, out_item)

if __name__ == "__main__":
    import jax
    _d = setup_inputs()
    print(jax.jit(kernel)(*tuple(_d.values())))

</pallas_src>

<mosaic_0001>
#map = affine_map<(d0, d1) -> (0, 0, 0)>
#map1 = affine_map<(d0, d1) -> (0)>
module attributes {stable_mosaic.version = 14 : i64} {
  func.func @_sc_cnt_body(%arg0: i32, %arg1: i32, %arg2: memref<32x81x128xi32, #tpu.memory_space<hbm>>, %arg3: memref<20000xf32, #tpu.memory_space<hbm>>, %arg4: memref<81x128xi32, #tpu.memory_space<vmem>>, %arg5: memref<128xf32, #tpu.memory_space<vmem>>, %arg6: memref<632xf32, #tpu.memory_space<vmem>>, %arg7: memref<10112xf32, #tpu.memory_space<vmem_shared>>) attributes {dimension_semantics = [#tpu.dimension_semantics<core_parallel>, #tpu.dimension_semantics<subcore_parallel>], iteration_bounds = array<i64: 2, 16>, scalar_prefetch = 0 : i64, scratch_operands = 4 : i64, tpu.core_type = #tpu.core_type<sc_vector_subcore>, window_params = [{transform_indices = #map}, {transform_indices = #map1}]} {
    %mul3A = arith.constant 16 : i32
    %mul3A_0 = arith.muli %arg0, %mul3A : i32
    %add3A = arith.addi %mul3A_0, %arg1 : i32
    "tpu.region"() ({
      %run_scoped3A = tpu.sem_alloc : memref<!tpu.dma_semaphore, #tpu.memory_space<semaphore_mem>>
      %dma_start3A = arith.constant 0 : i32
      %dma_start3A_31 = arith.constant 0 : i32
      %dma_start3A_32 = tpu.memref_slice %arg2[%add3A, %dma_start3A, %dma_start3A_31] : memref<32x81x128xi32, #tpu.memory_space<hbm>> -> memref<1x81x128xi32, #tpu.memory_space<hbm>>
      %dma_start3A_33 = tpu.memref_squeeze %dma_start3A_32 : memref<1x81x128xi32, #tpu.memory_space<hbm>> -> memref<81x128xi32, #tpu.memory_space<hbm>>
      %dma_start3A_34 = arith.constant 0 : i32
      %dma_start3A_35 = arith.constant 0 : i32
      %dma_start3A_36 = tpu.memref_slice %arg2[%add3A, %dma_start3A_34, %dma_start3A_35] : memref<32x81x128xi32, #tpu.memory_space<hbm>> -> memref<1x81x128xi32, #tpu.memory_space<hbm>>
      %dma_start3A_37 = tpu.memref_squeeze %dma_start3A_36 : memref<1x81x128xi32, #tpu.memory_space<hbm>> -> memref<81x128xi32, #tpu.memory_space<hbm>>
      tpu.enqueue_dma source(%dma_start3A_37 : memref<81x128xi32, #tpu.memory_space<hbm>>) target(%arg4 : memref<81x128xi32, #tpu.memory_space<vmem>>) target_semaphore(%run_scoped3A : memref<!tpu.dma_semaphore, #tpu.memory_space<semaphore_mem>>)
      %dma_wait3A = arith.constant 0 : i32
      %dma_wait3A_38 = arith.constant 0 : i32
      %dma_wait3A_39 = tpu.memref_slice %arg2[%add3A, %dma_wait3A, %dma_wait3A_38] : memref<32x81x128xi32, #tpu.memory_space<hbm>> -> memref<1x81x128xi32, #tpu.memory_space<hbm>>
      %dma_wait3A_40 = tpu.memref_squeeze %dma_wait3A_39 : memref<1x81x128xi32, #tpu.memory_space<hbm>> -> memref<81x128xi32, #tpu.memory_space<hbm>>
      %dma_wait3A_41 = arith.constant 0 : i32
      %dma_wait3A_42 = arith.constant 0 : i32
      %dma_wait3A_43 = tpu.memref_slice %arg2[%add3A, %dma_wait3A_41, %dma_wait3A_42] : memref<32x81x128xi32, #tpu.memory_space<hbm>> -> memref<1x81x128xi32, #tpu.memory_space<hbm>>
      %dma_wait3A_44 = tpu.memref_squeeze %dma_wait3A_43 : memref<1x81x128xi32, #tpu.memory_space<hbm>> -> memref<81x128xi32, #tpu.memory_space<hbm>>
      tpu.wait_dma2 semaphore(%run_scoped3A : memref<!tpu.dma_semaphore, #tpu.memory_space<semaphore_mem>>) src(%dma_wait3A_44 : memref<81x128xi32, #tpu.memory_space<hbm>>) dst(%arg4 : memref<81x128xi32, #tpu.memory_space<vmem>>)
      tpu.yield
    }) : () -> ()
    %scan3A = arith.constant 0 : i32
    %scan3A_1 = arith.constant 0 : i32
    %scan3A_2 = arith.constant 8 : i32
    %scan3A_3 = arith.addi %scan3A_1, %scan3A_2 : i32
    %scan3A_4 = arith.constant 1 : i32
    %scan3A_5 = scf.for %scan3A_31 = %scan3A_1 to %scan3A_3 step %scan3A_4 iter_args(%scan3A_32 = %scan3A) -> (i32)  : i32 {
      %broadcast_in_dim3A = arith.constant 1.000000e+00 : f32
      %broadcast_in_dim3A_33 = vector.broadcast %broadcast_in_dim3A : f32 to vector<16xf32>
      %mul3A_34 = arith.constant 16 : i32
      %mul3A_35 = arith.muli %scan3A_31, %mul3A_34 : i32
      %swap3A = arith.index_cast %mul3A_35 : i32 to index
      %swap3A_36 = tpu.vector_load %arg5[%swap3A] {strides = array<i32>} : memref<128xf32, #tpu.memory_space<vmem>>, vector<16xf32>,
      %swap3A_37 = vector.shape_cast %swap3A_36 : vector<16xf32> to vector<16xf32>
      %swap3A_38 = vector.shape_cast %broadcast_in_dim3A_33 : vector<16xf32> to vector<16xf32>
      tpu.vector_store %arg5[%swap3A], %swap3A_38 {strides = array<i32>} : memref<128xf32, #tpu.memory_space<vmem>>, vector<16xf32>,
      %scan3A_39 = arith.constant 0 : i32
      scf.yield %scan3A_39 : i32
    }
    %scan3A_6 = arith.constant 8 : i32
    %scan3A_7 = arith.constant 0 : i32
    %scan3A_8 = arith.constant 0 : i32
    %scan3A_9 = arith.constant 79 : i32
    %scan3A_10 = arith.addi %scan3A_8, %scan3A_9 : i32
    %scan3A_11 = arith.constant 1 : i32
    %scan3A_12 = scf.for %scan3A_31 = %scan3A_8 to %scan3A_10 step %scan3A_11 iter_args(%scan3A_32 = %scan3A_7) -> (i32)  : i32 {
      %broadcast_in_dim3A = arith.constant 0.000000e+00 : f32
      %broadcast_in_dim3A_33 = vector.broadcast %broadcast_in_dim3A : f32 to vector<16xf32>
      %mul3A_34 = arith.constant 16 : i32
      %mul3A_35 = arith.muli %scan3A_31, %mul3A_34 : i32
      %swap3A = arith.index_cast %mul3A_35 : i32 to index
      %swap3A_36 = tpu.vector_load %arg6[%swap3A] {strides = array<i32>} : memref<632xf32, #tpu.memory_space<vmem>>, vector<16xf32>,
      %swap3A_37 = vector.shape_cast %swap3A_36 : vector<16xf32> to vector<16xf32>
      %swap3A_38 = vector.shape_cast %broadcast_in_dim3A_33 : vector<16xf32> to vector<16xf32>
      tpu.vector_store %arg6[%swap3A], %swap3A_38 {strides = array<i32>} : memref<632xf32, #tpu.memory_space<vmem>>, vector<16xf32>,
      %scan3A_39 = arith.constant 0 : i32
      scf.yield %scan3A_39 : i32
    }
    %scan3A_13 = arith.constant 79 : i32
    %mul3A_14 = arith.constant 632 : i32
    %mul3A_15 = arith.muli %arg1, %mul3A_14 : i32
    "tpu.region"() ({
      %run_scoped3A = tpu.sem_alloc : memref<!tpu.dma_semaphore, #tpu.memory_space<semaphore_mem>>
      %dma_start3A = arith.constant 0 : i32
      %dma_start3A_31 = tpu.memref_slice %arg6[%dma_start3A] : memref<632xf32, #tpu.memory_space<vmem>> -> memref<632xf32, #tpu.memory_space<vmem>>
      %dma_start3A_32 = tpu.memref_slice %arg7[%mul3A_15] : memref<10112xf32, #tpu.memory_space<vmem_shared>> -> memref<632xf32, #tpu.memory_space<vmem_shared>>
      %dma_start3A_33 = tpu.memref_slice %arg7[%mul3A_15] : memref<10112xf32, #tpu.memory_space<vmem_shared>> -> memref<632xf32, #tpu.memory_space<vmem_shared>>
      %dma_start3A_34 = arith.constant 0 : i32
      %dma_start3A_35 = tpu.memref_slice %arg6[%dma_start3A_34] : memref<632xf32, #tpu.memory_space<vmem>> -> memref<632xf32, #tpu.memory_space<vmem>>
      tpu.enqueue_dma source(%dma_start3A_35 : memref<632xf32, #tpu.memory_space<vmem>>) target(%dma_start3A_33 : memref<632xf32, #tpu.memory_space<vmem_shared>>) target_semaphore(%run_scoped3A : memref<!tpu.dma_semaphore, #tpu.memory_space<semaphore_mem>>)
      %dma_wait3A = arith.constant 0 : i32
      %dma_wait3A_36 = tpu.memref_slice %arg6[%dma_wait3A] : memref<632xf32, #tpu.memory_space<vmem>> -> memref<632xf32, #tpu.memory_space<vmem>>
      %dma_wait3A_37 = tpu.memref_slice %arg7[%mul3A_15] : memref<10112xf32, #tpu.memory_space<vmem_shared>> -> memref<632xf32, #tpu.memory_space<vmem_shared>>
      %dma_wait3A_38 = tpu.memref_slice %arg7[%mul3A_15] : memref<10112xf32, #tpu.memory_space<vmem_shared>> -> memref<632xf32, #tpu.memory_space<vmem_shared>>
      %dma_wait3A_39 = arith.constant 0 : i32
      %dma_wait3A_40 = tpu.memref_slice %arg6[%dma_wait3A_39] : memref<632xf32, #tpu.memory_space<vmem>> -> memref<632xf32, #tpu.memory_space<vmem>>
      tpu.wait_dma2 semaphore(%run_scoped3A : memref<!tpu.dma_semaphore, #tpu.memory_space<semaphore_mem>>) src(%dma_wait3A_40 : memref<632xf32, #tpu.memory_space<vmem>>) dst(%dma_wait3A_38 : memref<632xf32, #tpu.memory_space<vmem_shared>>)
      tpu.yield
    }) : () -> ()
    %barrier3A = arith.constant 0 : index
    tpu.barrier barrier_id(%barrier3A)
    %scan3A_16 = arith.constant 0 : i32
    %scan3A_17 = arith.constant 0 : i32
    %scan3A_18 = arith.constant 81 : i32
    %scan3A_19 = arith.addi %scan3A_17, %scan3A_18 : i32
    %scan3A_20 = arith.constant 1 : i32
    %scan3A_21 = scf.for %scan3A_31 = %scan3A_17 to %scan3A_19 step %scan3A_20 iter_args(%scan3A_32 = %scan3A_16) -> (i32)  : i32 {
      "tpu.region"() ({
        %run_scoped3A = tpu.sem_alloc : memref<!tpu.dma_semaphore, #tpu.memory_space<semaphore_mem>>
        %dma_start3A = arith.constant 0 : i32
        %dma_start3A_34 = tpu.memref_slice %arg4[%scan3A_31, %dma_start3A] : memref<81x128xi32, #tpu.memory_space<vmem>> -> memref<1x128xi32, #tpu.memory_space<vmem>>
        %dma_start3A_35 = tpu.memref_squeeze %dma_start3A_34 : memref<1x128xi32, #tpu.memory_space<vmem>> -> memref<128xi32, #tpu.memory_space<vmem>>
        %dma_start3A_36 = arith.constant 0 : i32
        %dma_start3A_37 = tpu.memref_slice %arg7[%dma_start3A_36] : memref<10112xf32, #tpu.memory_space<vmem_shared>> -> memref<10112xf32, #tpu.memory_space<vmem_shared>>
        tpu.enqueue_indirect_dma source(%arg5 : memref<128xf32, #tpu.memory_space<vmem>>) target(%dma_start3A_37 : memref<10112xf32, #tpu.memory_space<vmem_shared>>) offsets(%dma_start3A_35 : memref<128xi32, #tpu.memory_space<vmem>>) semaphore(%run_scoped3A : memref<!tpu.dma_semaphore, #tpu.memory_space<semaphore_mem>>) {add = true}
        %dma_wait3A = arith.constant 0 : i32
        %dma_wait3A_38 = tpu.memref_slice %arg4[%scan3A_31, %dma_wait3A] : memref<81x128xi32, #tpu.memory_space<vmem>> -> memref<1x128xi32, #tpu.memory_space<vmem>>
        %dma_wait3A_39 = tpu.memref_squeeze %dma_wait3A_38 : memref<1x128xi32, #tpu.memory_space<vmem>> -> memref<128xi32, #tpu.memory_space<vmem>>
        %dma_wait3A_40 = arith.constant 0 : i32
        %dma_wait3A_41 = tpu.memref_slice %arg7[%dma_wait3A_40] : memref<10112xf32, #tpu.memory_space<vmem_shared>> -> memref<10112xf32, #tpu.memory_space<vmem_shared>>
        tpu.wait_indirect_dma semaphore(%run_scoped3A : memref<!tpu.dma_semaphore, #tpu.memory_space<semaphore_mem>>) src(%arg5 : memref<128xf32, #tpu.memory_space<vmem>>) dst(%dma_wait3A_41 : memref<10112xf32, #tpu.memory_space<vmem_shared>>)
        tpu.yield
      }) : () -> ()
      %scan3A_33 = arith.constant 0 : i32
      scf.yield %scan3A_33 : i32
    }
    %scan3A_22 = arith.constant 81 : i32
    %barrier3A_23 = arith.constant 0 : index
    tpu.barrier barrier_id(%barrier3A_23)
    %mul3A_24 = arith.constant 624 : i32
    %mul3A_25 = arith.muli %arg1, %mul3A_24 : i32
    %mul3A_26 = arith.constant 10000 : i32
    %mul3A_27 = arith.muli %arg0, %mul3A_26 : i32
    %add3A_28 = arith.addi %mul3A_27, %mul3A_25 : i32
    "tpu.region"() ({
      %run_scoped3A = tpu.sem_alloc : memref<!tpu.dma_semaphore, #tpu.memory_space<semaphore_mem>>
      %dma_start3A = tpu.memref_slice %arg3[%add3A_28] : memref<20000xf32, #tpu.memory_space<hbm>> -> memref<624xf32, #tpu.memory_space<hbm>>
      %dma_start3A_31 = tpu.memref_slice %arg7[%mul3A_25] : memref<10112xf32, #tpu.memory_space<vmem_shared>> -> memref<624xf32, #tpu.memory_space<vmem_shared>>
      tpu.enqueue_dma source(%dma_start3A_31 : memref<624xf32, #tpu.memory_space<vmem_shared>>) target(%dma_start3A : memref<624xf32, #tpu.memory_space<hbm>>) target_semaphore(%run_scoped3A : memref<!tpu.dma_semaphore, #tpu.memory_space<semaphore_mem>>)
      %dma_wait3A = tpu.memref_slice %arg3[%add3A_28] : memref<20000xf32, #tpu.memory_space<hbm>> -> memref<624xf32, #tpu.memory_space<hbm>>
      %dma_wait3A_32 = tpu.memref_slice %arg7[%mul3A_25] : memref<10112xf32, #tpu.memory_space<vmem_shared>> -> memref<624xf32, #tpu.memory_space<vmem_shared>>
      tpu.wait_dma2 semaphore(%run_scoped3A : memref<!tpu.dma_semaphore, #tpu.memory_space<semaphore_mem>>) src(%dma_wait3A_32 : memref<624xf32, #tpu.memory_space<vmem_shared>>) dst(%dma_wait3A : memref<624xf32, #tpu.memory_space<hbm>>)
      tpu.yield
    }) : () -> ()
    %eq3A = arith.constant 15 : i32
    %eq3A_29 = arith.cmpi eq, %arg1, %eq3A : i32
    %convert_element_type3A = arith.extui %eq3A_29 : i1 to i32
    %cond3A = arith.constant 0 : i32
    %cond3A_30 = arith.cmpi ne, %convert_element_type3A, %cond3A : i32
    scf.if %cond3A_30 {
      %mul3A_31 = arith.constant 10000 : i32
      %mul3A_32 = arith.muli %arg0, %mul3A_31 : i32
      %add3A_33 = arith.constant 9984 : i32
      %add3A_34 = arith.addi %mul3A_32, %add3A_33 : i32
      "tpu.region"() ({
        %run_scoped3A = tpu.sem_alloc : memref<!tpu.dma_semaphore, #tpu.memory_space<semaphore_mem>>
        %dma_start3A = tpu.memref_slice %arg3[%add3A_34] : memref<20000xf32, #tpu.memory_space<hbm>> -> memref<16xf32, #tpu.memory_space<hbm>>
        %dma_start3A_35 = arith.constant 9984 : i32
        %dma_start3A_36 = tpu.memref_slice %arg7[%dma_start3A_35] : memref<10112xf32, #tpu.memory_space<vmem_shared>> -> memref<16xf32, #tpu.memory_space<vmem_shared>>
        tpu.enqueue_dma source(%dma_start3A_36 : memref<16xf32, #tpu.memory_space<vmem_shared>>) target(%dma_start3A : memref<16xf32, #tpu.memory_space<hbm>>) target_semaphore(%run_scoped3A : memref<!tpu.dma_semaphore, #tpu.memory_space<semaphore_mem>>)
        %dma_wait3A = tpu.memref_slice %arg3[%add3A_34] : memref<20000xf32, #tpu.memory_space<hbm>> -> memref<16xf32, #tpu.memory_space<hbm>>
        %dma_wait3A_37 = arith.constant 9984 : i32
        %dma_wait3A_38 = tpu.memref_slice %arg7[%dma_wait3A_37] : memref<10112xf32, #tpu.memory_space<vmem_shared>> -> memref<16xf32, #tpu.memory_space<vmem_shared>>
        tpu.wait_dma2 semaphore(%run_scoped3A : memref<!tpu.dma_semaphore, #tpu.memory_space<semaphore_mem>>) src(%dma_wait3A_38 : memref<16xf32, #tpu.memory_space<vmem_shared>>) dst(%dma_wait3A : memref<16xf32, #tpu.memory_space<hbm>>)
        tpu.yield
      }) : () -> ()
    } else {
    }
    return
  }
}

#map = affine_map<(d0, d1) -> (0, 0, 0)>
#map1 = affine_map<(d0, d1) -> (0, 0)>
module attributes {stable_mosaic.version = 14 : i64} {
  func.func @_sc_seg_body(%arg0: i32, %arg1: i32, %arg2: memref<2x20000x128xf32, #tpu.memory_space<hbm>>, %arg3: memref<32x144x72xi32, #tpu.memory_space<hbm>>, %arg4: memref<16x144x72xi32, #tpu.memory_space<hbm>>, %arg5: memref<20000x128xf32, #tpu.memory_space<hbm>>, %arg6: memref<144x72xi32, #tpu.memory_space<vmem>>, %arg7: memref<144x72xi32, #tpu.memory_space<vmem>>, %arg8: memref<3x72x128xf32, #tpu.memory_space<vmem>>, %arg9: memref<10112x128xf32, #tpu.memory_space<vmem_shared>>, %arg10: memref<!tpu.dma_semaphore, #tpu.memory_space<semaphore_mem>>, %arg11: memref<!tpu.dma_semaphore, #tpu.memory_space<semaphore_mem>>, %arg12: memref<!tpu.dma_semaphore, #tpu.memory_space<semaphore_mem>>, %arg13: memref<!tpu.dma_semaphore, #tpu.memory_space<semaphore_mem>>, %arg14: memref<!tpu.dma_semaphore, #tpu.memory_space<semaphore_mem>>, %arg15: memref<!tpu.dma_semaphore, #tpu.memory_space<semaphore_mem>>) attributes {dimension_semantics = [#tpu.dimension_semantics<core_parallel>, #tpu.dimension_semantics<subcore_parallel>], iteration_bounds = array<i64: 2, 16>, scalar_prefetch = 0 : i64, scratch_operands = 10 : i64, tpu.core_type = #tpu.core_type<sc_vector_subcore>, window_params = [{transform_indices = #map}, {transform_indices = #map}, {transform_indices = #map}, {transform_indices = #map1}]} {
    %mul3A = arith.constant 16 : i32
    %mul3A_0 = arith.muli %arg0, %mul3A : i32
    %add3A = arith.addi %mul3A_0, %arg1 : i32
    "tpu.region"() ({
      %run_scoped3A_123 = tpu.sem_alloc : memref<!tpu.dma_semaphore, #tpu.memory_space<semaphore_mem>>
      %dma_start3A_124 = arith.constant 0 : i32
      %dma_start3A_125 = arith.constant 0 : i32
      %dma_start3A_126 = tpu.memref_slice %arg3[%add3A, %dma_start3A_124, %dma_start3A_125] : memref<32x144x72xi32, #tpu.memory_space<hbm>> -> memref<1x144x72xi32, #tpu.memory_space<hbm>>
      %dma_start3A_127 = tpu.memref_squeeze %dma_start3A_126 : memref<1x144x72xi32, #tpu.memory_space<hbm>> -> memref<144x72xi32, #tpu.memory_space<hbm>>
      %dma_start3A_128 = arith.constant 0 : i32
      %dma_start3A_129 = arith.constant 0 : i32
      %dma_start3A_130 = tpu.memref_slice %arg3[%add3A, %dma_start3A_128, %dma_start3A_129] : memref<32x144x72xi32, #tpu.memory_space<hbm>> -> memref<1x144x72xi32, #tpu.memory_space<hbm>>
      %dma_start3A_131 = tpu.memref_squeeze %dma_start3A_130 : memref<1x144x72xi32, #tpu.memory_space<hbm>> -> memref<144x72xi32, #tpu.memory_space<hbm>>
      tpu.enqueue_dma source(%dma_start3A_131 : memref<144x72xi32, #tpu.memory_space<hbm>>) target(%arg6 : memref<144x72xi32, #tpu.memory_space<vmem>>) target_semaphore(%run_scoped3A_123 : memref<!tpu.dma_semaphore, #tpu.memory_space<semaphore_mem>>)
      %dma_wait3A_132 = arith.constant 0 : i32
      %dma_wait3A_133 = arith.constant 0 : i32
      %dma_wait3A_134 = tpu.memref_slice %arg3[%add3A, %dma_wait3A_132, %dma_wait3A_133] : memref<32x144x72xi32, #tpu.memory_space<hbm>> -> memref<1x144x72xi32, #tpu.memory_space<hbm>>
      %dma_wait3A_135 = tpu.memref_squeeze %dma_wait3A_134 : memref<1x144x72xi32, #tpu.memory_space<hbm>> -> memref<144x72xi32, #tpu.memory_space<hbm>>
      %dma_wait3A_136 = arith.constant 0 : i32
      %dma_wait3A_137 = arith.constant 0 : i32
      %dma_wait3A_138 = tpu.memref_slice %arg3[%add3A, %dma_wait3A_136, %dma_wait3A_137] : memref<32x144x72xi32, #tpu.memory_space<hbm>> -> memref<1x144x72xi32, #tpu.memory_space<hbm>>
      %dma_wait3A_139 = tpu.memref_squeeze %dma_wait3A_138 : memref<1x144x72xi32, #tpu.memory_space<hbm>> -> memref<144x72xi32, #tpu.memory_space<hbm>>
      tpu.wait_dma2 semaphore(%run_scoped3A_123 : memref<!tpu.dma_semaphore, #tpu.memory_space<semaphore_mem>>) src(%dma_wait3A_139 : memref<144x72xi32, #tpu.memory_space<hbm>>) dst(%arg6 : memref<144x72xi32, #tpu.memory_space<vmem>>)
      tpu.yield
    }) : () -> ()
    "tpu.region"() ({
      %run_scoped3A_123 = tpu.sem_alloc : memref<!tpu.dma_semaphore, #tpu.memory_space<semaphore_mem>>
      %dma_start3A_124 = arith.constant 0 : i32
      %dma_start3A_125 = arith.constant 0 : i32
      %dma_start3A_126 = tpu.memref_slice %arg4[%arg1, %dma_start3A_124, %dma_start3A_125] : memref<16x144x72xi32, #tpu.memory_space<hbm>> -> memref<1x144x72xi32, #tpu.memory_space<hbm>>
      %dma_start3A_127 = tpu.memref_squeeze %dma_start3A_126 : memref<1x144x72xi32, #tpu.memory_space<hbm>> -> memref<144x72xi32, #tpu.memory_space<hbm>>
      %dma_start3A_128 = arith.constant 0 : i32
      %dma_start3A_129 = arith.constant 0 : i32
      %dma_start3A_130 = tpu.memref_slice %arg4[%arg1, %dma_start3A_128, %dma_start3A_129] : memref<16x144x72xi32, #tpu.memory_space<hbm>> -> memref<1x144x72xi32, #tpu.memory_space<hbm>>
      %dma_start3A_131 = tpu.memref_squeeze %dma_start3A_130 : memref<1x144x72xi32, #tpu.memory_space<hbm>> -> memref<144x72xi32, #tpu.memory_space<hbm>>
      tpu.enqueue_dma source(%dma_start3A_131 : memref<144x72xi32, #tpu.memory_space<hbm>>) target(%arg7 : memref<144x72xi32, #tpu.memory_space<vmem>>) target_semaphore(%run_scoped3A_123 : memref<!tpu.dma_semaphore, #tpu.memory_space<semaphore_mem>>)
      %dma_wait3A_132 = arith.constant 0 : i32
      %dma_wait3A_133 = arith.constant 0 : i32
      %dma_wait3A_134 = tpu.memref_slice %arg4[%arg1, %dma_wait3A_132, %dma_wait3A_133] : memref<16x144x72xi32, #tpu.memory_space<hbm>> -> memref<1x144x72xi32, #tpu.memory_space<hbm>>
      %dma_wait3A_135 = tpu.memref_squeeze %dma_wait3A_134 : memref<1x144x72xi32, #tpu.memory_space<hbm>> -> memref<144x72xi32, #tpu.memory_space<hbm>>
      %dma_wait3A_136 = arith.constant 0 : i32
      %dma_wait3A_137 = arith.constant 0 : i32
      %dma_wait3A_138 = tpu.memref_slice %arg4[%arg1, %dma_wait3A_136, %dma_wait3A_137] : memref<16x144x72xi32, #tpu.memory_space<hbm>> -> memref<1x144x72xi32, #tpu.memory_space<hbm>>
      %dma_wait3A_139 = tpu.memref_squeeze %dma_wait3A_138 : memref<1x144x72xi32, #tpu.memory_space<hbm>> -> memref<144x72xi32, #tpu.memory_space<hbm>>
      tpu.wait_dma2 semaphore(%run_scoped3A_123 : memref<!tpu.dma_semaphore, #tpu.memory_space<semaphore_mem>>) src(%dma_wait3A_139 : memref<144x72xi32, #tpu.memory_space<hbm>>) dst(%arg7 : memref<144x72xi32, #tpu.memory_space<vmem>>)
      tpu.yield
    }) : () -> ()
    %dma_start3A = arith.constant 1 : i32
    %dma_start3A_1 = arith.constant 0 : i32
    %dma_start3A_2 = arith.constant 0 : i32
    %dma_start3A_3 = arith.constant 0 : i32
    %dma_start3A_4 = arith.constant 0 : i32
    %dma_start3A_5 = tpu.memref_slice %arg8[%dma_start3A_2, %dma_start3A_3, %dma_start3A_4] : memref<3x72x128xf32, #tpu.memory_space<vmem>> -> memref<1x72x128xf32, #tpu.memory_space<vmem>>
    %dma_start3A_6 = tpu.memref_squeeze %dma_start3A_5 : memref<1x72x128xf32, #tpu.memory_space<vmem>> -> memref<72x128xf32, #tpu.memory_space<vmem>>
    %dma_start3A_7 = arith.constant 0 : i32
    %dma_start3A_8 = tpu.memref_slice %arg6[%dma_start3A_1, %dma_start3A_7] : memref<144x72xi32, #tpu.memory_space<vmem>> -> memref<1x72xi32, #tpu.memory_space<vmem>>
    %dma_start3A_9 = tpu.memref_squeeze %dma_start3A_8 : memref<1x72xi32, #tpu.memory_space<vmem>> -> memref<72xi32, #tpu.memory_space<vmem>>
    %dma_start3A_10 = arith.constant 0 : i32
    %dma_start3A_11 = arith.constant 0 : i32
    %dma_start3A_12 = tpu.memref_slice %arg2[%dma_start3A, %dma_start3A_10, %dma_start3A_11] : memref<2x20000x128xf32, #tpu.memory_space<hbm>> -> memref<1x20000x128xf32, #tpu.memory_space<hbm>>
    %dma_start3A_13 = tpu.memref_squeeze %dma_start3A_12 : memref<1x20000x128xf32, #tpu.memory_space<hbm>> -> memref<20000x128xf32, #tpu.memory_space<hbm>>
    %dma_start3A_14 = arith.constant 0 : i32
    %dma_start3A_15 = arith.constant 0 : i32
    %dma_start3A_16 = tpu.memref_slice %dma_start3A_13[%dma_start3A_14, %dma_start3A_15] : memref<20000x128xf32, #tpu.memory_space<hbm>> -> memref<20000x128xf32, #tpu.memory_space<hbm>>
    tpu.enqueue_indirect_dma source(%dma_start3A_16 : memref<20000x128xf32, #tpu.memory_space<hbm>>) target(%dma_start3A_6 : memref<72x128xf32, #tpu.memory_space<vmem>>) offsets(%dma_start3A_9 : memref<72xi32, #tpu.memory_space<vmem>>) semaphore(%arg10 : memref<!tpu.dma_semaphore, #tpu.memory_space<semaphore_mem>>)
    %scan3A = arith.constant 0 : i32
    %scan3A_17 = arith.constant 0 : i32
    %scan3A_18 = arith.constant 72 : i32
    %scan3A_19 = arith.addi %scan3A_17, %scan3A_18 : i32
    %scan3A_20 = arith.constant 1 : i32
    %scan3A_21 = scf.for %scan3A_123 = %scan3A_17 to %scan3A_19 step %scan3A_20 iter_args(%scan3A_124 = %scan3A) -> (i32)  : i32 {
      %broadcast_in_dim3A = arith.constant 0.000000e+00 : f32
      %broadcast_in_dim3A_125 = vector.broadcast %broadcast_in_dim3A : f32 to vector<16xf32>
      %swap3A = arith.constant 2 : i32
      %swap3A_126 = arith.index_cast %swap3A : i32 to index
      %swap3A_127 = arith.index_cast %scan3A_123 : i32 to index
      %swap3A_128 = arith.constant 0 : index
      %swap3A_129 = tpu.vector_load %arg8[%swap3A_126, %swap3A_127, %swap3A_128] {strides = array<i32>} : memref<3x72x128xf32, #tpu.memory_space<vmem>>, vector<1x1x16xf32>,
      %swap3A_130 = vector.shape_cast %swap3A_129 : vector<1x1x16xf32> to vector<16xf32>
      %swap3A_131 = vector.shape_cast %broadcast_in_dim3A_125 : vector<16xf32> to vector<1x1x16xf32>
      tpu.vector_store %arg8[%swap3A_126, %swap3A_127, %swap3A_128], %swap3A_131 {strides = array<i32>} : memref<3x72x128xf32, #tpu.memory_space<vmem>>, vector<1x1x16xf32>,
      %broadcast_in_dim3A_132 = arith.constant 0.000000e+00 : f32
      %broadcast_in_dim3A_133 = vector.broadcast %broadcast_in_dim3A_132 : f32 to vector<16xf32>
      %swap3A_134 = arith.constant 2 : i32
      %swap3A_135 = arith.index_cast %swap3A_134 : i32 to index
      %swap3A_136 = arith.index_cast %scan3A_123 : i32 to index
      %swap3A_137 = arith.constant 16 : index
      %swap3A_138 = tpu.vector_load %arg8[%swap3A_135, %swap3A_136, %swap3A_137] {strides = array<i32>} : memref<3x72x128xf32, #tpu.memory_space<vmem>>, vector<1x1x16xf32>,
      %swap3A_139 = vector.shape_cast %swap3A_138 : vector<1x1x16xf32> to vector<16xf32>
      %swap3A_140 = vector.shape_cast %broadcast_in_dim3A_133 : vector<16xf32> to vector<1x1x16xf32>
      tpu.vector_store %arg8[%swap3A_135, %swap3A_136, %swap3A_137], %swap3A_140 {strides = array<i32>} : memref<3x72x128xf32, #tpu.memory_space<vmem>>, vector<1x1x16xf32>,
      %broadcast_in_dim3A_141 = arith.constant 0.000000e+00 : f32
      %broadcast_in_dim3A_142 = vector.broadcast %broadcast_in_dim3A_141 : f32 to vector<16xf32>
      %swap3A_143 = arith.constant 2 : i32
      %swap3A_144 = arith.index_cast %swap3A_143 : i32 to index
      %swap3A_145 = arith.index_cast %scan3A_123 : i32 to index
      %swap3A_146 = arith.constant 32 : index
      %swap3A_147 = tpu.vector_load %arg8[%swap3A_144, %swap3A_145, %swap3A_146] {strides = array<i32>} : memref<3x72x128xf32, #tpu.memory_space<vmem>>, vector<1x1x16xf32>,
      %swap3A_148 = vector.shape_cast %swap3A_147 : vector<1x1x16xf32> to vector<16xf32>
      %swap3A_149 = vector.shape_cast %broadcast_in_dim3A_142 : vector<16xf32> to vector<1x1x16xf32>
      tpu.vector_store %arg8[%swap3A_144, %swap3A_145, %swap3A_146], %swap3A_149 {strides = array<i32>} : memref<3x72x128xf32, #tpu.memory_space<vmem>>, vector<1x1x16xf32>,
      %broadcast_in_dim3A_150 = arith.constant 0.000000e+00 : f32
      %broadcast_in_dim3A_151 = vector.broadcast %broadcast_in_dim3A_150 : f32 to vector<16xf32>
      %swap3A_152 = arith.constant 2 : i32
      %swap3A_153 = arith.index_cast %swap3A_152 : i32 to index
      %swap3A_154 = arith.index_cast %scan3A_123 : i32 to index
      %swap3A_155 = arith.constant 48 : index
      %swap3A_156 = tpu.vector_load %arg8[%swap3A_153, %swap3A_154, %swap3A_155] {strides = array<i32>} : memref<3x72x128xf32, #tpu.memory_space<vmem>>, vector<1x1x16xf32>,
      %swap3A_157 = vector.shape_cast %swap3A_156 : vector<1x1x16xf32> to vector<16xf32>
      %swap3A_158 = vector.shape_cast %broadcast_in_dim3A_151 : vector<16xf32> to vector<1x1x16xf32>
      tpu.vector_store %arg8[%swap3A_153, %swap3A_154, %swap3A_155], %swap3A_158 {strides = array<i32>} : memref<3x72x128xf32, #tpu.memory_space<vmem>>, vector<1x1x16xf32>,
      %broadcast_in_dim3A_159 = arith.constant 0.000000e+00 : f32
      %broadcast_in_dim3A_160 = vector.broadcast %broadcast_in_dim3A_159 : f32 to vector<16xf32>
      %swap3A_161 = arith.constant 2 : i32
      %swap3A_162 = arith.index_cast %swap3A_161 : i32 to index
      %swap3A_163 = arith.index_cast %scan3A_123 : i32 to index
      %swap3A_164 = arith.constant 64 : index
      %swap3A_165 = tpu.vector_load %arg8[%swap3A_162, %swap3A_163, %swap3A_164] {strides = array<i32>} : memref<3x72x128xf32, #tpu.memory_space<vmem>>, vector<1x1x16xf32>,
      %swap3A_166 = vector.shape_cast %swap3A_165 : vector<1x1x16xf32> to vector<16xf32>
      %swap3A_167 = vector.shape_cast %broadcast_in_dim3A_160 : vector<16xf32> to vector<1x1x16xf32>
      tpu.vector_store %arg8[%swap3A_162, %swap3A_163, %swap3A_164], %swap3A_167 {strides = array<i32>} : memref<3x72x128xf32, #tpu.memory_space<vmem>>, vector<1x1x16xf32>,
      %broadcast_in_dim3A_168 = arith.constant 0.000000e+00 : f32
      %broadcast_in_dim3A_169 = vector.broadcast %broadcast_in_dim3A_168 : f32 to vector<16xf32>
      %swap3A_170 = arith.constant 2 : i32
      %swap3A_171 = arith.index_cast %swap3A_170 : i32 to index
      %swap3A_172 = arith.index_cast %scan3A_123 : i32 to index
      %swap3A_173 = arith.constant 80 : index
      %swap3A_174 = tpu.vector_load %arg8[%swap3A_171, %swap3A_172, %swap3A_173] {strides = array<i32>} : memref<3x72x128xf32, #tpu.memory_space<vmem>>, vector<1x1x16xf32>,
      %swap3A_175 = vector.shape_cast %swap3A_174 : vector<1x1x16xf32> to vector<16xf32>
      %swap3A_176 = vector.shape_cast %broadcast_in_dim3A_169 : vector<16xf32> to vector<1x1x16xf32>
      tpu.vector_store %arg8[%swap3A_171, %swap3A_172, %swap3A_173], %swap3A_176 {strides = array<i32>} : memref<3x72x128xf32, #tpu.memory_space<vmem>>, vector<1x1x16xf32>,
      %broadcast_in_dim3A_177 = arith.constant 0.000000e+00 : f32
      %broadcast_in_dim3A_178 = vector.broadcast %broadcast_in_dim3A_177 : f32 to vector<16xf32>
      %swap3A_179 = arith.constant 2 : i32
      %swap3A_180 = arith.index_cast %swap3A_179 : i32 to index
      %swap3A_181 = arith.index_cast %scan3A_123 : i32 to index
      %swap3A_182 = arith.constant 96 : index
      %swap3A_183 = tpu.vector_load %arg8[%swap3A_180, %swap3A_181, %swap3A_182] {strides = array<i32>} : memref<3x72x128xf32, #tpu.memory_space<vmem>>, vector<1x1x16xf32>,
      %swap3A_184 = vector.shape_cast %swap3A_183 : vector<1x1x16xf32> to vector<16xf32>
      %swap3A_185 = vector.shape_cast %broadcast_in_dim3A_178 : vector<16xf32> to vector<1x1x16xf32>
      tpu.vector_store %arg8[%swap3A_180, %swap3A_181, %swap3A_182], %swap3A_185 {strides = array<i32>} : memref<3x72x128xf32, #tpu.memory_space<vmem>>, vector<1x1x16xf32>,
      %broadcast_in_dim3A_186 = arith.constant 0.000000e+00 : f32
      %broadcast_in_dim3A_187 = vector.broadcast %broadcast_in_dim3A_186 : f32 to vector<16xf32>
      %swap3A_188 = arith.constant 2 : i32
      %swap3A_189 = arith.index_cast %swap3A_188 : i32 to index
      %swap3A_190 = arith.index_cast %scan3A_123 : i32 to index
      %swap3A_191 = arith.constant 112 : index
      %swap3A_192 = tpu.vector_load %arg8[%swap3A_189, %swap3A_190, %swap3A_191] {strides = array<i32>} : memref<3x72x128xf32, #tpu.memory_space<vmem>>, vector<1x1x16xf32>,
      %swap3A_193 = vector.shape_cast %swap3A_192 : vector<1x1x16xf32> to vector<16xf32>
      %swap3A_194 = vector.shape_cast %broadcast_in_dim3A_187 : vector<16xf32> to vector<1x1x16xf32>
      tpu.vector_store %arg8[%swap3A_189, %swap3A_190, %swap3A_191], %swap3A_194 {strides = array<i32>} : memref<3x72x128xf32, #tpu.memory_space<vmem>>, vector<1x1x16xf32>,
      %scan3A_195 = arith.constant 0 : i32
      scf.yield %scan3A_195 : i32
    }
    %scan3A_22 = arith.constant 72 : i32
    %mul3A_23 = arith.constant 632 : i32
    %mul3A_24 = arith.muli %arg1, %mul3A_23 : i32
    %add3A_25 = arith.constant 0 : i32
    %add3A_26 = arith.addi %mul3A_24, %add3A_25 : i32
    %run_scoped3A = arith.constant 2 : i32
    "tpu.region"() ({
      %run_scoped3A_123 = tpu.sem_alloc : memref<!tpu.dma_semaphore, #tpu.memory_space<semaphore_mem>>
      %dma_start3A_124 = arith.constant 0 : i32
      %dma_start3A_125 = arith.constant 0 : i32
      %dma_start3A_126 = tpu.memref_slice %arg8[%run_scoped3A, %dma_start3A_124, %dma_start3A_125] : memref<3x72x128xf32, #tpu.memory_space<vmem>> -> memref<1x72x128xf32, #tpu.memory_space<vmem>>
      %dma_start3A_127 = tpu.memref_squeeze %dma_start3A_126 : memref<1x72x128xf32, #tpu.memory_space<vmem>> -> memref<72x128xf32, #tpu.memory_space<vmem>>
      %dma_start3A_128 = arith.constant 0 : i32
      %dma_start3A_129 = tpu.memref_slice %arg9[%add3A_26, %dma_start3A_128] : memref<10112x128xf32, #tpu.memory_space<vmem_shared>> -> memref<72x128xf32, #tpu.memory_space<vmem_shared>>
      %dma_start3A_130 = arith.constant 0 : i32
      %dma_start3A_131 = tpu.memref_slice %arg9[%add3A_26, %dma_start3A_130] : memref<10112x128xf32, #tpu.memory_space<vmem_shared>> -> memref<72x128xf32, #tpu.memory_space<vmem_shared>>
      %dma_start3A_132 = arith.constant 0 : i32
      %dma_start3A_133 = arith.constant 0 : i32
      %dma_start3A_134 = tpu.memref_slice %arg8[%run_scoped3A, %dma_start3A_132, %dma_start3A_133] : memref<3x72x128xf32, #tpu.memory_space<vmem>> -> memref<1x72x128xf32, #tpu.memory_space<vmem>>
      %dma_start3A_135 = tpu.memref_squeeze %dma_start3A_134 : memref<1x72x128xf32, #tpu.memory_space<vmem>> -> memref<72x128xf32, #tpu.memory_space<vmem>>
      tpu.enqueue_dma source(%dma_start3A_135 : memref<72x128xf32, #tpu.memory_space<vmem>>) target(%dma_start3A_131 : memref<72x128xf32, #tpu.memory_space<vmem_shared>>) target_semaphore(%run_scoped3A_123 : memref<!tpu.dma_semaphore, #tpu.memory_space<semaphore_mem>>)
      %dma_wait3A_136 = arith.constant 0 : i32
      %dma_wait3A_137 = arith.constant 0 : i32
      %dma_wait3A_138 = tpu.memref_slice %arg8[%run_scoped3A, %dma_wait3A_136, %dma_wait3A_137] : memref<3x72x128xf32, #tpu.memory_space<vmem>> -> memref<1x72x128xf32, #tpu.memory_space<vmem>>
      %dma_wait3A_139 = tpu.memref_squeeze %dma_wait3A_138 : memref<1x72x128xf32, #tpu.memory_space<vmem>> -> memref<72x128xf32, #tpu.memory_space<vmem>>
      %dma_wait3A_140 = arith.constant 0 : i32
      %dma_wait3A_141 = tpu.memref_slice %arg9[%add3A_26, %dma_wait3A_140] : memref<10112x128xf32, #tpu.memory_space<vmem_shared>> -> memref<72x128xf32, #tpu.memory_space<vmem_shared>>
      %dma_wait3A_142 = arith.constant 0 : i32
      %dma_wait3A_143 = tpu.memref_slice %arg9[%add3A_26, %dma_wait3A_142] : memref<10112x128xf32, #tpu.memory_space<vmem_shared>> -> memref<72x128xf32, #tpu.memory_space<vmem_shared>>
      %dma_wait3A_144 = arith.constant 0 : i32
      %dma_wait3A_145 = arith.constant 0 : i32
      %dma_wait3A_146 = tpu.memref_slice %arg8[%run_scoped3A, %dma_wait3A_144, %dma_wait3A_145] : memref<3x72x128xf32, #tpu.memory_space<vmem>> -> memref<1x72x128xf32, #tpu.memory_space<vmem>>
      %dma_wait3A_147 = tpu.memref_squeeze %dma_wait3A_146 : memref<1x72x128xf32, #tpu.memory_space<vmem>> -> memref<72x128xf32, #tpu.memory_space<vmem>>
      tpu.wait_dma2 semaphore(%run_scoped3A_123 : memref<!tpu.dma_semaphore, #tpu.memory_space<semaphore_mem>>) src(%dma_wait3A_147 : memref<72x128xf32, #tpu.memory_space<vmem>>) dst(%dma_wait3A_143 : memref<72x128xf32, #tpu.memory_space<vmem_shared>>)
      tpu.yield
    }) : () -> ()
    %mul3A_27 = arith.constant 632 : i32
    %mul3A_28 = arith.muli %arg1, %mul3A_27 : i32
    %add3A_29 = arith.constant 72 : i32
    %add3A_30 = arith.addi %mul3A_28, %add3A_29 : i32
    %run_scoped3A_31 = arith.constant 2 : i32
    "tpu.region"() ({
      %run_scoped3A_123 = tpu.sem_alloc : memref<!tpu.dma_semaphore, #tpu.memory_space<semaphore_mem>>
      %dma_start3A_124 = arith.constant 0 : i32
      %dma_start3A_125 = arith.constant 0 : i32
      %dma_start3A_126 = tpu.memref_slice %arg8[%run_scoped3A_31, %dma_start3A_124, %dma_start3A_125] : memref<3x72x128xf32, #tpu.memory_space<vmem>> -> memref<1x72x128xf32, #tpu.memory_space<vmem>>
      %dma_start3A_127 = tpu.memref_squeeze %dma_start3A_126 : memref<1x72x128xf32, #tpu.memory_space<vmem>> -> memref<72x128xf32, #tpu.memory_space<vmem>>
      %dma_start3A_128 = arith.constant 0 : i32
      %dma_start3A_129 = tpu.memref_slice %arg9[%add3A_30, %dma_start3A_128] : memref<10112x128xf32, #tpu.memory_space<vmem_shared>> -> memref<72x128xf32, #tpu.memory_space<vmem_shared>>
      %dma_start3A_130 = arith.constant 0 : i32
      %dma_start3A_131 = tpu.memref_slice %arg9[%add3A_30, %dma_start3A_130] : memref<10112x128xf32, #tpu.memory_space<vmem_shared>> -> memref<72x128xf32, #tpu.memory_space<vmem_shared>>
      %dma_start3A_132 = arith.constant 0 : i32
      %dma_start3A_133 = arith.constant 0 : i32
      %dma_start3A_134 = tpu.memref_slice %arg8[%run_scoped3A_31, %dma_start3A_132, %dma_start3A_133] : memref<3x72x128xf32, #tpu.memory_space<vmem>> -> memref<1x72x128xf32, #tpu.memory_space<vmem>>
      %dma_start3A_135 = tpu.memref_squeeze %dma_start3A_134 : memref<1x72x128xf32, #tpu.memory_space<vmem>> -> memref<72x128xf32, #tpu.memory_space<vmem>>
      tpu.enqueue_dma source(%dma_start3A_135 : memref<72x128xf32, #tpu.memory_space<vmem>>) target(%dma_start3A_131 : memref<72x128xf32, #tpu.memory_space<vmem_shared>>) target_semaphore(%run_scoped3A_123 : memref<!tpu.dma_semaphore, #tpu.memory_space<semaphore_mem>>)
      %dma_wait3A_136 = arith.constant 0 : i32
      %dma_wait3A_137 = arith.constant 0 : i32
      %dma_wait3A_138 = tpu.memref_slice %arg8[%run_scoped3A_31, %dma_wait3A_136, %dma_wait3A_137] : memref<3x72x128xf32, #tpu.memory_space<vmem>> -> memref<1x72x128xf32, #tpu.memory_space<vmem>>
      %dma_wait3A_139 = tpu.memref_squeeze %dma_wait3A_138 : memref<1x72x128xf32, #tpu.memory_space<vmem>> -> memref<72x128xf32, #tpu.memory_space<vmem>>
      %dma_wait3A_140 = arith.constant 0 : i32
      %dma_wait3A_141 = tpu.memref_slice %arg9[%add3A_30, %dma_wait3A_140] : memref<10112x128xf32, #tpu.memory_space<vmem_shared>> -> memref<72x128xf32, #tpu.memory_space<vmem_shared>>
      %dma_wait3A_142 = arith.constant 0 : i32
      %dma_wait3A_143 = tpu.memref_slice %arg9[%add3A_30, %dma_wait3A_142] : memref<10112x128xf32, #tpu.memory_space<vmem_shared>> -> memref<72x128xf32, #tpu.memory_space<vmem_shared>>
      %dma_wait3A_144 = arith.constant 0 : i32
      %dma_wait3A_145 = arith.constant 0 : i32
      %dma_wait3A_146 = tpu.memref_slice %arg8[%run_scoped3A_31, %dma_wait3A_144, %dma_wait3A_145] : memref<3x72x128xf32, #tpu.memory_space<vmem>> -> memref<1x72x128xf32, #tpu.memory_space<vmem>>
      %dma_wait3A_147 = tpu.memref_squeeze %dma_wait3A_146 : memref<1x72x128xf32, #tpu.memory_space<vmem>> -> memref<72x128xf32, #tpu.memory_space<vmem>>
      tpu.wait_dma2 semaphore(%run_scoped3A_123 : memref<!tpu.dma_semaphore, #tpu.memory_space<semaphore_mem>>) src(%dma_wait3A_147 : memref<72x128xf32, #tpu.memory_space<vmem>>) dst(%dma_wait3A_143 : memref<72x128xf32, #tpu.memory_space<vmem_shared>>)
      tpu.yield
    }) : () -> ()
    %mul3A_32 = arith.constant 632 : i32
    %mul3A_33 = arith.muli %arg1, %mul3A_32 : i32
    %add3A_34 = arith.constant 144 : i32
    %add3A_35 = arith.addi %mul3A_33, %add3A_34 : i32
    %run_scoped3A_36 = arith.constant 2 : i32
    "tpu.region"() ({
      %run_scoped3A_123 = tpu.sem_alloc : memref<!tpu.dma_semaphore, #tpu.memory_space<semaphore_mem>>
      %dma_start3A_124 = arith.constant 0 : i32
      %dma_start3A_125 = arith.constant 0 : i32
      %dma_start3A_126 = tpu.memref_slice %arg8[%run_scoped3A_36, %dma_start3A_124, %dma_start3A_125] : memref<3x72x128xf32, #tpu.memory_space<vmem>> -> memref<1x72x128xf32, #tpu.memory_space<vmem>>
      %dma_start3A_127 = tpu.memref_squeeze %dma_start3A_126 : memref<1x72x128xf32, #tpu.memory_space<vmem>> -> memref<72x128xf32, #tpu.memory_space<vmem>>
      %dma_start3A_128 = arith.constant 0 : i32
      %dma_start3A_129 = tpu.memref_slice %arg9[%add3A_35, %dma_start3A_128] : memref<10112x128xf32, #tpu.memory_space<vmem_shared>> -> memref<72x128xf32, #tpu.memory_space<vmem_shared>>
      %dma_start3A_130 = arith.constant 0 : i32
      %dma_start3A_131 = tpu.memref_slice %arg9[%add3A_35, %dma_start3A_130] : memref<10112x128xf32, #tpu.memory_space<vmem_shared>> -> memref<72x128xf32, #tpu.memory_space<vmem_shared>>
      %dma_start3A_132 = arith.constant 0 : i32
      %dma_start3A_133 = arith.constant 0 : i32
      %dma_start3A_134 = tpu.memref_slice %arg8[%run_scoped3A_36, %dma_start3A_132, %dma_start3A_133] : memref<3x72x128xf32, #tpu.memory_space<vmem>> -> memref<1x72x128xf32, #tpu.memory_space<vmem>>
      %dma_start3A_135 = tpu.memref_squeeze %dma_start3A_134 : memref<1x72x128xf32, #tpu.memory_space<vmem>> -> memref<72x128xf32, #tpu.memory_space<vmem>>
      tpu.enqueue_dma source(%dma_start3A_135 : memref<72x128xf32, #tpu.memory_space<vmem>>) target(%dma_start3A_131 : memref<72x128xf32, #tpu.memory_space<vmem_shared>>) target_semaphore(%run_scoped3A_123 : memref<!tpu.dma_semaphore, #tpu.memory_space<semaphore_mem>>)
      %dma_wait3A_136 = arith.constant 0 : i32
      %dma_wait3A_137 = arith.constant 0 : i32
      %dma_wait3A_138 = tpu.memref_slice %arg8[%run_scoped3A_36, %dma_wait3A_136, %dma_wait3A_137] : memref<3x72x128xf32, #tpu.memory_space<vmem>> -> memref<1x72x128xf32, #tpu.memory_space<vmem>>
      %dma_wait3A_139 = tpu.memref_squeeze %dma_wait3A_138 : memref<1x72x128xf32, #tpu.memory_space<vmem>> -> memref<72x128xf32, #tpu.memory_space<vmem>>
      %dma_wait3A_140 = arith.constant 0 : i32
      %dma_wait3A_141 = tpu.memref_slice %arg9[%add3A_35, %dma_wait3A_140] : memref<10112x128xf32, #tpu.memory_space<vmem_shared>> -> memref<72x128xf32, #tpu.memory_space<vmem_shared>>
      %dma_wait3A_142 = arith.constant 0 : i32
      %dma_wait3A_143 = tpu.memref_slice %arg9[%add3A_35, %dma_wait3A_142] : memref<10112x128xf32, #tpu.memory_space<vmem_shared>> -> memref<72x128xf32, #tpu.memory_space<vmem_shared>>
      %dma_wait3A_144 = arith.constant 0 : i32
      %dma_wait3A_145 = arith.constant 0 : i32
      %dma_wait3A_146 = tpu.memref_slice %arg8[%run_scoped3A_36, %dma_wait3A_144, %dma_wait3A_145] : memref<3x72x128xf32, #tpu.memory_space<vmem>> -> memref<1x72x128xf32, #tpu.memory_space<vmem>>
      %dma_wait3A_147 = tpu.memref_squeeze %dma_wait3A_146 : memref<1x72x128xf32, #tpu.memory_space<vmem>> -> memref<72x128xf32, #tpu.memory_space<vmem>>
      tpu.wait_dma2 semaphore(%run_scoped3A_123 : memref<!tpu.dma_semaphore, #tpu.memory_space<semaphore_mem>>) src(%dma_wait3A_147 : memref<72x128xf32, #tpu.memory_space<vmem>>) dst(%dma_wait3A_143 : memref<72x128xf32, #tpu.memory_space<vmem_shared>>)
      tpu.yield
    }) : () -> ()
    %mul3A_37 = arith.constant 632 : i32
    %mul3A_38 = arith.muli %arg1, %mul3A_37 : i32
    %add3A_39 = arith.constant 216 : i32
    %add3A_40 = arith.addi %mul3A_38, %add3A_39 : i32
    %run_scoped3A_41 = arith.constant 2 : i32
    "tpu.region"() ({
      %run_scoped3A_123 = tpu.sem_alloc : memref<!tpu.dma_semaphore, #tpu.memory_space<semaphore_mem>>
      %dma_start3A_124 = arith.constant 0 : i32
      %dma_start3A_125 = arith.constant 0 : i32
      %dma_start3A_126 = tpu.memref_slice %arg8[%run_scoped3A_41, %dma_start3A_124, %dma_start3A_125] : memref<3x72x128xf32, #tpu.memory_space<vmem>> -> memref<1x72x128xf32, #tpu.memory_space<vmem>>
      %dma_start3A_127 = tpu.memref_squeeze %dma_start3A_126 : memref<1x72x128xf32, #tpu.memory_space<vmem>> -> memref<72x128xf32, #tpu.memory_space<vmem>>
      %dma_start3A_128 = arith.constant 0 : i32
      %dma_start3A_129 = tpu.memref_slice %arg9[%add3A_40, %dma_start3A_128] : memref<10112x128xf32, #tpu.memory_space<vmem_shared>> -> memref<72x128xf32, #tpu.memory_space<vmem_shared>>
      %dma_start3A_130 = arith.constant 0 : i32
      %dma_start3A_131 = tpu.memref_slice %arg9[%add3A_40, %dma_start3A_130] : memref<10112x128xf32, #tpu.memory_space<vmem_shared>> -> memref<72x128xf32, #tpu.memory_space<vmem_shared>>
      %dma_start3A_132 = arith.constant 0 : i32
      %dma_start3A_133 = arith.constant 0 : i32
      %dma_start3A_134 = tpu.memref_slice %arg8[%run_scoped3A_41, %dma_start3A_132, %dma_start3A_133] : memref<3x72x128xf32, #tpu.memory_space<vmem>> -> memref<1x72x128xf32, #tpu.memory_space<vmem>>
      %dma_start3A_135 = tpu.memref_squeeze %dma_start3A_134 : memref<1x72x128xf32, #tpu.memory_space<vmem>> -> memref<72x128xf32, #tpu.memory_space<vmem>>
      tpu.enqueue_dma source(%dma_start3A_135 : memref<72x128xf32, #tpu.memory_space<vmem>>) target(%dma_start3A_131 : memref<72x128xf32, #tpu.memory_space<vmem_shared>>) target_semaphore(%run_scoped3A_123 : memref<!tpu.dma_semaphore, #tpu.memory_space<semaphore_mem>>)
      %dma_wait3A_136 = arith.constant 0 : i32
      %dma_wait3A_137 = arith.constant 0 : i32
      %dma_wait3A_138 = tpu.memref_slice %arg8[%run_scoped3A_41, %dma_wait3A_136, %dma_wait3A_137] : memref<3x72x128xf32, #tpu.memory_space<vmem>> -> memref<1x72x128xf32, #tpu.memory_space<vmem>>
      %dma_wait3A_139 = tpu.memref_squeeze %dma_wait3A_138 : memref<1x72x128xf32, #tpu.memory_space<vmem>> -> memref<72x128xf32, #tpu.memory_space<vmem>>
      %dma_wait3A_140 = arith.constant 0 : i32
      %dma_wait3A_141 = tpu.memref_slice %arg9[%add3A_40, %dma_wait3A_140] : memref<10112x128xf32, #tpu.memory_space<vmem_shared>> -> memref<72x128xf32, #tpu.memory_space<vmem_shared>>
      %dma_wait3A_142 = arith.constant 0 : i32
      %dma_wait3A_143 = tpu.memref_slice %arg9[%add3A_40, %dma_wait3A_142] : memref<10112x128xf32, #tpu.memory_space<vmem_shared>> -> memref<72x128xf32, #tpu.memory_space<vmem_shared>>
      %dma_wait3A_144 = arith.constant 0 : i32
      %dma_wait3A_145 = arith.constant 0 : i32
      %dma_wait3A_146 = tpu.memref_slice %arg8[%run_scoped3A_41, %dma_wait3A_144, %dma_wait3A_145] : memref<3x72x128xf32, #tpu.memory_space<vmem>> -> memref<1x72x128xf32, #tpu.memory_space<vmem>>
      %dma_wait3A_147 = tpu.memref_squeeze %dma_wait3A_146 : memref<1x72x128xf32, #tpu.memory_space<vmem>> -> memref<72x128xf32, #tpu.memory_space<vmem>>
      tpu.wait_dma2 semaphore(%run_scoped3A_123 : memref<!tpu.dma_semaphore, #tpu.memory_space<semaphore_mem>>) src(%dma_wait3A_147 : memref<72x128xf32, #tpu.memory_space<vmem>>) dst(%dma_wait3A_143 : memref<72x128xf32, #tpu.memory_space<vmem_shared>>)
      tpu.yield
    }) : () -> ()
    %mul3A_42 = arith.constant 632 : i32
    %mul3A_43 = arith.muli %arg1, %mul3A_42 : i32
    %add3A_44 = arith.constant 288 : i32
    %add3A_45 = arith.addi %mul3A_43, %add3A_44 : i32
    %run_scoped3A_46 = arith.constant 2 : i32
    "tpu.region"() ({
      %run_scoped3A_123 = tpu.sem_alloc : memref<!tpu.dma_semaphore, #tpu.memory_space<semaphore_mem>>
      %dma_start3A_124 = arith.constant 0 : i32
      %dma_start3A_125 = arith.constant 0 : i32
      %dma_start3A_126 = tpu.memref_slice %arg8[%run_scoped3A_46, %dma_start3A_124, %dma_start3A_125] : memref<3x72x128xf32, #tpu.memory_space<vmem>> -> memref<1x72x128xf32, #tpu.memory_space<vmem>>
      %dma_start3A_127 = tpu.memref_squeeze %dma_start3A_126 : memref<1x72x128xf32, #tpu.memory_space<vmem>> -> memref<72x128xf32, #tpu.memory_space<vmem>>
      %dma_start3A_128 = arith.constant 0 : i32
      %dma_start3A_129 = tpu.memref_slice %arg9[%add3A_45, %dma_start3A_128] : memref<10112x128xf32, #tpu.memory_space<vmem_shared>> -> memref<72x128xf32, #tpu.memory_space<vmem_shared>>
      %dma_start3A_130 = arith.constant 0 : i32
      %dma_start3A_131 = tpu.memref_slice %arg9[%add3A_45, %dma_start3A_130] : memref<10112x128xf32, #tpu.memory_space<vmem_shared>> -> memref<72x128xf32, #tpu.memory_space<vmem_shared>>
      %dma_start3A_132 = arith.constant 0 : i32
      %dma_start3A_133 = arith.constant 0 : i32
      %dma_start3A_134 = tpu.memref_slice %arg8[%run_scoped3A_46, %dma_start3A_132, %dma_start3A_133] : memref<3x72x128xf32, #tpu.memory_space<vmem>> -> memref<1x72x128xf32, #tpu.memory_space<vmem>>
      %dma_start3A_135 = tpu.memref_squeeze %dma_start3A_134 : memref<1x72x128xf32, #tpu.memory_space<vmem>> -> memref<72x128xf32, #tpu.memory_space<vmem>>
      tpu.enqueue_dma source(%dma_start3A_135 : memref<72x128xf32, #tpu.memory_space<vmem>>) target(%dma_start3A_131 : memref<72x128xf32, #tpu.memory_space<vmem_shared>>) target_semaphore(%run_scoped3A_123 : memref<!tpu.dma_semaphore, #tpu.memory_space<semaphore_mem>>)
      %dma_wait3A_136 = arith.constant 0 : i32
      %dma_wait3A_137 = arith.constant 0 : i32
      %dma_wait3A_138 = tpu.memref_slice %arg8[%run_scoped3A_46, %dma_wait3A_136, %dma_wait3A_137] : memref<3x72x128xf32, #tpu.memory_space<vmem>> -> memref<1x72x128xf32, #tpu.memory_space<vmem>>
      %dma_wait3A_139 = tpu.memref_squeeze %dma_wait3A_138 : memref<1x72x128xf32, #tpu.memory_space<vmem>> -> memref<72x128xf32, #tpu.memory_space<vmem>>
      %dma_wait3A_140 = arith.constant 0 : i32
      %dma_wait3A_141 = tpu.memref_slice %arg9[%add3A_45, %dma_wait3A_140] : memref<10112x128xf32, #tpu.memory_space<vmem_shared>> -> memref<72x128xf32, #tpu.memory_space<vmem_shared>>
      %dma_wait3A_142 = arith.constant 0 : i32
      %dma_wait3A_143 = tpu.memref_slice %arg9[%add3A_45, %dma_wait3A_142] : memref<10112x128xf32, #tpu.memory_space<vmem_shared>> -> memref<72x128xf32, #tpu.memory_space<vmem_shared>>
      %dma_wait3A_144 = arith.constant 0 : i32
      %dma_wait3A_145 = arith.constant 0 : i32
      %dma_wait3A_146 = tpu.memref_slice %arg8[%run_scoped3A_46, %dma_wait3A_144, %dma_wait3A_145] : memref<3x72x128xf32, #tpu.memory_space<vmem>> -> memref<1x72x128xf32, #tpu.memory_space<vmem>>
      %dma_wait3A_147 = tpu.memref_squeeze %dma_wait3A_146 : memref<1x72x128xf32, #tpu.memory_space<vmem>> -> memref<72x128xf32, #tpu.memory_space<vmem>>
      tpu.wait_dma2 semaphore(%run_scoped3A_123 : memref<!tpu.dma_semaphore, #tpu.memory_space<semaphore_mem>>) src(%dma_wait3A_147 : memref<72x128xf32, #tpu.memory_space<vmem>>) dst(%dma_wait3A_143 : memref<72x128xf32, #tpu.memory_space<vmem_shared>>)
      tpu.yield
    }) : () -> ()
    %mul3A_47 = arith.constant 632 : i32
    %mul3A_48 = arith.muli %arg1, %mul3A_47 : i32
    %add3A_49 = arith.constant 360 : i32
    %add3A_50 = arith.addi %mul3A_48, %add3A_49 : i32
    %run_scoped3A_51 = arith.constant 2 : i32
    "tpu.region"() ({
      %run_scoped3A_123 = tpu.sem_alloc : memref<!tpu.dma_semaphore, #tpu.memory_space<semaphore_mem>>
      %dma_start3A_124 = arith.constant 0 : i32
      %dma_start3A_125 = arith.constant 0 : i32
      %dma_start3A_126 = tpu.memref_slice %arg8[%run_scoped3A_51, %dma_start3A_124, %dma_start3A_125] : memref<3x72x128xf32, #tpu.memory_space<vmem>> -> memref<1x72x128xf32, #tpu.memory_space<vmem>>
      %dma_start3A_127 = tpu.memref_squeeze %dma_start3A_126 : memref<1x72x128xf32, #tpu.memory_space<vmem>> -> memref<72x128xf32, #tpu.memory_space<vmem>>
      %dma_start3A_128 = arith.constant 0 : i32
      %dma_start3A_129 = tpu.memref_slice %arg9[%add3A_50, %dma_start3A_128] : memref<10112x128xf32, #tpu.memory_space<vmem_shared>> -> memref<72x128xf32, #tpu.memory_space<vmem_shared>>
      %dma_start3A_130 = arith.constant 0 : i32
      %dma_start3A_131 = tpu.memref_slice %arg9[%add3A_50, %dma_start3A_130] : memref<10112x128xf32, #tpu.memory_space<vmem_shared>> -> memref<72x128xf32, #tpu.memory_space<vmem_shared>>
      %dma_start3A_132 = arith.constant 0 : i32
      %dma_start3A_133 = arith.constant 0 : i32
      %dma_start3A_134 = tpu.memref_slice %arg8[%run_scoped3A_51, %dma_start3A_132, %dma_start3A_133] : memref<3x72x128xf32, #tpu.memory_space<vmem>> -> memref<1x72x128xf32, #tpu.memory_space<vmem>>
      %dma_start3A_135 = tpu.memref_squeeze %dma_start3A_134 : memref<1x72x128xf32, #tpu.memory_space<vmem>> -> memref<72x128xf32, #tpu.memory_space<vmem>>
      tpu.enqueue_dma source(%dma_start3A_135 : memref<72x128xf32, #tpu.memory_space<vmem>>) target(%dma_start3A_131 : memref<72x128xf32, #tpu.memory_space<vmem_shared>>) target_semaphore(%run_scoped3A_123 : memref<!tpu.dma_semaphore, #tpu.memory_space<semaphore_mem>>)
      %dma_wait3A_136 = arith.constant 0 : i32
      %dma_wait3A_137 = arith.constant 0 : i32
      %dma_wait3A_138 = tpu.memref_slice %arg8[%run_scoped3A_51, %dma_wait3A_136, %dma_wait3A_137] : memref<3x72x128xf32, #tpu.memory_space<vmem>> -> memref<1x72x128xf32, #tpu.memory_space<vmem>>
      %dma_wait3A_139 = tpu.memref_squeeze %dma_wait3A_138 : memref<1x72x128xf32, #tpu.memory_space<vmem>> -> memref<72x128xf32, #tpu.memory_space<vmem>>
      %dma_wait3A_140 = arith.constant 0 : i32
      %dma_wait3A_141 = tpu.memref_slice %arg9[%add3A_50, %dma_wait3A_140] : memref<10112x128xf32, #tpu.memory_space<vmem_shared>> -> memref<72x128xf32, #tpu.memory_space<vmem_shared>>
      %dma_wait3A_142 = arith.constant 0 : i32
      %dma_wait3A_143 = tpu.memref_slice %arg9[%add3A_50, %dma_wait3A_142] : memref<10112x128xf32, #tpu.memory_space<vmem_shared>> -> memref<72x128xf32, #tpu.memory_space<vmem_shared>>
      %dma_wait3A_144 = arith.constant 0 : i32
      %dma_wait3A_145 = arith.constant 0 : i32
      %dma_wait3A_146 = tpu.memref_slice %arg8[%run_scoped3A_51, %dma_wait3A_144, %dma_wait3A_145] : memref<3x72x128xf32, #tpu.memory_space<vmem>> -> memref<1x72x128xf32, #tpu.memory_space<vmem>>
      %dma_wait3A_147 = tpu.memref_squeeze %dma_wait3A_146 : memref<1x72x128xf32, #tpu.memory_space<vmem>> -> memref<72x128xf32, #tpu.memory_space<vmem>>
      tpu.wait_dma2 semaphore(%run_scoped3A_123 : memref<!tpu.dma_semaphore, #tpu.memory_space<semaphore_mem>>) src(%dma_wait3A_147 : memref<72x128xf32, #tpu.memory_space<vmem>>) dst(%dma_wait3A_143 : memref<72x128xf32, #tpu.memory_space<vmem_shared>>)
      tpu.yield
    }) : () -> ()
    %mul3A_52 = arith.constant 632 : i32
    %mul3A_53 = arith.muli %arg1, %mul3A_52 : i32
    %add3A_54 = arith.constant 432 : i32
    %add3A_55 = arith.addi %mul3A_53, %add3A_54 : i32
    %run_scoped3A_56 = arith.constant 2 : i32
    "tpu.region"() ({
      %run_scoped3A_123 = tpu.sem_alloc : memref<!tpu.dma_semaphore, #tpu.memory_space<semaphore_mem>>
      %dma_start3A_124 = arith.constant 0 : i32
      %dma_start3A_125 = arith.constant 0 : i32
      %dma_start3A_126 = tpu.memref_slice %arg8[%run_scoped3A_56, %dma_start3A_124, %dma_start3A_125] : memref<3x72x128xf32, #tpu.memory_space<vmem>> -> memref<1x72x128xf32, #tpu.memory_space<vmem>>
      %dma_start3A_127 = tpu.memref_squeeze %dma_start3A_126 : memref<1x72x128xf32, #tpu.memory_space<vmem>> -> memref<72x128xf32, #tpu.memory_space<vmem>>
      %dma_start3A_128 = arith.constant 0 : i32
      %dma_start3A_129 = tpu.memref_slice %arg9[%add3A_55, %dma_start3A_128] : memref<10112x128xf32, #tpu.memory_space<vmem_shared>> -> memref<72x128xf32, #tpu.memory_space<vmem_shared>>
      %dma_start3A_130 = arith.constant 0 : i32
      %dma_start3A_131 = tpu.memref_slice %arg9[%add3A_55, %dma_start3A_130] : memref<10112x128xf32, #tpu.memory_space<vmem_shared>> -> memref<72x128xf32, #tpu.memory_space<vmem_shared>>
      %dma_start3A_132 = arith.constant 0 : i32
      %dma_start3A_133 = arith.constant 0 : i32
      %dma_start3A_134 = tpu.memref_slice %arg8[%run_scoped3A_56, %dma_start3A_132, %dma_start3A_133] : memref<3x72x128xf32, #tpu.memory_space<vmem>> -> memref<1x72x128xf32, #tpu.memory_space<vmem>>
      %dma_start3A_135 = tpu.memref_squeeze %dma_start3A_134 : memref<1x72x128xf32, #tpu.memory_space<vmem>> -> memref<72x128xf32, #tpu.memory_space<vmem>>
      tpu.enqueue_dma source(%dma_start3A_135 : memref<72x128xf32, #tpu.memory_space<vmem>>) target(%dma_start3A_131 : memref<72x128xf32, #tpu.memory_space<vmem_shared>>) target_semaphore(%run_scoped3A_123 : memref<!tpu.dma_semaphore, #tpu.memory_space<semaphore_mem>>)
      %dma_wait3A_136 = arith.constant 0 : i32
      %dma_wait3A_137 = arith.constant 0 : i32
      %dma_wait3A_138 = tpu.memref_slice %arg8[%run_scoped3A_56, %dma_wait3A_136, %dma_wait3A_137] : memref<3x72x128xf32, #tpu.memory_space<vmem>> -> memref<1x72x128xf32, #tpu.memory_space<vmem>>
      %dma_wait3A_139 = tpu.memref_squeeze %dma_wait3A_138 : memref<1x72x128xf32, #tpu.memory_space<vmem>> -> memref<72x128xf32, #tpu.memory_space<vmem>>
      %dma_wait3A_140 = arith.constant 0 : i32
      %dma_wait3A_141 = tpu.memref_slice %arg9[%add3A_55, %dma_wait3A_140] : memref<10112x128xf32, #tpu.memory_space<vmem_shared>> -> memref<72x128xf32, #tpu.memory_space<vmem_shared>>
      %dma_wait3A_142 = arith.constant 0 : i32
      %dma_wait3A_143 = tpu.memref_slice %arg9[%add3A_55, %dma_wait3A_142] : memref<10112x128xf32, #tpu.memory_space<vmem_shared>> -> memref<72x128xf32, #tpu.memory_space<vmem_shared>>
      %dma_wait3A_144 = arith.constant 0 : i32
      %dma_wait3A_145 = arith.constant 0 : i32
      %dma_wait3A_146 = tpu.memref_slice %arg8[%run_scoped3A_56, %dma_wait3A_144, %dma_wait3A_145] : memref<3x72x128xf32, #tpu.memory_space<vmem>> -> memref<1x72x128xf32, #tpu.memory_space<vmem>>
      %dma_wait3A_147 = tpu.memref_squeeze %dma_wait3A_146 : memref<1x72x128xf32, #tpu.memory_space<vmem>> -> memref<72x128xf32, #tpu.memory_space<vmem>>
      tpu.wait_dma2 semaphore(%run_scoped3A_123 : memref<!tpu.dma_semaphore, #tpu.memory_space<semaphore_mem>>) src(%dma_wait3A_147 : memref<72x128xf32, #tpu.memory_space<vmem>>) dst(%dma_wait3A_143 : memref<72x128xf32, #tpu.memory_space<vmem_shared>>)
      tpu.yield
    }) : () -> ()
    %mul3A_57 = arith.constant 632 : i32
    %mul3A_58 = arith.muli %arg1, %mul3A_57 : i32
    %add3A_59 = arith.constant 504 : i32
    %add3A_60 = arith.addi %mul3A_58, %add3A_59 : i32
    %run_scoped3A_61 = arith.constant 2 : i32
    "tpu.region"() ({
      %run_scoped3A_123 = tpu.sem_alloc : memref<!tpu.dma_semaphore, #tpu.memory_space<semaphore_mem>>
      %dma_start3A_124 = arith.constant 0 : i32
      %dma_start3A_125 = arith.constant 0 : i32
      %dma_start3A_126 = tpu.memref_slice %arg8[%run_scoped3A_61, %dma_start3A_124, %dma_start3A_125] : memref<3x72x128xf32, #tpu.memory_space<vmem>> -> memref<1x72x128xf32, #tpu.memory_space<vmem>>
      %dma_start3A_127 = tpu.memref_squeeze %dma_start3A_126 : memref<1x72x128xf32, #tpu.memory_space<vmem>> -> memref<72x128xf32, #tpu.memory_space<vmem>>
      %dma_start3A_128 = arith.constant 0 : i32
      %dma_start3A_129 = tpu.memref_slice %arg9[%add3A_60, %dma_start3A_128] : memref<10112x128xf32, #tpu.memory_space<vmem_shared>> -> memref<72x128xf32, #tpu.memory_space<vmem_shared>>
      %dma_start3A_130 = arith.constant 0 : i32
      %dma_start3A_131 = tpu.memref_slice %arg9[%add3A_60, %dma_start3A_130] : memref<10112x128xf32, #tpu.memory_space<vmem_shared>> -> memref<72x128xf32, #tpu.memory_space<vmem_shared>>
      %dma_start3A_132 = arith.constant 0 : i32
      %dma_start3A_133 = arith.constant 0 : i32
      %dma_start3A_134 = tpu.memref_slice %arg8[%run_scoped3A_61, %dma_start3A_132, %dma_start3A_133] : memref<3x72x128xf32, #tpu.memory_space<vmem>> -> memref<1x72x128xf32, #tpu.memory_space<vmem>>
      %dma_start3A_135 = tpu.memref_squeeze %dma_start3A_134 : memref<1x72x128xf32, #tpu.memory_space<vmem>> -> memref<72x128xf32, #tpu.memory_space<vmem>>
      tpu.enqueue_dma source(%dma_start3A_135 : memref<72x128xf32, #tpu.memory_space<vmem>>) target(%dma_start3A_131 : memref<72x128xf32, #tpu.memory_space<vmem_shared>>) target_semaphore(%run_scoped3A_123 : memref<!tpu.dma_semaphore, #tpu.memory_space<semaphore_mem>>)
      %dma_wait3A_136 = arith.constant 0 : i32
      %dma_wait3A_137 = arith.constant 0 : i32
      %dma_wait3A_138 = tpu.memref_slice %arg8[%run_scoped3A_61, %dma_wait3A_136, %dma_wait3A_137] : memref<3x72x128xf32, #tpu.memory_space<vmem>> -> memref<1x72x128xf32, #tpu.memory_space<vmem>>
      %dma_wait3A_139 = tpu.memref_squeeze %dma_wait3A_138 : memref<1x72x128xf32, #tpu.memory_space<vmem>> -> memref<72x128xf32, #tpu.memory_space<vmem>>
      %dma_wait3A_140 = arith.constant 0 : i32
      %dma_wait3A_141 = tpu.memref_slice %arg9[%add3A_60, %dma_wait3A_140] : memref<10112x128xf32, #tpu.memory_space<vmem_shared>> -> memref<72x128xf32, #tpu.memory_space<vmem_shared>>
      %dma_wait3A_142 = arith.constant 0 : i32
      %dma_wait3A_143 = tpu.memref_slice %arg9[%add3A_60, %dma_wait3A_142] : memref<10112x128xf32, #tpu.memory_space<vmem_shared>> -> memref<72x128xf32, #tpu.memory_space<vmem_shared>>
      %dma_wait3A_144 = arith.constant 0 : i32
      %dma_wait3A_145 = arith.constant 0 : i32
      %dma_wait3A_146 = tpu.memref_slice %arg8[%run_scoped3A_61, %dma_wait3A_144, %dma_wait3A_145] : memref<3x72x128xf32, #tpu.memory_space<vmem>> -> memref<1x72x128xf32, #tpu.memory_space<vmem>>
      %dma_wait3A_147 = tpu.memref_squeeze %dma_wait3A_146 : memref<1x72x128xf32, #tpu.memory_space<vmem>> -> memref<72x128xf32, #tpu.memory_space<vmem>>
      tpu.wait_dma2 semaphore(%run_scoped3A_123 : memref<!tpu.dma_semaphore, #tpu.memory_space<semaphore_mem>>) src(%dma_wait3A_147 : memref<72x128xf32, #tpu.memory_space<vmem>>) dst(%dma_wait3A_143 : memref<72x128xf32, #tpu.memory_space<vmem_shared>>)
      tpu.yield
    }) : () -> ()
    %mul3A_62 = arith.constant 632 : i32
    %mul3A_63 = arith.muli %arg1, %mul3A_62 : i32
    %add3A_64 = arith.constant 576 : i32
    %add3A_65 = arith.addi %mul3A_63, %add3A_64 : i32
    %run_scoped3A_66 = arith.constant 2 : i32
    "tpu.region"() ({
      %run_scoped3A_123 = tpu.sem_alloc : memref<!tpu.dma_semaphore, #tpu.memory_space<semaphore_mem>>
      %dma_start3A_124 = arith.constant 0 : i32
      %dma_start3A_125 = arith.constant 0 : i32
      %dma_start3A_126 = tpu.memref_slice %arg8[%run_scoped3A_66, %dma_start3A_124, %dma_start3A_125] : memref<3x72x128xf32, #tpu.memory_space<vmem>> -> memref<1x72x128xf32, #tpu.memory_space<vmem>>
      %dma_start3A_127 = tpu.memref_squeeze %dma_start3A_126 : memref<1x72x128xf32, #tpu.memory_space<vmem>> -> memref<72x128xf32, #tpu.memory_space<vmem>>
      %dma_start3A_128 = arith.constant 0 : i32
      %dma_start3A_129 = arith.constant 0 : i32
      %dma_start3A_130 = tpu.memref_slice %dma_start3A_127[%dma_start3A_128, %dma_start3A_129] : memref<72x128xf32, #tpu.memory_space<vmem>> -> memref<56x128xf32, #tpu.memory_space<vmem>>
      %dma_start3A_131 = arith.constant 0 : i32
      %dma_start3A_132 = tpu.memref_slice %arg9[%add3A_65, %dma_start3A_131] : memref<10112x128xf32, #tpu.memory_space<vmem_shared>> -> memref<56x128xf32, #tpu.memory_space<vmem_shared>>
      %dma_start3A_133 = arith.constant 0 : i32
      %dma_start3A_134 = tpu.memref_slice %arg9[%add3A_65, %dma_start3A_133] : memref<10112x128xf32, #tpu.memory_space<vmem_shared>> -> memref<56x128xf32, #tpu.memory_space<vmem_shared>>
      %dma_start3A_135 = arith.constant 0 : i32
      %dma_start3A_136 = arith.constant 0 : i32
      %dma_start3A_137 = tpu.memref_slice %arg8[%run_scoped3A_66, %dma_start3A_135, %dma_start3A_136] : memref<3x72x128xf32, #tpu.memory_space<vmem>> -> memref<1x72x128xf32, #tpu.memory_space<vmem>>
      %dma_start3A_138 = tpu.memref_squeeze %dma_start3A_137 : memref<1x72x128xf32, #tpu.memory_space<vmem>> -> memref<72x128xf32, #tpu.memory_space<vmem>>
      %dma_start3A_139 = arith.constant 0 : i32
      %dma_start3A_140 = arith.constant 0 : i32
      %dma_start3A_141 = tpu.memref_slice %dma_start3A_138[%dma_start3A_139, %dma_start3A_140] : memref<72x128xf32, #tpu.memory_space<vmem>> -> memref<56x128xf32, #tpu.memory_space<vmem>>
      tpu.enqueue_dma source(%dma_start3A_141 : memref<56x128xf32, #tpu.memory_space<vmem>>) target(%dma_start3A_134 : memref<56x128xf32, #tpu.memory_space<vmem_shared>>) target_semaphore(%run_scoped3A_123 : memref<!tpu.dma_semaphore, #tpu.memory_space<semaphore_mem>>)
      %dma_wait3A_142 = arith.constant 0 : i32
      %dma_wait3A_143 = arith.constant 0 : i32
      %dma_wait3A_144 = tpu.memref_slice %arg8[%run_scoped3A_66, %dma_wait3A_142, %dma_wait3A_143] : memref<3x72x128xf32, #tpu.memory_space<vmem>> -> memref<1x72x128xf32, #tpu.memory_space<vmem>>
      %dma_wait3A_145 = tpu.memref_squeeze %dma_wait3A_144 : memref<1x72x128xf32, #tpu.memory_space<vmem>> -> memref<72x128xf32, #tpu.memory_space<vmem>>
      %dma_wait3A_146 = arith.constant 0 : i32
      %dma_wait3A_147 = arith.constant 0 : i32
      %dma_wait3A_148 = tpu.memref_slice %dma_wait3A_145[%dma_wait3A_146, %dma_wait3A_147] : memref<72x128xf32, #tpu.memory_space<vmem>> -> memref<56x128xf32, #tpu.memory_space<vmem>>
      %dma_wait3A_149 = arith.constant 0 : i32
      %dma_wait3A_150 = tpu.memref_slice %arg9[%add3A_65, %dma_wait3A_149] : memref<10112x128xf32, #tpu.memory_space<vmem_shared>> -> memref<56x128xf32, #tpu.memory_space<vmem_shared>>
      %dma_wait3A_151 = arith.constant 0 : i32
      %dma_wait3A_152 = tpu.memref_slice %arg9[%add3A_65, %dma_wait3A_151] : memref<10112x128xf32, #tpu.memory_space<vmem_shared>> -> memref<56x128xf32, #tpu.memory_space<vmem_shared>>
      %dma_wait3A_153 = arith.constant 0 : i32
      %dma_wait3A_154 = arith.constant 0 : i32
      %dma_wait3A_155 = tpu.memref_slice %arg8[%run_scoped3A_66, %dma_wait3A_153, %dma_wait3A_154] : memref<3x72x128xf32, #tpu.memory_space<vmem>> -> memref<1x72x128xf32, #tpu.memory_space<vmem>>
      %dma_wait3A_156 = tpu.memref_squeeze %dma_wait3A_155 : memref<1x72x128xf32, #tpu.memory_space<vmem>> -> memref<72x128xf32, #tpu.memory_space<vmem>>
      %dma_wait3A_157 = arith.constant 0 : i32
      %dma_wait3A_158 = arith.constant 0 : i32
      %dma_wait3A_159 = tpu.memref_slice %dma_wait3A_156[%dma_wait3A_157, %dma_wait3A_158] : memref<72x128xf32, #tpu.memory_space<vmem>> -> memref<56x128xf32, #tpu.memory_space<vmem>>
      tpu.wait_dma2 semaphore(%run_scoped3A_123 : memref<!tpu.dma_semaphore, #tpu.memory_space<semaphore_mem>>) src(%dma_wait3A_159 : memref<56x128xf32, #tpu.memory_space<vmem>>) dst(%dma_wait3A_152 : memref<56x128xf32, #tpu.memory_space<vmem_shared>>)
      tpu.yield
    }) : () -> ()
    %barrier3A = arith.constant 0 : index
    tpu.barrier barrier_id(%barrier3A)
    %scan3A_67 = arith.constant 1 : i32
    %scan3A_68 = arith.constant 0 : i32
    %scan3A_69 = arith.constant 0 : i32
    %scan3A_70 = arith.constant 48 : i32
    %scan3A_71 = arith.addi %scan3A_69, %scan3A_70 : i32
    %scan3A_72 = arith.constant 1 : i32
    %scan3A_73 = scf.for %scan3A_123 = %scan3A_69 to %scan3A_71 step %scan3A_72 iter_args(%scan3A_124 = %scan3A_68) -> (i32)  : i32 {
      %mul3A_125 = arith.constant 3 : i32
      %mul3A_126 = arith.muli %scan3A_123, %mul3A_125 : i32
      %add3A_127 = arith.constant 0 : i32
      %add3A_128 = arith.addi %mul3A_126, %add3A_127 : i32
      %ge3A = arith.constant 2 : i32
      %ge3A_129 = arith.cmpi sge, %add3A_128, %ge3A : i32
      %convert_element_type3A_130 = arith.extui %ge3A_129 : i1 to i32
      %cond3A_131 = arith.constant 0 : i32
      %cond3A_132 = arith.cmpi ne, %convert_element_type3A_130, %cond3A_131 : i32
      scf.if %cond3A_132 {
        %dma_wait3A_286 = arith.constant 1 : i32
        %dma_wait3A_287 = arith.constant 0 : i32
        %dma_wait3A_288 = arith.constant 0 : i32
        %dma_wait3A_289 = arith.constant 0 : i32
        %dma_wait3A_290 = tpu.memref_slice %arg8[%dma_wait3A_286, %dma_wait3A_288, %dma_wait3A_289] : memref<3x72x128xf32, #tpu.memory_space<vmem>> -> memref<1x72x128xf32, #tpu.memory_space<vmem>>
        %dma_wait3A_291 = tpu.memref_squeeze %dma_wait3A_290 : memref<1x72x128xf32, #tpu.memory_space<vmem>> -> memref<72x128xf32, #tpu.memory_space<vmem>>
        %dma_wait3A_292 = arith.constant 0 : i32
        %dma_wait3A_293 = tpu.memref_slice %arg7[%dma_wait3A_287, %dma_wait3A_292] : memref<144x72xi32, #tpu.memory_space<vmem>> -> memref<1x72xi32, #tpu.memory_space<vmem>>
        %dma_wait3A_294 = tpu.memref_squeeze %dma_wait3A_293 : memref<1x72xi32, #tpu.memory_space<vmem>> -> memref<72xi32, #tpu.memory_space<vmem>>
        %dma_wait3A_295 = arith.constant 0 : i32
        %dma_wait3A_296 = arith.constant 0 : i32
        %dma_wait3A_297 = tpu.memref_slice %arg9[%dma_wait3A_295, %dma_wait3A_296] : memref<10112x128xf32, #tpu.memory_space<vmem_shared>> -> memref<10112x128xf32, #tpu.memory_space<vmem_shared>>
        tpu.wait_indirect_dma semaphore(%arg14 : memref<!tpu.dma_semaphore, #tpu.memory_space<semaphore_mem>>) src(%dma_wait3A_291 : memref<72x128xf32, #tpu.memory_space<vmem>>) dst(%dma_wait3A_297 : memref<10112x128xf32, #tpu.memory_space<vmem_shared>>)
      } else {
      }
      %add3A_133 = arith.constant 1 : i32
      %add3A_134 = arith.addi %add3A_128, %add3A_133 : i32
      %rem3A = arith.constant 144 : i32
      %rem3A_135 = arith.remsi %add3A_134, %rem3A : i32
      %dma_start3A_136 = arith.constant 1 : i32
      %dma_start3A_137 = arith.constant 0 : i32
      %dma_start3A_138 = arith.constant 0 : i32
      %dma_start3A_139 = tpu.memref_slice %arg8[%dma_start3A_136, %dma_start3A_137, %dma_start3A_138] : memref<3x72x128xf32, #tpu.memory_space<vmem>> -> memref<1x72x128xf32, #tpu.memory_space<vmem>>
      %dma_start3A_140 = tpu.memref_squeeze %dma_start3A_139 : memref<1x72x128xf32, #tpu.memory_space<vmem>> -> memref<72x128xf32, #tpu.memory_space<vmem>>
      %dma_start3A_141 = arith.constant 0 : i32
      %dma_start3A_142 = tpu.memref_slice %arg6[%rem3A_135, %dma_start3A_141] : memref<144x72xi32, #tpu.memory_space<vmem>> -> memref<1x72xi32, #tpu.memory_space<vmem>>
      %dma_start3A_143 = tpu.memref_squeeze %dma_start3A_142 : memref<1x72xi32, #tpu.memory_space<vmem>> -> memref<72xi32, #tpu.memory_space<vmem>>
      %dma_start3A_144 = arith.constant 0 : i32
      %dma_start3A_145 = arith.constant 0 : i32
      %dma_start3A_146 = tpu.memref_slice %arg2[%scan3A_67, %dma_start3A_144, %dma_start3A_145] : memref<2x20000x128xf32, #tpu.memory_space<hbm>> -> memref<1x20000x128xf32, #tpu.memory_space<hbm>>
      %dma_start3A_147 = tpu.memref_squeeze %dma_start3A_146 : memref<1x20000x128xf32, #tpu.memory_space<hbm>> -> memref<20000x128xf32, #tpu.memory_space<hbm>>
      %dma_start3A_148 = arith.constant 0 : i32
      %dma_start3A_149 = arith.constant 0 : i32
      %dma_start3A_150 = tpu.memref_slice %dma_start3A_147[%dma_start3A_148, %dma_start3A_149] : memref<20000x128xf32, #tpu.memory_space<hbm>> -> memref<20000x128xf32, #tpu.memory_space<hbm>>
      tpu.enqueue_indirect_dma source(%dma_start3A_150 : memref<20000x128xf32, #tpu.memory_space<hbm>>) target(%dma_start3A_140 : memref<72x128xf32, #tpu.memory_space<vmem>>) offsets(%dma_start3A_143 : memref<72xi32, #tpu.memory_space<vmem>>) semaphore(%arg11 : memref<!tpu.dma_semaphore, #tpu.memory_space<semaphore_mem>>)
      %dma_wait3A_151 = arith.constant 0 : i32
      %dma_wait3A_152 = arith.constant 0 : i32
      %dma_wait3A_153 = arith.constant 0 : i32
      %dma_wait3A_154 = tpu.memref_slice %arg8[%dma_wait3A_151, %dma_wait3A_152, %dma_wait3A_153] : memref<3x72x128xf32, #tpu.memory_space<vmem>> -> memref<1x72x128xf32, #tpu.memory_space<vmem>>
      %dma_wait3A_155 = tpu.memref_squeeze %dma_wait3A_154 : memref<1x72x128xf32, #tpu.memory_space<vmem>> -> memref<72x128xf32, #tpu.memory_space<vmem>>
      %dma_wait3A_156 = arith.constant 0 : i32
      %dma_wait3A_157 = tpu.memref_slice %arg6[%add3A_128, %dma_wait3A_156] : memref<144x72xi32, #tpu.memory_space<vmem>> -> memref<1x72xi32, #tpu.memory_space<vmem>>
      %dma_wait3A_158 = tpu.memref_squeeze %dma_wait3A_157 : memref<1x72xi32, #tpu.memory_space<vmem>> -> memref<72xi32, #tpu.memory_space<vmem>>
      %dma_wait3A_159 = arith.constant 0 : i32
      %dma_wait3A_160 = arith.constant 0 : i32
      %dma_wait3A_161 = tpu.memref_slice %arg2[%scan3A_67, %dma_wait3A_159, %dma_wait3A_160] : memref<2x20000x128xf32, #tpu.memory_space<hbm>> -> memref<1x20000x128xf32, #tpu.memory_space<hbm>>
      %dma_wait3A_162 = tpu.memref_squeeze %dma_wait3A_161 : memref<1x20000x128xf32, #tpu.memory_space<hbm>> -> memref<20000x128xf32, #tpu.memory_space<hbm>>
      %dma_wait3A_163 = arith.constant 0 : i32
      %dma_wait3A_164 = arith.constant 0 : i32
      %dma_wait3A_165 = tpu.memref_slice %dma_wait3A_162[%dma_wait3A_163, %dma_wait3A_164] : memref<20000x128xf32, #tpu.memory_space<hbm>> -> memref<20000x128xf32, #tpu.memory_space<hbm>>
      tpu.wait_indirect_dma semaphore(%arg10 : memref<!tpu.dma_semaphore, #tpu.memory_space<semaphore_mem>>) src(%dma_wait3A_165 : memref<20000x128xf32, #tpu.memory_space<hbm>>) dst(%dma_wait3A_155 : memref<72x128xf32, #tpu.memory_space<vmem>>)
      %dma_start3A_166 = arith.constant 0 : i32
      %dma_start3A_167 = arith.constant 0 : i32
      %dma_start3A_168 = arith.constant 0 : i32
      %dma_start3A_169 = tpu.memref_slice %arg8[%dma_start3A_166, %dma_start3A_167, %dma_start3A_168] : memref<3x72x128xf32, #tpu.memory_space<vmem>> -> memref<1x72x128xf32, #tpu.memory_space<vmem>>
      %dma_start3A_170 = tpu.memref_squeeze %dma_start3A_169 : memref<1x72x128xf32, #tpu.memory_space<vmem>> -> memref<72x128xf32, #tpu.memory_space<vmem>>
      %dma_start3A_171 = arith.constant 0 : i32
      %dma_start3A_172 = tpu.memref_slice %arg7[%add3A_128, %dma_start3A_171] : memref<144x72xi32, #tpu.memory_space<vmem>> -> memref<1x72xi32, #tpu.memory_space<vmem>>
      %dma_start3A_173 = tpu.memref_squeeze %dma_start3A_172 : memref<1x72xi32, #tpu.memory_space<vmem>> -> memref<72xi32, #tpu.memory_space<vmem>>
      %dma_start3A_174 = arith.constant 0 : i32
      %dma_start3A_175 = arith.constant 0 : i32
      %dma_start3A_176 = tpu.memref_slice %arg9[%dma_start3A_174, %dma_start3A_175] : memref<10112x128xf32, #tpu.memory_space<vmem_shared>> -> memref<10112x128xf32, #tpu.memory_space<vmem_shared>>
      tpu.enqueue_indirect_dma source(%dma_start3A_170 : memref<72x128xf32, #tpu.memory_space<vmem>>) target(%dma_start3A_176 : memref<10112x128xf32, #tpu.memory_space<vmem_shared>>) offsets(%dma_start3A_173 : memref<72xi32, #tpu.memory_space<vmem>>) semaphore(%arg13 : memref<!tpu.dma_semaphore, #tpu.memory_space<semaphore_mem>>) {add = true}
      %mul3A_177 = arith.constant 3 : i32
      %mul3A_178 = arith.muli %scan3A_123, %mul3A_177 : i32
      %add3A_179 = arith.constant 1 : i32
      %add3A_180 = arith.addi %mul3A_178, %add3A_179 : i32
      %ge3A_181 = arith.constant 2 : i32
      %ge3A_182 = arith.cmpi sge, %add3A_180, %ge3A_181 : i32
      %convert_element_type3A_183 = arith.extui %ge3A_182 : i1 to i32
      %cond3A_184 = arith.constant 0 : i32
      %cond3A_185 = arith.cmpi ne, %convert_element_type3A_183, %cond3A_184 : i32
      scf.if %cond3A_185 {
        %dma_wait3A_286 = arith.constant 2 : i32
        %dma_wait3A_287 = arith.constant 0 : i32
        %dma_wait3A_288 = arith.constant 0 : i32
        %dma_wait3A_289 = arith.constant 0 : i32
        %dma_wait3A_290 = tpu.memref_slice %arg8[%dma_wait3A_286, %dma_wait3A_288, %dma_wait3A_289] : memref<3x72x128xf32, #tpu.memory_space<vmem>> -> memref<1x72x128xf32, #tpu.memory_space<vmem>>
        %dma_wait3A_291 = tpu.memref_squeeze %dma_wait3A_290 : memref<1x72x128xf32, #tpu.memory_space<vmem>> -> memref<72x128xf32, #tpu.memory_space<vmem>>
        %dma_wait3A_292 = arith.constant 0 : i32
        %dma_wait3A_293 = tpu.memref_slice %arg7[%dma_wait3A_287, %dma_wait3A_292] : memref<144x72xi32, #tpu.memory_space<vmem>> -> memref<1x72xi32, #tpu.memory_space<vmem>>
        %dma_wait3A_294 = tpu.memref_squeeze %dma_wait3A_293 : memref<1x72xi32, #tpu.memory_space<vmem>> -> memref<72xi32, #tpu.memory_space<vmem>>
        %dma_wait3A_295 = arith.constant 0 : i32
        %dma_wait3A_296 = arith.constant 0 : i32
        %dma_wait3A_297 = tpu.memref_slice %arg9[%dma_wait3A_295, %dma_wait3A_296] : memref<10112x128xf32, #tpu.memory_space<vmem_shared>> -> memref<10112x128xf32, #tpu.memory_space<vmem_shared>>
        tpu.wait_indirect_dma semaphore(%arg15 : memref<!tpu.dma_semaphore, #tpu.memory_space<semaphore_mem>>) src(%dma_wait3A_291 : memref<72x128xf32, #tpu.memory_space<vmem>>) dst(%dma_wait3A_297 : memref<10112x128xf32, #tpu.memory_space<vmem_shared>>)
      } else {
      }
      %add3A_186 = arith.constant 1 : i32
      %add3A_187 = arith.addi %add3A_180, %add3A_186 : i32
      %rem3A_188 = arith.constant 144 : i32
      %rem3A_189 = arith.remsi %add3A_187, %rem3A_188 : i32
      %dma_start3A_190 = arith.constant 2 : i32
      %dma_start3A_191 = arith.constant 0 : i32
      %dma_start3A_192 = arith.constant 0 : i32
      %dma_start3A_193 = tpu.memref_slice %arg8[%dma_start3A_190, %dma_start3A_191, %dma_start3A_192] : memref<3x72x128xf32, #tpu.memory_space<vmem>> -> memref<1x72x128xf32, #tpu.memory_space<vmem>>
      %dma_start3A_194 = tpu.memref_squeeze %dma_start3A_193 : memref<1x72x128xf32, #tpu.memory_space<vmem>> -> memref<72x128xf32, #tpu.memory_space<vmem>>
      %dma_start3A_195 = arith.constant 0 : i32
      %dma_start3A_196 = tpu.memref_slice %arg6[%rem3A_189, %dma_start3A_195] : memref<144x72xi32, #tpu.memory_space<vmem>> -> memref<1x72xi32, #tpu.memory_space<vmem>>
      %dma_start3A_197 = tpu.memref_squeeze %dma_start3A_196 : memref<1x72xi32, #tpu.memory_space<vmem>> -> memref<72xi32, #tpu.memory_space<vmem>>
      %dma_start3A_198 = arith.constant 0 : i32
      %dma_start3A_199 = arith.constant 0 : i32
      %dma_start3A_200 = tpu.memref_slice %arg2[%scan3A_67, %dma_start3A_198, %dma_start3A_199] : memref<2x20000x128xf32, #tpu.memory_space<hbm>> -> memref<1x20000x128xf32, #tpu.memory_space<hbm>>
      %dma_start3A_201 = tpu.memref_squeeze %dma_start3A_200 : memref<1x20000x128xf32, #tpu.memory_space<hbm>> -> memref<20000x128xf32, #tpu.memory_space<hbm>>
      %dma_start3A_202 = arith.constant 0 : i32
      %dma_start3A_203 = arith.constant 0 : i32
      %dma_start3A_204 = tpu.memref_slice %dma_start3A_201[%dma_start3A_202, %dma_start3A_203] : memref<20000x128xf32, #tpu.memory_space<hbm>> -> memref<20000x128xf32, #tpu.memory_space<hbm>>
      tpu.enqueue_indirect_dma source(%dma_start3A_204 : memref<20000x128xf32, #tpu.memory_space<hbm>>) target(%dma_start3A_194 : memref<72x128xf32, #tpu.memory_space<vmem>>) offsets(%dma_start3A_197 : memref<72xi32, #tpu.memory_space<vmem>>) semaphore(%arg12 : memref<!tpu.dma_semaphore, #tpu.memory_space<semaphore_mem>>)
      %dma_wait3A_205 = arith.constant 1 : i32
      %dma_wait3A_206 = arith.constant 0 : i32
      %dma_wait3A_207 = arith.constant 0 : i32
      %dma_wait3A_208 = tpu.memref_slice %arg8[%dma_wait3A_205, %dma_wait3A_206, %dma_wait3A_207] : memref<3x72x128xf32, #tpu.memory_space<vmem>> -> memref<1x72x128xf32, #tpu.memory_space<vmem>>
      %dma_wait3A_209 = tpu.memref_squeeze %dma_wait3A_208 : memref<1x72x128xf32, #tpu.memory_space<vmem>> -> memref<72x128xf32, #tpu.memory_space<vmem>>
      %dma_wait3A_210 = arith.constant 0 : i32
      %dma_wait3A_211 = tpu.memref_slice %arg6[%add3A_180, %dma_wait3A_210] : memref<144x72xi32, #tpu.memory_space<vmem>> -> memref<1x72xi32, #tpu.memory_space<vmem>>
      %dma_wait3A_212 = tpu.memref_squeeze %dma_wait3A_211 : memref<1x72xi32, #tpu.memory_space<vmem>> -> memref<72xi32, #tpu.memory_space<vmem>>
      %dma_wait3A_213 = arith.constant 0 : i32
      %dma_wait3A_214 = arith.constant 0 : i32
      %dma_wait3A_215 = tpu.memref_slice %arg2[%scan3A_67, %dma_wait3A_213, %dma_wait3A_214] : memref<2x20000x128xf32, #tpu.memory_space<hbm>> -> memref<1x20000x128xf32, #tpu.memory_space<hbm>>
      %dma_wait3A_216 = tpu.memref_squeeze %dma_wait3A_215 : memref<1x20000x128xf32, #tpu.memory_space<hbm>> -> memref<20000x128xf32, #tpu.memory_space<hbm>>
      %dma_wait3A_217 = arith.constant 0 : i32
      %dma_wait3A_218 = arith.constant 0 : i32
      %dma_wait3A_219 = tpu.memref_slice %dma_wait3A_216[%dma_wait3A_217, %dma_wait3A_218] : memref<20000x128xf32, #tpu.memory_space<hbm>> -> memref<20000x128xf32, #tpu.memory_space<hbm>>
      tpu.wait_indirect_dma semaphore(%arg11 : memref<!tpu.dma_semaphore, #tpu.memory_space<semaphore_mem>>) src(%dma_wait3A_219 : memref<20000x128xf32, #tpu.memory_space<hbm>>) dst(%dma_wait3A_209 : memref<72x128xf32, #tpu.memory_space<vmem>>)
      %dma_start3A_220 = arith.constant 1 : i32
      %dma_start3A_221 = arith.constant 0 : i32
      %dma_start3A_222 = arith.constant 0 : i32
      %dma_start3A_223 = tpu.memref_slice %arg8[%dma_start3A_220, %dma_start3A_221, %dma_start3A_222] : memref<3x72x128xf32, #tpu.memory_space<vmem>> -> memref<1x72x128xf32, #tpu.memory_space<vmem>>
      %dma_start3A_224 = tpu.memref_squeeze %dma_start3A_223 : memref<1x72x128xf32, #tpu.memory_space<vmem>> -> memref<72x128xf32, #tpu.memory_space<vmem>>
      %dma_start3A_225 = arith.constant 0 : i32
      %dma_start3A_226 = tpu.memref_slice %arg7[%add3A_180, %dma_start3A_225] : memref<144x72xi32, #tpu.memory_space<vmem>> -> memref<1x72xi32, #tpu.memory_space<vmem>>
      %dma_start3A_227 = tpu.memref_squeeze %dma_start3A_226 : memref<1x72xi32, #tpu.memory_space<vmem>> -> memref<72xi32, #tpu.memory_space<vmem>>
      %dma_start3A_228 = arith.constant 0 : i32
      %dma_start3A_229 = arith.constant 0 : i32
      %dma_start3A_230 = tpu.memref_slice %arg9[%dma_start3A_228, %dma_start3A_229] : memref<10112x128xf32, #tpu.memory_space<vmem_shared>> -> memref<10112x128xf32, #tpu.memory_space<vmem_shared>>
      tpu.enqueue_indirect_dma source(%dma_start3A_224 : memref<72x128xf32, #tpu.memory_space<vmem>>) target(%dma_start3A_230 : memref<10112x128xf32, #tpu.memory_space<vmem_shared>>) offsets(%dma_start3A_227 : memref<72xi32, #tpu.memory_space<vmem>>) semaphore(%arg14 : memref<!tpu.dma_semaphore, #tpu.memory_space<semaphore_mem>>) {add = true}
      %mul3A_231 = arith.constant 3 : i32
      %mul3A_232 = arith.muli %scan3A_123, %mul3A_231 : i32
      %add3A_233 = arith.constant 2 : i32
      %add3A_234 = arith.addi %mul3A_232, %add3A_233 : i32
      %ge3A_235 = arith.constant 2 : i32
      %ge3A_236 = arith.cmpi sge, %add3A_234, %ge3A_235 : i32
      %convert_element_type3A_237 = arith.extui %ge3A_236 : i1 to i32
      %cond3A_238 = arith.constant 0 : i32
      %cond3A_239 = arith.cmpi ne, %convert_element_type3A_237, %cond3A_238 : i32
      scf.if %cond3A_239 {
        %dma_wait3A_286 = arith.constant 0 : i32
        %dma_wait3A_287 = arith.constant 0 : i32
        %dma_wait3A_288 = arith.constant 0 : i32
        %dma_wait3A_289 = arith.constant 0 : i32
        %dma_wait3A_290 = tpu.memref_slice %arg8[%dma_wait3A_286, %dma_wait3A_288, %dma_wait3A_289] : memref<3x72x128xf32, #tpu.memory_space<vmem>> -> memref<1x72x128xf32, #tpu.memory_space<vmem>>
        %dma_wait3A_291 = tpu.memref_squeeze %dma_wait3A_290 : memref<1x72x128xf32, #tpu.memory_space<vmem>> -> memref<72x128xf32, #tpu.memory_space<vmem>>
        %dma_wait3A_292 = arith.constant 0 : i32
        %dma_wait3A_293 = tpu.memref_slice %arg7[%dma_wait3A_287, %dma_wait3A_292] : memref<144x72xi32, #tpu.memory_space<vmem>> -> memref<1x72xi32, #tpu.memory_space<vmem>>
        %dma_wait3A_294 = tpu.memref_squeeze %dma_wait3A_293 : memref<1x72xi32, #tpu.memory_space<vmem>> -> memref<72xi32, #tpu.memory_space<vmem>>
        %dma_wait3A_295 = arith.constant 0 : i32
        %dma_wait3A_296 = arith.constant 0 : i32
        %dma_wait3A_297 = tpu.memref_slice %arg9[%dma_wait3A_295, %dma_wait3A_296] : memref<10112x128xf32, #tpu.memory_space<vmem_shared>> -> memref<10112x128xf32, #tpu.memory_space<vmem_shared>>
        tpu.wait_indirect_dma semaphore(%arg13 : memref<!tpu.dma_semaphore, #tpu.memory_space<semaphore_mem>>) src(%dma_wait3A_291 : memref<72x128xf32, #tpu.memory_space<vmem>>) dst(%dma_wait3A_297 : memref<10112x128xf32, #tpu.memory_space<vmem_shared>>)
      } else {
      }
      %add3A_240 = arith.constant 1 : i32
      %add3A_241 = arith.addi %add3A_234, %add3A_240 : i32
      %rem3A_242 = arith.constant 144 : i32
      %rem3A_243 = arith.remsi %add3A_241, %rem3A_242 : i32
      %dma_start3A_244 = arith.constant 0 : i32
      %dma_start3A_245 = arith.constant 0 : i32
      %dma_start3A_246 = arith.constant 0 : i32
      %dma_start3A_247 = tpu.memref_slice %arg8[%dma_start3A_244, %dma_start3A_245, %dma_start3A_246] : memref<3x72x128xf32, #tpu.memory_space<vmem>> -> memref<1x72x128xf32, #tpu.memory_space<vmem>>
      %dma_start3A_248 = tpu.memref_squeeze %dma_start3A_247 : memref<1x72x128xf32, #tpu.memory_space<vmem>> -> memref<72x128xf32, #tpu.memory_space<vmem>>
      %dma_start3A_249 = arith.constant 0 : i32
      %dma_start3A_250 = tpu.memref_slice %arg6[%rem3A_243, %dma_start3A_249] : memref<144x72xi32, #tpu.memory_space<vmem>> -> memref<1x72xi32, #tpu.memory_space<vmem>>
      %dma_start3A_251 = tpu.memref_squeeze %dma_start3A_250 : memref<1x72xi32, #tpu.memory_space<vmem>> -> memref<72xi32, #tpu.memory_space<vmem>>
      %dma_start3A_252 = arith.constant 0 : i32
      %dma_start3A_253 = arith.constant 0 : i32
      %dma_start3A_254 = tpu.memref_slice %arg2[%scan3A_67, %dma_start3A_252, %dma_start3A_253] : memref<2x20000x128xf32, #tpu.memory_space<hbm>> -> memref<1x20000x128xf32, #tpu.memory_space<hbm>>
      %dma_start3A_255 = tpu.memref_squeeze %dma_start3A_254 : memref<1x20000x128xf32, #tpu.memory_space<hbm>> -> memref<20000x128xf32, #tpu.memory_space<hbm>>
      %dma_start3A_256 = arith.constant 0 : i32
      %dma_start3A_257 = arith.constant 0 : i32
      %dma_start3A_258 = tpu.memref_slice %dma_start3A_255[%dma_start3A_256, %dma_start3A_257] : memref<20000x128xf32, #tpu.memory_space<hbm>> -> memref<20000x128xf32, #tpu.memory_space<hbm>>
      tpu.enqueue_indirect_dma source(%dma_start3A_258 : memref<20000x128xf32, #tpu.memory_space<hbm>>) target(%dma_start3A_248 : memref<72x128xf32, #tpu.memory_space<vmem>>) offsets(%dma_start3A_251 : memref<72xi32, #tpu.memory_space<vmem>>) semaphore(%arg10 : memref<!tpu.dma_semaphore, #tpu.memory_space<semaphore_mem>>)
      %dma_wait3A_259 = arith.constant 2 : i32
      %dma_wait3A_260 = arith.constant 0 : i32
      %dma_wait3A_261 = arith.constant 0 : i32
      %dma_wait3A_262 = tpu.memref_slice %arg8[%dma_wait3A_259, %dma_wait3A_260, %dma_wait3A_261] : memref<3x72x128xf32, #tpu.memory_space<vmem>> -> memref<1x72x128xf32, #tpu.memory_space<vmem>>
      %dma_wait3A_263 = tpu.memref_squeeze %dma_wait3A_262 : memref<1x72x128xf32, #tpu.memory_space<vmem>> -> memref<72x128xf32, #tpu.memory_space<vmem>>
      %dma_wait3A_264 = arith.constant 0 : i32
      %dma_wait3A_265 = tpu.memref_slice %arg6[%add3A_234, %dma_wait3A_264] : memref<144x72xi32, #tpu.memory_space<vmem>> -> memref<1x72xi32, #tpu.memory_space<vmem>>
      %dma_wait3A_266 = tpu.memref_squeeze %dma_wait3A_265 : memref<1x72xi32, #tpu.memory_space<vmem>> -> memref<72xi32, #tpu.memory_space<vmem>>
      %dma_wait3A_267 = arith.constant 0 : i32
      %dma_wait3A_268 = arith.constant 0 : i32
      %dma_wait3A_269 = tpu.memref_slice %arg2[%scan3A_67, %dma_wait3A_267, %dma_wait3A_268] : memref<2x20000x128xf32, #tpu.memory_space<hbm>> -> memref<1x20000x128xf32, #tpu.memory_space<hbm>>
      %dma_wait3A_270 = tpu.memref_squeeze %dma_wait3A_269 : memref<1x20000x128xf32, #tpu.memory_space<hbm>> -> memref<20000x128xf32, #tpu.memory_space<hbm>>
      %dma_wait3A_271 = arith.constant 0 : i32
      %dma_wait3A_272 = arith.constant 0 : i32
      %dma_wait3A_273 = tpu.memref_slice %dma_wait3A_270[%dma_wait3A_271, %dma_wait3A_272] : memref<20000x128xf32, #tpu.memory_space<hbm>> -> memref<20000x128xf32, #tpu.memory_space<hbm>>
      tpu.wait_indirect_dma semaphore(%arg12 : memref<!tpu.dma_semaphore, #tpu.memory_space<semaphore_mem>>) src(%dma_wait3A_273 : memref<20000x128xf32, #tpu.memory_space<hbm>>) dst(%dma_wait3A_263 : memref<72x128xf32, #tpu.memory_space<vmem>>)
      %dma_start3A_274 = arith.constant 2 : i32
      %dma_start3A_275 = arith.constant 0 : i32
      %dma_start3A_276 = arith.constant 0 : i32
      %dma_start3A_277 = tpu.memref_slice %arg8[%dma_start3A_274, %dma_start3A_275, %dma_start3A_276] : memref<3x72x128xf32, #tpu.memory_space<vmem>> -> memref<1x72x128xf32, #tpu.memory_space<vmem>>
      %dma_start3A_278 = tpu.memref_squeeze %dma_start3A_277 : memref<1x72x128xf32, #tpu.memory_space<vmem>> -> memref<72x128xf32, #tpu.memory_space<vmem>>
      %dma_start3A_279 = arith.constant 0 : i32
      %dma_start3A_280 = tpu.memref_slice %arg7[%add3A_234, %dma_start3A_279] : memref<144x72xi32, #tpu.memory_space<vmem>> -> memref<1x72xi32, #tpu.memory_space<vmem>>
      %dma_start3A_281 = tpu.memref_squeeze %dma_start3A_280 : memref<1x72xi32, #tpu.memory_space<vmem>> -> memref<72xi32, #tpu.memory_space<vmem>>
      %dma_start3A_282 = arith.constant 0 : i32
      %dma_start3A_283 = arith.constant 0 : i32
      %dma_start3A_284 = tpu.memref_slice %arg9[%dma_start3A_282, %dma_start3A_283] : memref<10112x128xf32, #tpu.memory_space<vmem_shared>> -> memref<10112x128xf32, #tpu.memory_space<vmem_shared>>
      tpu.enqueue_indirect_dma source(%dma_start3A_278 : memref<72x128xf32, #tpu.memory_space<vmem>>) target(%dma_start3A_284 : memref<10112x128xf32, #tpu.memory_space<vmem_shared>>) offsets(%dma_start3A_281 : memref<72xi32, #tpu.memory_space<vmem>>) semaphore(%arg15 : memref<!tpu.dma_semaphore, #tpu.memory_space<semaphore_mem>>) {add = true}
      %scan3A_285 = arith.constant 0 : i32
      scf.yield %scan3A_285 : i32
    }
    %scan3A_74 = arith.constant 48 : i32
    %dma_wait3A = arith.constant 1 : i32
    %dma_wait3A_75 = arith.constant 0 : i32
    %dma_wait3A_76 = arith.constant 0 : i32
    %dma_wait3A_77 = arith.constant 0 : i32
    %dma_wait3A_78 = tpu.memref_slice %arg8[%dma_wait3A, %dma_wait3A_76, %dma_wait3A_77] : memref<3x72x128xf32, #tpu.memory_space<vmem>> -> memref<1x72x128xf32, #tpu.memory_space<vmem>>
    %dma_wait3A_79 = tpu.memref_squeeze %dma_wait3A_78 : memref<1x72x128xf32, #tpu.memory_space<vmem>> -> memref<72x128xf32, #tpu.memory_space<vmem>>
    %dma_wait3A_80 = arith.constant 0 : i32
    %dma_wait3A_81 = tpu.memref_slice %arg7[%dma_wait3A_75, %dma_wait3A_80] : memref<144x72xi32, #tpu.memory_space<vmem>> -> memref<1x72xi32, #tpu.memory_space<vmem>>
    %dma_wait3A_82 = tpu.memref_squeeze %dma_wait3A_81 : memref<1x72xi32, #tpu.memory_space<vmem>> -> memref<72xi32, #tpu.memory_space<vmem>>
    %dma_wait3A_83 = arith.constant 0 : i32
    %dma_wait3A_84 = arith.constant 0 : i32
    %dma_wait3A_85 = tpu.memref_slice %arg9[%dma_wait3A_83, %dma_wait3A_84] : memref<10112x128xf32, #tpu.memory_space<vmem_shared>> -> memref<10112x128xf32, #tpu.memory_space<vmem_shared>>
    tpu.wait_indirect_dma semaphore(%arg14 : memref<!tpu.dma_semaphore, #tpu.memory_space<semaphore_mem>>) src(%dma_wait3A_79 : memref<72x128xf32, #tpu.memory_space<vmem>>) dst(%dma_wait3A_85 : memref<10112x128xf32, #tpu.memory_space<vmem_shared>>)
    %dma_wait3A_86 = arith.constant 2 : i32
    %dma_wait3A_87 = arith.constant 0 : i32
    %dma_wait3A_88 = arith.constant 0 : i32
    %dma_wait3A_89 = arith.constant 0 : i32
    %dma_wait3A_90 = tpu.memref_slice %arg8[%dma_wait3A_86, %dma_wait3A_88, %dma_wait3A_89] : memref<3x72x128xf32, #tpu.memory_space<vmem>> -> memref<1x72x128xf32, #tpu.memory_space<vmem>>
    %dma_wait3A_91 = tpu.memref_squeeze %dma_wait3A_90 : memref<1x72x128xf32, #tpu.memory_space<vmem>> -> memref<72x128xf32, #tpu.memory_space<vmem>>
    %dma_wait3A_92 = arith.constant 0 : i32
    %dma_wait3A_93 = tpu.memref_slice %arg7[%dma_wait3A_87, %dma_wait3A_92] : memref<144x72xi32, #tpu.memory_space<vmem>> -> memref<1x72xi32, #tpu.memory_space<vmem>>
    %dma_wait3A_94 = tpu.memref_squeeze %dma_wait3A_93 : memref<1x72xi32, #tpu.memory_space<vmem>> -> memref<72xi32, #tpu.memory_space<vmem>>
    %dma_wait3A_95 = arith.constant 0 : i32
    %dma_wait3A_96 = arith.constant 0 : i32
    %dma_wait3A_97 = tpu.memref_slice %arg9[%dma_wait3A_95, %dma_wait3A_96] : memref<10112x128xf32, #tpu.memory_space<vmem_shared>> -> memref<10112x128xf32, #tpu.memory_space<vmem_shared>>
    tpu.wait_indirect_dma semaphore(%arg15 : memref<!tpu.dma_semaphore, #tpu.memory_space<semaphore_mem>>) src(%dma_wait3A_91 : memref<72x128xf32, #tpu.memory_space<vmem>>) dst(%dma_wait3A_97 : memref<10112x128xf32, #tpu.memory_space<vmem_shared>>)
    %dma_wait3A_98 = arith.constant 1 : i32
    %dma_wait3A_99 = arith.constant 0 : i32
    %dma_wait3A_100 = arith.constant 0 : i32
    %dma_wait3A_101 = arith.constant 0 : i32
    %dma_wait3A_102 = arith.constant 0 : i32
    %dma_wait3A_103 = tpu.memref_slice %arg8[%dma_wait3A_100, %dma_wait3A_101, %dma_wait3A_102] : memref<3x72x128xf32, #tpu.memory_space<vmem>> -> memref<1x72x128xf32, #tpu.memory_space<vmem>>
    %dma_wait3A_104 = tpu.memref_squeeze %dma_wait3A_103 : memref<1x72x128xf32, #tpu.memory_space<vmem>> -> memref<72x128xf32, #tpu.memory_space<vmem>>
    %dma_wait3A_105 = arith.constant 0 : i32
    %dma_wait3A_106 = tpu.memref_slice %arg6[%dma_wait3A_99, %dma_wait3A_105] : memref<144x72xi32, #tpu.memory_space<vmem>> -> memref<1x72xi32, #tpu.memory_space<vmem>>
    %dma_wait3A_107 = tpu.memref_squeeze %dma_wait3A_106 : memref<1x72xi32, #tpu.memory_space<vmem>> -> memref<72xi32, #tpu.memory_space<vmem>>
    %dma_wait3A_108 = arith.constant 0 : i32
    %dma_wait3A_109 = arith.constant 0 : i32
    %dma_wait3A_110 = tpu.memref_slice %arg2[%dma_wait3A_98, %dma_wait3A_108, %dma_wait3A_109] : memref<2x20000x128xf32, #tpu.memory_space<hbm>> -> memref<1x20000x128xf32, #tpu.memory_space<hbm>>
    %dma_wait3A_111 = tpu.memref_squeeze %dma_wait3A_110 : memref<1x20000x128xf32, #tpu.memory_space<hbm>> -> memref<20000x128xf32, #tpu.memory_space<hbm>>
    %dma_wait3A_112 = arith.constant 0 : i32
    %dma_wait3A_113 = arith.constant 0 : i32
    %dma_wait3A_114 = tpu.memref_slice %dma_wait3A_111[%dma_wait3A_112, %dma_wait3A_113] : memref<20000x128xf32, #tpu.memory_space<hbm>> -> memref<20000x128xf32, #tpu.memory_space<hbm>>
    tpu.wait_indirect_dma semaphore(%arg10 : memref<!tpu.dma_semaphore, #tpu.memory_space<semaphore_mem>>) src(%dma_wait3A_114 : memref<20000x128xf32, #tpu.memory_space<hbm>>) dst(%dma_wait3A_104 : memref<72x128xf32, #tpu.memory_space<vmem>>)
    %barrier3A_115 = arith.constant 0 : index
    tpu.barrier barrier_id(%barrier3A_115)
    %mul3A_116 = arith.constant 624 : i32
    %mul3A_117 = arith.muli %arg1, %mul3A_116 : i32
    %mul3A_118 = arith.constant 10000 : i32
    %mul3A_119 = arith.muli %arg0, %mul3A_118 : i32
    %add3A_120 = arith.addi %mul3A_119, %mul3A_117 : i32
    "tpu.region"() ({
      %run_scoped3A_123 = tpu.sem_alloc : memref<!tpu.dma_semaphore, #tpu.memory_space<semaphore_mem>>
      %dma_start3A_124 = arith.constant 0 : i32
      %dma_start3A_125 = tpu.memref_slice %arg5[%add3A_120, %dma_start3A_124] : memref<20000x128xf32, #tpu.memory_space<hbm>> -> memref<624x128xf32, #tpu.memory_space<hbm>>
      %dma_start3A_126 = arith.constant 0 : i32
      %dma_start3A_127 = tpu.memref_slice %arg9[%mul3A_117, %dma_start3A_126] : memref<10112x128xf32, #tpu.memory_space<vmem_shared>> -> memref<624x128xf32, #tpu.memory_space<vmem_shared>>
      tpu.enqueue_dma source(%dma_start3A_127 : memref<624x128xf32, #tpu.memory_space<vmem_shared>>) target(%dma_start3A_125 : memref<624x128xf32, #tpu.memory_space<hbm>>) target_semaphore(%run_scoped3A_123 : memref<!tpu.dma_semaphore, #tpu.memory_space<semaphore_mem>>)
      %dma_wait3A_128 = arith.constant 0 : i32
      %dma_wait3A_129 = tpu.memref_slice %arg5[%add3A_120, %dma_wait3A_128] : memref<20000x128xf32, #tpu.memory_space<hbm>> -> memref<624x128xf32, #tpu.memory_space<hbm>>
      %dma_wait3A_130 = arith.constant 0 : i32
      %dma_wait3A_131 = tpu.memref_slice %arg9[%mul3A_117, %dma_wait3A_130] : memref<10112x128xf32, #tpu.memory_space<vmem_shared>> -> memref<624x128xf32, #tpu.memory_space<vmem_shared>>
      tpu.wait_dma2 semaphore(%run_scoped3A_123 : memref<!tpu.dma_semaphore, #tpu.memory_space<semaphore_mem>>) src(%dma_wait3A_131 : memref<624x128xf32, #tpu.memory_space<vmem_shared>>) dst(%dma_wait3A_129 : memref<624x128xf32, #tpu.memory_space<hbm>>)
      tpu.yield
    }) : () -> ()
    %eq3A = arith.constant 15 : i32
    %eq3A_121 = arith.cmpi eq, %arg1, %eq3A : i32
    %convert_element_type3A = arith.extui %eq3A_121 : i1 to i32
    %cond3A = arith.constant 0 : i32
    %cond3A_122 = arith.cmpi ne, %convert_element_type3A, %cond3A : i32
    scf.if %cond3A_122 {
      %mul3A_123 = arith.constant 10000 : i32
      %mul3A_124 = arith.muli %arg0, %mul3A_123 : i32
      %add3A_125 = arith.constant 9984 : i32
      %add3A_126 = arith.addi %mul3A_124, %add3A_125 : i32
      "tpu.region"() ({
        %run_scoped3A_127 = tpu.sem_alloc : memref<!tpu.dma_semaphore, #tpu.memory_space<semaphore_mem>>
        %dma_start3A_128 = arith.constant 0 : i32
        %dma_start3A_129 = tpu.memref_slice %arg5[%add3A_126, %dma_start3A_128] : memref<20000x128xf32, #tpu.memory_space<hbm>> -> memref<16x128xf32, #tpu.memory_space<hbm>>
        %dma_start3A_130 = arith.constant 9984 : i32
        %dma_start3A_131 = arith.constant 0 : i32
        %dma_start3A_132 = tpu.memref_slice %arg9[%dma_start3A_130, %dma_start3A_131] : memref<10112x128xf32, #tpu.memory_space<vmem_shared>> -> memref<16x128xf32, #tpu.memory_space<vmem_shared>>
        tpu.enqueue_dma source(%dma_start3A_132 : memref<16x128xf32, #tpu.memory_space<vmem_shared>>) target(%dma_start3A_129 : memref<16x128xf32, #tpu.memory_space<hbm>>) target_semaphore(%run_scoped3A_127 : memref<!tpu.dma_semaphore, #tpu.memory_space<semaphore_mem>>)
        %dma_wait3A_133 = arith.constant 0 : i32
        %dma_wait3A_134 = tpu.memref_slice %arg5[%add3A_126, %dma_wait3A_133] : memref<20000x128xf32, #tpu.memory_space<hbm>> -> memref<16x128xf32, #tpu.memory_space<hbm>>
        %dma_wait3A_135 = arith.constant 9984 : i32
        %dma_wait3A_136 = arith.constant 0 : i32
        %dma_wait3A_137 = tpu.memref_slice %arg9[%dma_wait3A_135, %dma_wait3A_136] : memref<10112x128xf32, #tpu.memory_space<vmem_shared>> -> memref<16x128xf32, #tpu.memory_space<vmem_shared>>
        tpu.wait_dma2 semaphore(%run_scoped3A_127 : memref<!tpu.dma_semaphore, #tpu.memory_space<semaphore_mem>>) src(%dma_wait3A_137 : memref<16x128xf32, #tpu.memory_space<vmem_shared>>) dst(%dma_wait3A_134 : memref<16x128xf32, #tpu.memory_space<hbm>>)
        tpu.yield
      }) : () -> ()
    } else {
    }
    return
  }
}

#map = affine_map<(d0, d1) -> (0, 0, 0)>
#map1 = affine_map<(d0, d1) -> (0, 0)>
module attributes {stable_mosaic.version = 14 : i64} {
  func.func @_sc_seg_body(%arg0: i32, %arg1: i32, %arg2: memref<2x20000x128xf32, #tpu.memory_space<hbm>>, %arg3: memref<32x144x72xi32, #tpu.memory_space<hbm>>, %arg4: memref<16x144x72xi32, #tpu.memory_space<hbm>>, %arg5: memref<20000x128xf32, #tpu.memory_space<hbm>>, %arg6: memref<144x72xi32, #tpu.memory_space<vmem>>, %arg7: memref<144x72xi32, #tpu.memory_space<vmem>>, %arg8: memref<3x72x128xf32, #tpu.memory_space<vmem>>, %arg9: memref<10112x128xf32, #tpu.memory_space<vmem_shared>>, %arg10: memref<!tpu.dma_semaphore, #tpu.memory_space<semaphore_mem>>, %arg11: memref<!tpu.dma_semaphore, #tpu.memory_space<semaphore_mem>>, %arg12: memref<!tpu.dma_semaphore, #tpu.memory_space<semaphore_mem>>, %arg13: memref<!tpu.dma_semaphore, #tpu.memory_space<semaphore_mem>>, %arg14: memref<!tpu.dma_semaphore, #tpu.memory_space<semaphore_mem>>, %arg15: memref<!tpu.dma_semaphore, #tpu.memory_space<semaphore_mem>>) attributes {dimension_semantics = [#tpu.dimension_semantics<core_parallel>, #tpu.dimension_semantics<subcore_parallel>], iteration_bounds = array<i64: 2, 16>, scalar_prefetch = 0 : i64, scratch_operands = 10 : i64, tpu.core_type = #tpu.core_type<sc_vector_subcore>, window_params = [{transform_indices = #map}, {transform_indices = #map}, {transform_indices = #map}, {transform_indices = #map1}]} {
    %mul3A = arith.constant 16 : i32
    %mul3A_0 = arith.muli %arg0, %mul3A : i32
    %add3A = arith.addi %mul3A_0, %arg1 : i32
    "tpu.region"() ({
      %run_scoped3A_123 = tpu.sem_alloc : memref<!tpu.dma_semaphore, #tpu.memory_space<semaphore_mem>>
      %dma_start3A_124 = arith.constant 0 : i32
      %dma_start3A_125 = arith.constant 0 : i32
      %dma_start3A_126 = tpu.memref_slice %arg3[%add3A, %dma_start3A_124, %dma_start3A_125] : memref<32x144x72xi32, #tpu.memory_space<hbm>> -> memref<1x144x72xi32, #tpu.memory_space<hbm>>
      %dma_start3A_127 = tpu.memref_squeeze %dma_start3A_126 : memref<1x144x72xi32, #tpu.memory_space<hbm>> -> memref<144x72xi32, #tpu.memory_space<hbm>>
      %dma_start3A_128 = arith.constant 0 : i32
      %dma_start3A_129 = arith.constant 0 : i32
      %dma_start3A_130 = tpu.memref_slice %arg3[%add3A, %dma_start3A_128, %dma_start3A_129] : memref<32x144x72xi32, #tpu.memory_space<hbm>> -> memref<1x144x72xi32, #tpu.memory_space<hbm>>
      %dma_start3A_131 = tpu.memref_squeeze %dma_start3A_130 : memref<1x144x72xi32, #tpu.memory_space<hbm>> -> memref<144x72xi32, #tpu.memory_space<hbm>>
      tpu.enqueue_dma source(%dma_start3A_131 : memref<144x72xi32, #tpu.memory_space<hbm>>) target(%arg6 : memref<144x72xi32, #tpu.memory_space<vmem>>) target_semaphore(%run_scoped3A_123 : memref<!tpu.dma_semaphore, #tpu.memory_space<semaphore_mem>>)
      %dma_wait3A_132 = arith.constant 0 : i32
      %dma_wait3A_133 = arith.constant 0 : i32
      %dma_wait3A_134 = tpu.memref_slice %arg3[%add3A, %dma_wait3A_132, %dma_wait3A_133] : memref<32x144x72xi32, #tpu.memory_space<hbm>> -> memref<1x144x72xi32, #tpu.memory_space<hbm>>
      %dma_wait3A_135 = tpu.memref_squeeze %dma_wait3A_134 : memref<1x144x72xi32, #tpu.memory_space<hbm>> -> memref<144x72xi32, #tpu.memory_space<hbm>>
      %dma_wait3A_136 = arith.constant 0 : i32
      %dma_wait3A_137 = arith.constant 0 : i32
      %dma_wait3A_138 = tpu.memref_slice %arg3[%add3A, %dma_wait3A_136, %dma_wait3A_137] : memref<32x144x72xi32, #tpu.memory_space<hbm>> -> memref<1x144x72xi32, #tpu.memory_space<hbm>>
      %dma_wait3A_139 = tpu.memref_squeeze %dma_wait3A_138 : memref<1x144x72xi32, #tpu.memory_space<hbm>> -> memref<144x72xi32, #tpu.memory_space<hbm>>
      tpu.wait_dma2 semaphore(%run_scoped3A_123 : memref<!tpu.dma_semaphore, #tpu.memory_space<semaphore_mem>>) src(%dma_wait3A_139 : memref<144x72xi32, #tpu.memory_space<hbm>>) dst(%arg6 : memref<144x72xi32, #tpu.memory_space<vmem>>)
      tpu.yield
    }) : () -> ()
    "tpu.region"() ({
      %run_scoped3A_123 = tpu.sem_alloc : memref<!tpu.dma_semaphore, #tpu.memory_space<semaphore_mem>>
      %dma_start3A_124 = arith.constant 0 : i32
      %dma_start3A_125 = arith.constant 0 : i32
      %dma_start3A_126 = tpu.memref_slice %arg4[%arg1, %dma_start3A_124, %dma_start3A_125] : memref<16x144x72xi32, #tpu.memory_space<hbm>> -> memref<1x144x72xi32, #tpu.memory_space<hbm>>
      %dma_start3A_127 = tpu.memref_squeeze %dma_start3A_126 : memref<1x144x72xi32, #tpu.memory_space<hbm>> -> memref<144x72xi32, #tpu.memory_space<hbm>>
      %dma_start3A_128 = arith.constant 0 : i32
      %dma_start3A_129 = arith.constant 0 : i32
      %dma_start3A_130 = tpu.memref_slice %arg4[%arg1, %dma_start3A_128, %dma_start3A_129] : memref<16x144x72xi32, #tpu.memory_space<hbm>> -> memref<1x144x72xi32, #tpu.memory_space<hbm>>
      %dma_start3A_131 = tpu.memref_squeeze %dma_start3A_130 : memref<1x144x72xi32, #tpu.memory_space<hbm>> -> memref<144x72xi32, #tpu.memory_space<hbm>>
      tpu.enqueue_dma source(%dma_start3A_131 : memref<144x72xi32, #tpu.memory_space<hbm>>) target(%arg7 : memref<144x72xi32, #tpu.memory_space<vmem>>) target_semaphore(%run_scoped3A_123 : memref<!tpu.dma_semaphore, #tpu.memory_space<semaphore_mem>>)
      %dma_wait3A_132 = arith.constant 0 : i32
      %dma_wait3A_133 = arith.constant 0 : i32
      %dma_wait3A_134 = tpu.memref_slice %arg4[%arg1, %dma_wait3A_132, %dma_wait3A_133] : memref<16x144x72xi32, #tpu.memory_space<hbm>> -> memref<1x144x72xi32, #tpu.memory_space<hbm>>
      %dma_wait3A_135 = tpu.memref_squeeze %dma_wait3A_134 : memref<1x144x72xi32, #tpu.memory_space<hbm>> -> memref<144x72xi32, #tpu.memory_space<hbm>>
      %dma_wait3A_136 = arith.constant 0 : i32
      %dma_wait3A_137 = arith.constant 0 : i32
      %dma_wait3A_138 = tpu.memref_slice %arg4[%arg1, %dma_wait3A_136, %dma_wait3A_137] : memref<16x144x72xi32, #tpu.memory_space<hbm>> -> memref<1x144x72xi32, #tpu.memory_space<hbm>>
      %dma_wait3A_139 = tpu.memref_squeeze %dma_wait3A_138 : memref<1x144x72xi32, #tpu.memory_space<hbm>> -> memref<144x72xi32, #tpu.memory_space<hbm>>
      tpu.wait_dma2 semaphore(%run_scoped3A_123 : memref<!tpu.dma_semaphore, #tpu.memory_space<semaphore_mem>>) src(%dma_wait3A_139 : memref<144x72xi32, #tpu.memory_space<hbm>>) dst(%arg7 : memref<144x72xi32, #tpu.memory_space<vmem>>)
      tpu.yield
    }) : () -> ()
    %dma_start3A = arith.constant 0 : i32
    %dma_start3A_1 = arith.constant 0 : i32
    %dma_start3A_2 = arith.constant 0 : i32
    %dma_start3A_3 = arith.constant 0 : i32
    %dma_start3A_4 = arith.constant 0 : i32
    %dma_start3A_5 = tpu.memref_slice %arg8[%dma_start3A_2, %dma_start3A_3, %dma_start3A_4] : memref<3x72x128xf32, #tpu.memory_space<vmem>> -> memref<1x72x128xf32, #tpu.memory_space<vmem>>
    %dma_start3A_6 = tpu.memref_squeeze %dma_start3A_5 : memref<1x72x128xf32, #tpu.memory_space<vmem>> -> memref<72x128xf32, #tpu.memory_space<vmem>>
    %dma_start3A_7 = arith.constant 0 : i32
    %dma_start3A_8 = tpu.memref_slice %arg6[%dma_start3A_1, %dma_start3A_7] : memref<144x72xi32, #tpu.memory_space<vmem>> -> memref<1x72xi32, #tpu.memory_space<vmem>>
    %dma_start3A_9 = tpu.memref_squeeze %dma_start3A_8 : memref<1x72xi32, #tpu.memory_space<vmem>> -> memref<72xi32, #tpu.memory_space<vmem>>
    %dma_start3A_10 = arith.constant 0 : i32
    %dma_start3A_11 = arith.constant 0 : i32
    %dma_start3A_12 = tpu.memref_slice %arg2[%dma_start3A, %dma_start3A_10, %dma_start3A_11] : memref<2x20000x128xf32, #tpu.memory_space<hbm>> -> memref<1x20000x128xf32, #tpu.memory_space<hbm>>
    %dma_start3A_13 = tpu.memref_squeeze %dma_start3A_12 : memref<1x20000x128xf32, #tpu.memory_space<hbm>> -> memref<20000x128xf32, #tpu.memory_space<hbm>>
    %dma_start3A_14 = arith.constant 0 : i32
    %dma_start3A_15 = arith.constant 0 : i32
    %dma_start3A_16 = tpu.memref_slice %dma_start3A_13[%dma_start3A_14, %dma_start3A_15] : memref<20000x128xf32, #tpu.memory_space<hbm>> -> memref<20000x128xf32, #tpu.memory_space<hbm>>
    tpu.enqueue_indirect_dma source(%dma_start3A_16 : memref<20000x128xf32, #tpu.memory_space<hbm>>) target(%dma_start3A_6 : memref<72x128xf32, #tpu.memory_space<vmem>>) offsets(%dma_start3A_9 : memref<72xi32, #tpu.memory_space<vmem>>) semaphore(%arg10 : memref<!tpu.dma_semaphore, #tpu.memory_space<semaphore_mem>>)
    %scan3A = arith.constant 0 : i32
    %scan3A_17 = arith.constant 0 : i32
    %scan3A_18 = arith.constant 72 : i32
    %scan3A_19 = arith.addi %scan3A_17, %scan3A_18 : i32
    %scan3A_20 = arith.constant 1 : i32
    %scan3A_21 = scf.for %scan3A_123 = %scan3A_17 to %scan3A_19 step %scan3A_20 iter_args(%scan3A_124 = %scan3A) -> (i32)  : i32 {
      %broadcast_in_dim3A = arith.constant 0.000000e+00 : f32
      %broadcast_in_dim3A_125 = vector.broadcast %broadcast_in_dim3A : f32 to vector<16xf32>
      %swap3A = arith.constant 2 : i32
      %swap3A_126 = arith.index_cast %swap3A : i32 to index
      %swap3A_127 = arith.index_cast %scan3A_123 : i32 to index
      %swap3A_128 = arith.constant 0 : index
      %swap3A_129 = tpu.vector_load %arg8[%swap3A_126, %swap3A_127, %swap3A_128] {strides = array<i32>} : memref<3x72x128xf32, #tpu.memory_space<vmem>>, vector<1x1x16xf32>,
      %swap3A_130 = vector.shape_cast %swap3A_129 : vector<1x1x16xf32> to vector<16xf32>
      %swap3A_131 = vector.shape_cast %broadcast_in_dim3A_125 : vector<16xf32> to vector<1x1x16xf32>
      tpu.vector_store %arg8[%swap3A_126, %swap3A_127, %swap3A_128], %swap3A_131 {strides = array<i32>} : memref<3x72x128xf32, #tpu.memory_space<vmem>>, vector<1x1x16xf32>,
      %broadcast_in_dim3A_132 = arith.constant 0.000000e+00 : f32
      %broadcast_in_dim3A_133 = vector.broadcast %broadcast_in_dim3A_132 : f32 to vector<16xf32>
      %swap3A_134 = arith.constant 2 : i32
      %swap3A_135 = arith.index_cast %swap3A_134 : i32 to index
      %swap3A_136 = arith.index_cast %scan3A_123 : i32 to index
      %swap3A_137 = arith.constant 16 : index
      %swap3A_138 = tpu.vector_load %arg8[%swap3A_135, %swap3A_136, %swap3A_137] {strides = array<i32>} : memref<3x72x128xf32, #tpu.memory_space<vmem>>, vector<1x1x16xf32>,
      %swap3A_139 = vector.shape_cast %swap3A_138 : vector<1x1x16xf32> to vector<16xf32>
      %swap3A_140 = vector.shape_cast %broadcast_in_dim3A_133 : vector<16xf32> to vector<1x1x16xf32>
      tpu.vector_store %arg8[%swap3A_135, %swap3A_136, %swap3A_137], %swap3A_140 {strides = array<i32>} : memref<3x72x128xf32, #tpu.memory_space<vmem>>, vector<1x1x16xf32>,
      %broadcast_in_dim3A_141 = arith.constant 0.000000e+00 : f32
      %broadcast_in_dim3A_142 = vector.broadcast %broadcast_in_dim3A_141 : f32 to vector<16xf32>
      %swap3A_143 = arith.constant 2 : i32
      %swap3A_144 = arith.index_cast %swap3A_143 : i32 to index
      %swap3A_145 = arith.index_cast %scan3A_123 : i32 to index
      %swap3A_146 = arith.constant 32 : index
      %swap3A_147 = tpu.vector_load %arg8[%swap3A_144, %swap3A_145, %swap3A_146] {strides = array<i32>} : memref<3x72x128xf32, #tpu.memory_space<vmem>>, vector<1x1x16xf32>,
      %swap3A_148 = vector.shape_cast %swap3A_147 : vector<1x1x16xf32> to vector<16xf32>
      %swap3A_149 = vector.shape_cast %broadcast_in_dim3A_142 : vector<16xf32> to vector<1x1x16xf32>
      tpu.vector_store %arg8[%swap3A_144, %swap3A_145, %swap3A_146], %swap3A_149 {strides = array<i32>} : memref<3x72x128xf32, #tpu.memory_space<vmem>>, vector<1x1x16xf32>,
      %broadcast_in_dim3A_150 = arith.constant 0.000000e+00 : f32
      %broadcast_in_dim3A_151 = vector.broadcast %broadcast_in_dim3A_150 : f32 to vector<16xf32>
      %swap3A_152 = arith.constant 2 : i32
      %swap3A_153 = arith.index_cast %swap3A_152 : i32 to index
      %swap3A_154 = arith.index_cast %scan3A_123 : i32 to index
      %swap3A_155 = arith.constant 48 : index
      %swap3A_156 = tpu.vector_load %arg8[%swap3A_153, %swap3A_154, %swap3A_155] {strides = array<i32>} : memref<3x72x128xf32, #tpu.memory_space<vmem>>, vector<1x1x16xf32>,
      %swap3A_157 = vector.shape_cast %swap3A_156 : vector<1x1x16xf32> to vector<16xf32>
      %swap3A_158 = vector.shape_cast %broadcast_in_dim3A_151 : vector<16xf32> to vector<1x1x16xf32>
      tpu.vector_store %arg8[%swap3A_153, %swap3A_154, %swap3A_155], %swap3A_158 {strides = array<i32>} : memref<3x72x128xf32, #tpu.memory_space<vmem>>, vector<1x1x16xf32>,
      %broadcast_in_dim3A_159 = arith.constant 0.000000e+00 : f32
      %broadcast_in_dim3A_160 = vector.broadcast %broadcast_in_dim3A_159 : f32 to vector<16xf32>
      %swap3A_161 = arith.constant 2 : i32
      %swap3A_162 = arith.index_cast %swap3A_161 : i32 to index
      %swap3A_163 = arith.index_cast %scan3A_123 : i32 to index
      %swap3A_164 = arith.constant 64 : index
      %swap3A_165 = tpu.vector_load %arg8[%swap3A_162, %swap3A_163, %swap3A_164] {strides = array<i32>} : memref<3x72x128xf32, #tpu.memory_space<vmem>>, vector<1x1x16xf32>,
      %swap3A_166 = vector.shape_cast %swap3A_165 : vector<1x1x16xf32> to vector<16xf32>
      %swap3A_167 = vector.shape_cast %broadcast_in_dim3A_160 : vector<16xf32> to vector<1x1x16xf32>
      tpu.vector_store %arg8[%swap3A_162, %swap3A_163, %swap3A_164], %swap3A_167 {strides = array<i32>} : memref<3x72x128xf32, #tpu.memory_space<vmem>>, vector<1x1x16xf32>,
      %broadcast_in_dim3A_168 = arith.constant 0.000000e+00 : f32
      %broadcast_in_dim3A_169 = vector.broadcast %broadcast_in_dim3A_168 : f32 to vector<16xf32>
      %swap3A_170 = arith.constant 2 : i32
      %swap3A_171 = arith.index_cast %swap3A_170 : i32 to index
      %swap3A_172 = arith.index_cast %scan3A_123 : i32 to index
      %swap3A_173 = arith.constant 80 : index
      %swap3A_174 = tpu.vector_load %arg8[%swap3A_171, %swap3A_172, %swap3A_173] {strides = array<i32>} : memref<3x72x128xf32, #tpu.memory_space<vmem>>, vector<1x1x16xf32>,
      %swap3A_175 = vector.shape_cast %swap3A_174 : vector<1x1x16xf32> to vector<16xf32>
      %swap3A_176 = vector.shape_cast %broadcast_in_dim3A_169 : vector<16xf32> to vector<1x1x16xf32>
      tpu.vector_store %arg8[%swap3A_171, %swap3A_172, %swap3A_173], %swap3A_176 {strides = array<i32>} : memref<3x72x128xf32, #tpu.memory_space<vmem>>, vector<1x1x16xf32>,
      %broadcast_in_dim3A_177 = arith.constant 0.000000e+00 : f32
      %broadcast_in_dim3A_178 = vector.broadcast %broadcast_in_dim3A_177 : f32 to vector<16xf32>
      %swap3A_179 = arith.constant 2 : i32
      %swap3A_180 = arith.index_cast %swap3A_179 : i32 to index
      %swap3A_181 = arith.index_cast %scan3A_123 : i32 to index
      %swap3A_182 = arith.constant 96 : index
      %swap3A_183 = tpu.vector_load %arg8[%swap3A_180, %swap3A_181, %swap3A_182] {strides = array<i32>} : memref<3x72x128xf32, #tpu.memory_space<vmem>>, vector<1x1x16xf32>,
      %swap3A_184 = vector.shape_cast %swap3A_183 : vector<1x1x16xf32> to vector<16xf32>
      %swap3A_185 = vector.shape_cast %broadcast_in_dim3A_178 : vector<16xf32> to vector<1x1x16xf32>
      tpu.vector_store %arg8[%swap3A_180, %swap3A_181, %swap3A_182], %swap3A_185 {strides = array<i32>} : memref<3x72x128xf32, #tpu.memory_space<vmem>>, vector<1x1x16xf32>,
      %broadcast_in_dim3A_186 = arith.constant 0.000000e+00 : f32
      %broadcast_in_dim3A_187 = vector.broadcast %broadcast_in_dim3A_186 : f32 to vector<16xf32>
      %swap3A_188 = arith.constant 2 : i32
      %swap3A_189 = arith.index_cast %swap3A_188 : i32 to index
      %swap3A_190 = arith.index_cast %scan3A_123 : i32 to index
      %swap3A_191 = arith.constant 112 : index
      %swap3A_192 = tpu.vector_load %arg8[%swap3A_189, %swap3A_190, %swap3A_191] {strides = array<i32>} : memref<3x72x128xf32, #tpu.memory_space<vmem>>, vector<1x1x16xf32>,
      %swap3A_193 = vector.shape_cast %swap3A_192 : vector<1x1x16xf32> to vector<16xf32>
      %swap3A_194 = vector.shape_cast %broadcast_in_dim3A_187 : vector<16xf32> to vector<1x1x16xf32>
      tpu.vector_store %arg8[%swap3A_189, %swap3A_190, %swap3A_191], %swap3A_194 {strides = array<i32>} : memref<3x72x128xf32, #tpu.memory_space<vmem>>, vector<1x1x16xf32>,
      %scan3A_195 = arith.constant 0 : i32
      scf.yield %scan3A_195 : i32
    }
    %scan3A_22 = arith.constant 72 : i32
    %mul3A_23 = arith.constant 632 : i32
    %mul3A_24 = arith.muli %arg1, %mul3A_23 : i32
    %add3A_25 = arith.constant 0 : i32
    %add3A_26 = arith.addi %mul3A_24, %add3A_25 : i32
    %run_scoped3A = arith.constant 2 : i32
    "tpu.region"() ({
      %run_scoped3A_123 = tpu.sem_alloc : memref<!tpu.dma_semaphore, #tpu.memory_space<semaphore_mem>>
      %dma_start3A_124 = arith.constant 0 : i32
      %dma_start3A_125 = arith.constant 0 : i32
      %dma_start3A_126 = tpu.memref_slice %arg8[%run_scoped3A, %dma_start3A_124, %dma_start3A_125] : memref<3x72x128xf32, #tpu.memory_space<vmem>> -> memref<1x72x128xf32, #tpu.memory_space<vmem>>
      %dma_start3A_127 = tpu.memref_squeeze %dma_start3A_126 : memref<1x72x128xf32, #tpu.memory_space<vmem>> -> memref<72x128xf32, #tpu.memory_space<vmem>>
      %dma_start3A_128 = arith.constant 0 : i32
      %dma_start3A_129 = tpu.memref_slice %arg9[%add3A_26, %dma_start3A_128] : memref<10112x128xf32, #tpu.memory_space<vmem_shared>> -> memref<72x128xf32, #tpu.memory_space<vmem_shared>>
      %dma_start3A_130 = arith.constant 0 : i32
      %dma_start3A_131 = tpu.memref_slice %arg9[%add3A_26, %dma_start3A_130] : memref<10112x128xf32, #tpu.memory_space<vmem_shared>> -> memref<72x128xf32, #tpu.memory_space<vmem_shared>>
      %dma_start3A_132 = arith.constant 0 : i32
      %dma_start3A_133 = arith.constant 0 : i32
      %dma_start3A_134 = tpu.memref_slice %arg8[%run_scoped3A, %dma_start3A_132, %dma_start3A_133] : memref<3x72x128xf32, #tpu.memory_space<vmem>> -> memref<1x72x128xf32, #tpu.memory_space<vmem>>
      %dma_start3A_135 = tpu.memref_squeeze %dma_start3A_134 : memref<1x72x128xf32, #tpu.memory_space<vmem>> -> memref<72x128xf32, #tpu.memory_space<vmem>>
      tpu.enqueue_dma source(%dma_start3A_135 : memref<72x128xf32, #tpu.memory_space<vmem>>) target(%dma_start3A_131 : memref<72x128xf32, #tpu.memory_space<vmem_shared>>) target_semaphore(%run_scoped3A_123 : memref<!tpu.dma_semaphore, #tpu.memory_space<semaphore_mem>>)
      %dma_wait3A_136 = arith.constant 0 : i32
      %dma_wait3A_137 = arith.constant 0 : i32
      %dma_wait3A_138 = tpu.memref_slice %arg8[%run_scoped3A, %dma_wait3A_136, %dma_wait3A_137] : memref<3x72x128xf32, #tpu.memory_space<vmem>> -> memref<1x72x128xf32, #tpu.memory_space<vmem>>
      %dma_wait3A_139 = tpu.memref_squeeze %dma_wait3A_138 : memref<1x72x128xf32, #tpu.memory_space<vmem>> -> memref<72x128xf32, #tpu.memory_space<vmem>>
      %dma_wait3A_140 = arith.constant 0 : i32
      %dma_wait3A_141 = tpu.memref_slice %arg9[%add3A_26, %dma_wait3A_140] : memref<10112x128xf32, #tpu.memory_space<vmem_shared>> -> memref<72x128xf32, #tpu.memory_space<vmem_shared>>
      %dma_wait3A_142 = arith.constant 0 : i32
      %dma_wait3A_143 = tpu.memref_slice %arg9[%add3A_26, %dma_wait3A_142] : memref<10112x128xf32, #tpu.memory_space<vmem_shared>> -> memref<72x128xf32, #tpu.memory_space<vmem_shared>>
      %dma_wait3A_144 = arith.constant 0 : i32
      %dma_wait3A_145 = arith.constant 0 : i32
      %dma_wait3A_146 = tpu.memref_slice %arg8[%run_scoped3A, %dma_wait3A_144, %dma_wait3A_145] : memref<3x72x128xf32, #tpu.memory_space<vmem>> -> memref<1x72x128xf32, #tpu.memory_space<vmem>>
      %dma_wait3A_147 = tpu.memref_squeeze %dma_wait3A_146 : memref<1x72x128xf32, #tpu.memory_space<vmem>> -> memref<72x128xf32, #tpu.memory_space<vmem>>
      tpu.wait_dma2 semaphore(%run_scoped3A_123 : memref<!tpu.dma_semaphore, #tpu.memory_space<semaphore_mem>>) src(%dma_wait3A_147 : memref<72x128xf32, #tpu.memory_space<vmem>>) dst(%dma_wait3A_143 : memref<72x128xf32, #tpu.memory_space<vmem_shared>>)
      tpu.yield
    }) : () -> ()
    %mul3A_27 = arith.constant 632 : i32
    %mul3A_28 = arith.muli %arg1, %mul3A_27 : i32
    %add3A_29 = arith.constant 72 : i32
    %add3A_30 = arith.addi %mul3A_28, %add3A_29 : i32
    %run_scoped3A_31 = arith.constant 2 : i32
    "tpu.region"() ({
      %run_scoped3A_123 = tpu.sem_alloc : memref<!tpu.dma_semaphore, #tpu.memory_space<semaphore_mem>>
      %dma_start3A_124 = arith.constant 0 : i32
      %dma_start3A_125 = arith.constant 0 : i32
      %dma_start3A_126 = tpu.memref_slice %arg8[%run_scoped3A_31, %dma_start3A_124, %dma_start3A_125] : memref<3x72x128xf32, #tpu.memory_space<vmem>> -> memref<1x72x128xf32, #tpu.memory_space<vmem>>
      %dma_start3A_127 = tpu.memref_squeeze %dma_start3A_126 : memref<1x72x128xf32, #tpu.memory_space<vmem>> -> memref<72x128xf32, #tpu.memory_space<vmem>>
      %dma_start3A_128 = arith.constant 0 : i32
      %dma_start3A_129 = tpu.memref_slice %arg9[%add3A_30, %dma_start3A_128] : memref<10112x128xf32, #tpu.memory_space<vmem_shared>> -> memref<72x128xf32, #tpu.memory_space<vmem_shared>>
      %dma_start3A_130 = arith.constant 0 : i32
      %dma_start3A_131 = tpu.memref_slice %arg9[%add3A_30, %dma_start3A_130] : memref<10112x128xf32, #tpu.memory_space<vmem_shared>> -> memref<72x128xf32, #tpu.memory_space<vmem_shared>>
      %dma_start3A_132 = arith.constant 0 : i32
      %dma_start3A_133 = arith.constant 0 : i32
      %dma_start3A_134 = tpu.memref_slice %arg8[%run_scoped3A_31, %dma_start3A_132, %dma_start3A_133] : memref<3x72x128xf32, #tpu.memory_space<vmem>> -> memref<1x72x128xf32, #tpu.memory_space<vmem>>
      %dma_start3A_135 = tpu.memref_squeeze %dma_start3A_134 : memref<1x72x128xf32, #tpu.memory_space<vmem>> -> memref<72x128xf32, #tpu.memory_space<vmem>>
      tpu.enqueue_dma source(%dma_start3A_135 : memref<72x128xf32, #tpu.memory_space<vmem>>) target(%dma_start3A_131 : memref<72x128xf32, #tpu.memory_space<vmem_shared>>) target_semaphore(%run_scoped3A_123 : memref<!tpu.dma_semaphore, #tpu.memory_space<semaphore_mem>>)
      %dma_wait3A_136 = arith.constant 0 : i32
      %dma_wait3A_137 = arith.constant 0 : i32
      %dma_wait3A_138 = tpu.memref_slice %arg8[%run_scoped3A_31, %dma_wait3A_136, %dma_wait3A_137] : memref<3x72x128xf32, #tpu.memory_space<vmem>> -> memref<1x72x128xf32, #tpu.memory_space<vmem>>
      %dma_wait3A_139 = tpu.memref_squeeze %dma_wait3A_138 : memref<1x72x128xf32, #tpu.memory_space<vmem>> -> memref<72x128xf32, #tpu.memory_space<vmem>>
      %dma_wait3A_140 = arith.constant 0 : i32
      %dma_wait3A_141 = tpu.memref_slice %arg9[%add3A_30, %dma_wait3A_140] : memref<10112x128xf32, #tpu.memory_space<vmem_shared>> -> memref<72x128xf32, #tpu.memory_space<vmem_shared>>
      %dma_wait3A_142 = arith.constant 0 : i32
      %dma_wait3A_143 = tpu.memref_slice %arg9[%add3A_30, %dma_wait3A_142] : memref<10112x128xf32, #tpu.memory_space<vmem_shared>> -> memref<72x128xf32, #tpu.memory_space<vmem_shared>>
      %dma_wait3A_144 = arith.constant 0 : i32
      %dma_wait3A_145 = arith.constant 0 : i32
      %dma_wait3A_146 = tpu.memref_slice %arg8[%run_scoped3A_31, %dma_wait3A_144, %dma_wait3A_145] : memref<3x72x128xf32, #tpu.memory_space<vmem>> -> memref<1x72x128xf32, #tpu.memory_space<vmem>>
      %dma_wait3A_147 = tpu.memref_squeeze %dma_wait3A_146 : memref<1x72x128xf32, #tpu.memory_space<vmem>> -> memref<72x128xf32, #tpu.memory_space<vmem>>
      tpu.wait_dma2 semaphore(%run_scoped3A_123 : memref<!tpu.dma_semaphore, #tpu.memory_space<semaphore_mem>>) src(%dma_wait3A_147 : memref<72x128xf32, #tpu.memory_space<vmem>>) dst(%dma_wait3A_143 : memref<72x128xf32, #tpu.memory_space<vmem_shared>>)
      tpu.yield
    }) : () -> ()
    %mul3A_32 = arith.constant 632 : i32
    %mul3A_33 = arith.muli %arg1, %mul3A_32 : i32
    %add3A_34 = arith.constant 144 : i32
    %add3A_35 = arith.addi %mul3A_33, %add3A_34 : i32
    %run_scoped3A_36 = arith.constant 2 : i32
    "tpu.region"() ({
      %run_scoped3A_123 = tpu.sem_alloc : memref<!tpu.dma_semaphore, #tpu.memory_space<semaphore_mem>>
      %dma_start3A_124 = arith.constant 0 : i32
      %dma_start3A_125 = arith.constant 0 : i32
      %dma_start3A_126 = tpu.memref_slice %arg8[%run_scoped3A_36, %dma_start3A_124, %dma_start3A_125] : memref<3x72x128xf32, #tpu.memory_space<vmem>> -> memref<1x72x128xf32, #tpu.memory_space<vmem>>
      %dma_start3A_127 = tpu.memref_squeeze %dma_start3A_126 : memref<1x72x128xf32, #tpu.memory_space<vmem>> -> memref<72x128xf32, #tpu.memory_space<vmem>>
      %dma_start3A_128 = arith.constant 0 : i32
      %dma_start3A_129 = tpu.memref_slice %arg9[%add3A_35, %dma_start3A_128] : memref<10112x128xf32, #tpu.memory_space<vmem_shared>> -> memref<72x128xf32, #tpu.memory_space<vmem_shared>>
      %dma_start3A_130 = arith.constant 0 : i32
      %dma_start3A_131 = tpu.memref_slice %arg9[%add3A_35, %dma_start3A_130] : memref<10112x128xf32, #tpu.memory_space<vmem_shared>> -> memref<72x128xf32, #tpu.memory_space<vmem_shared>>
      %dma_start3A_132 = arith.constant 0 : i32
      %dma_start3A_133 = arith.constant 0 : i32
      %dma_start3A_134 = tpu.memref_slice %arg8[%run_scoped3A_36, %dma_start3A_132, %dma_start3A_133] : memref<3x72x128xf32, #tpu.memory_space<vmem>> -> memref<1x72x128xf32, #tpu.memory_space<vmem>>
      %dma_start3A_135 = tpu.memref_squeeze %dma_start3A_134 : memref<1x72x128xf32, #tpu.memory_space<vmem>> -> memref<72x128xf32, #tpu.memory_space<vmem>>
      tpu.enqueue_dma source(%dma_start3A_135 : memref<72x128xf32, #tpu.memory_space<vmem>>) target(%dma_start3A_131 : memref<72x128xf32, #tpu.memory_space<vmem_shared>>) target_semaphore(%run_scoped3A_123 : memref<!tpu.dma_semaphore, #tpu.memory_space<semaphore_mem>>)
      %dma_wait3A_136 = arith.constant 0 : i32
      %dma_wait3A_137 = arith.constant 0 : i32
      %dma_wait3A_138 = tpu.memref_slice %arg8[%run_scoped3A_36, %dma_wait3A_136, %dma_wait3A_137] : memref<3x72x128xf32, #tpu.memory_space<vmem>> -> memref<1x72x128xf32, #tpu.memory_space<vmem>>
      %dma_wait3A_139 = tpu.memref_squeeze %dma_wait3A_138 : memref<1x72x128xf32, #tpu.memory_space<vmem>> -> memref<72x128xf32, #tpu.memory_space<vmem>>
      %dma_wait3A_140 = arith.constant 0 : i32
      %dma_wait3A_141 = tpu.memref_slice %arg9[%add3A_35, %dma_wait3A_140] : memref<10112x128xf32, #tpu.memory_space<vmem_shared>> -> memref<72x128xf32, #tpu.memory_space<vmem_shared>>
      %dma_wait3A_142 = arith.constant 0 : i32
      %dma_wait3A_143 = tpu.memref_slice %arg9[%add3A_35, %dma_wait3A_142] : memref<10112x128xf32, #tpu.memory_space<vmem_shared>> -> memref<72x128xf32, #tpu.memory_space<vmem_shared>>
      %dma_wait3A_144 = arith.constant 0 : i32
      %dma_wait3A_145 = arith.constant 0 : i32
      %dma_wait3A_146 = tpu.memref_slice %arg8[%run_scoped3A_36, %dma_wait3A_144, %dma_wait3A_145] : memref<3x72x128xf32, #tpu.memory_space<vmem>> -> memref<1x72x128xf32, #tpu.memory_space<vmem>>
      %dma_wait3A_147 = tpu.memref_squeeze %dma_wait3A_146 : memref<1x72x128xf32, #tpu.memory_space<vmem>> -> memref<72x128xf32, #tpu.memory_space<vmem>>
      tpu.wait_dma2 semaphore(%run_scoped3A_123 : memref<!tpu.dma_semaphore, #tpu.memory_space<semaphore_mem>>) src(%dma_wait3A_147 : memref<72x128xf32, #tpu.memory_space<vmem>>) dst(%dma_wait3A_143 : memref<72x128xf32, #tpu.memory_space<vmem_shared>>)
      tpu.yield
    }) : () -> ()
    %mul3A_37 = arith.constant 632 : i32
    %mul3A_38 = arith.muli %arg1, %mul3A_37 : i32
    %add3A_39 = arith.constant 216 : i32
    %add3A_40 = arith.addi %mul3A_38, %add3A_39 : i32
    %run_scoped3A_41 = arith.constant 2 : i32
    "tpu.region"() ({
      %run_scoped3A_123 = tpu.sem_alloc : memref<!tpu.dma_semaphore, #tpu.memory_space<semaphore_mem>>
      %dma_start3A_124 = arith.constant 0 : i32
      %dma_start3A_125 = arith.constant 0 : i32
      %dma_start3A_126 = tpu.memref_slice %arg8[%run_scoped3A_41, %dma_start3A_124, %dma_start3A_125] : memref<3x72x128xf32, #tpu.memory_space<vmem>> -> memref<1x72x128xf32, #tpu.memory_space<vmem>>
      %dma_start3A_127 = tpu.memref_squeeze %dma_start3A_126 : memref<1x72x128xf32, #tpu.memory_space<vmem>> -> memref<72x128xf32, #tpu.memory_space<vmem>>
      %dma_start3A_128 = arith.constant 0 : i32
      %dma_start3A_129 = tpu.memref_slice %arg9[%add3A_40, %dma_start3A_128] : memref<10112x128xf32, #tpu.memory_space<vmem_shared>> -> memref<72x128xf32, #tpu.memory_space<vmem_shared>>
      %dma_start3A_130 = arith.constant 0 : i32
      %dma_start3A_131 = tpu.memref_slice %arg9[%add3A_40, %dma_start3A_130] : memref<10112x128xf32, #tpu.memory_space<vmem_shared>> -> memref<72x128xf32, #tpu.memory_space<vmem_shared>>
      %dma_start3A_132 = arith.constant 0 : i32
      %dma_start3A_133 = arith.constant 0 : i32
      %dma_start3A_134 = tpu.memref_slice %arg8[%run_scoped3A_41, %dma_start3A_132, %dma_start3A_133] : memref<3x72x128xf32, #tpu.memory_space<vmem>> -> memref<1x72x128xf32, #tpu.memory_space<vmem>>
      %dma_start3A_135 = tpu.memref_squeeze %dma_start3A_134 : memref<1x72x128xf32, #tpu.memory_space<vmem>> -> memref<72x128xf32, #tpu.memory_space<vmem>>
      tpu.enqueue_dma source(%dma_start3A_135 : memref<72x128xf32, #tpu.memory_space<vmem>>) target(%dma_start3A_131 : memref<72x128xf32, #tpu.memory_space<vmem_shared>>) target_semaphore(%run_scoped3A_123 : memref<!tpu.dma_semaphore, #tpu.memory_space<semaphore_mem>>)
      %dma_wait3A_136 = arith.constant 0 : i32
      %dma_wait3A_137 = arith.constant 0 : i32
      %dma_wait3A_138 = tpu.memref_slice %arg8[%run_scoped3A_41, %dma_wait3A_136, %dma_wait3A_137] : memref<3x72x128xf32, #tpu.memory_space<vmem>> -> memref<1x72x128xf32, #tpu.memory_space<vmem>>
      %dma_wait3A_139 = tpu.memref_squeeze %dma_wait3A_138 : memref<1x72x128xf32, #tpu.memory_space<vmem>> -> memref<72x128xf32, #tpu.memory_space<vmem>>
      %dma_wait3A_140 = arith.constant 0 : i32
      %dma_wait3A_141 = tpu.memref_slice %arg9[%add3A_40, %dma_wait3A_140] : memref<10112x128xf32, #tpu.memory_space<vmem_shared>> -> memref<72x128xf32, #tpu.memory_space<vmem_shared>>
      %dma_wait3A_142 = arith.constant 0 : i32
      %dma_wait3A_143 = tpu.memref_slice %arg9[%add3A_40, %dma_wait3A_142] : memref<10112x128xf32, #tpu.memory_space<vmem_shared>> -> memref<72x128xf32, #tpu.memory_space<vmem_shared>>
      %dma_wait3A_144 = arith.constant 0 : i32
      %dma_wait3A_145 = arith.constant 0 : i32
      %dma_wait3A_146 = tpu.memref_slice %arg8[%run_scoped3A_41, %dma_wait3A_144, %dma_wait3A_145] : memref<3x72x128xf32, #tpu.memory_space<vmem>> -> memref<1x72x128xf32, #tpu.memory_space<vmem>>
      %dma_wait3A_147 = tpu.memref_squeeze %dma_wait3A_146 : memref<1x72x128xf32, #tpu.memory_space<vmem>> -> memref<72x128xf32, #tpu.memory_space<vmem>>
      tpu.wait_dma2 semaphore(%run_scoped3A_123 : memref<!tpu.dma_semaphore, #tpu.memory_space<semaphore_mem>>) src(%dma_wait3A_147 : memref<72x128xf32, #tpu.memory_space<vmem>>) dst(%dma_wait3A_143 : memref<72x128xf32, #tpu.memory_space<vmem_shared>>)
      tpu.yield
    }) : () -> ()
    %mul3A_42 = arith.constant 632 : i32
    %mul3A_43 = arith.muli %arg1, %mul3A_42 : i32
    %add3A_44 = arith.constant 288 : i32
    %add3A_45 = arith.addi %mul3A_43, %add3A_44 : i32
    %run_scoped3A_46 = arith.constant 2 : i32
    "tpu.region"() ({
      %run_scoped3A_123 = tpu.sem_alloc : memref<!tpu.dma_semaphore, #tpu.memory_space<semaphore_mem>>
      %dma_start3A_124 = arith.constant 0 : i32
      %dma_start3A_125 = arith.constant 0 : i32
      %dma_start3A_126 = tpu.memref_slice %arg8[%run_scoped3A_46, %dma_start3A_124, %dma_start3A_125] : memref<3x72x128xf32, #tpu.memory_space<vmem>> -> memref<1x72x128xf32, #tpu.memory_space<vmem>>
      %dma_start3A_127 = tpu.memref_squeeze %dma_start3A_126 : memref<1x72x128xf32, #tpu.memory_space<vmem>> -> memref<72x128xf32, #tpu.memory_space<vmem>>
      %dma_start3A_128 = arith.constant 0 : i32
      %dma_start3A_129 = tpu.memref_slice %arg9[%add3A_45, %dma_start3A_128] : memref<10112x128xf32, #tpu.memory_space<vmem_shared>> -> memref<72x128xf32, #tpu.memory_space<vmem_shared>>
      %dma_start3A_130 = arith.constant 0 : i32
      %dma_start3A_131 = tpu.memref_slice %arg9[%add3A_45, %dma_start3A_130] : memref<10112x128xf32, #tpu.memory_space<vmem_shared>> -> memref<72x128xf32, #tpu.memory_space<vmem_shared>>
      %dma_start3A_132 = arith.constant 0 : i32
      %dma_start3A_133 = arith.constant 0 : i32
      %dma_start3A_134 = tpu.memref_slice %arg8[%run_scoped3A_46, %dma_start3A_132, %dma_start3A_133] : memref<3x72x128xf32, #tpu.memory_space<vmem>> -> memref<1x72x128xf32, #tpu.memory_space<vmem>>
      %dma_start3A_135 = tpu.memref_squeeze %dma_start3A_134 : memref<1x72x128xf32, #tpu.memory_space<vmem>> -> memref<72x128xf32, #tpu.memory_space<vmem>>
      tpu.enqueue_dma source(%dma_start3A_135 : memref<72x128xf32, #tpu.memory_space<vmem>>) target(%dma_start3A_131 : memref<72x128xf32, #tpu.memory_space<vmem_shared>>) target_semaphore(%run_scoped3A_123 : memref<!tpu.dma_semaphore, #tpu.memory_space<semaphore_mem>>)
      %dma_wait3A_136 = arith.constant 0 : i32
      %dma_wait3A_137 = arith.constant 0 : i32
      %dma_wait3A_138 = tpu.memref_slice %arg8[%run_scoped3A_46, %dma_wait3A_136, %dma_wait3A_137] : memref<3x72x128xf32, #tpu.memory_space<vmem>> -> memref<1x72x128xf32, #tpu.memory_space<vmem>>
      %dma_wait3A_139 = tpu.memref_squeeze %dma_wait3A_138 : memref<1x72x128xf32, #tpu.memory_space<vmem>> -> memref<72x128xf32, #tpu.memory_space<vmem>>
      %dma_wait3A_140 = arith.constant 0 : i32
      %dma_wait3A_141 = tpu.memref_slice %arg9[%add3A_45, %dma_wait3A_140] : memref<10112x128xf32, #tpu.memory_space<vmem_shared>> -> memref<72x128xf32, #tpu.memory_space<vmem_shared>>
      %dma_wait3A_142 = arith.constant 0 : i32
      %dma_wait3A_143 = tpu.memref_slice %arg9[%add3A_45, %dma_wait3A_142] : memref<10112x128xf32, #tpu.memory_space<vmem_shared>> -> memref<72x128xf32, #tpu.memory_space<vmem_shared>>
      %dma_wait3A_144 = arith.constant 0 : i32
      %dma_wait3A_145 = arith.constant 0 : i32
      %dma_wait3A_146 = tpu.memref_slice %arg8[%run_scoped3A_46, %dma_wait3A_144, %dma_wait3A_145] : memref<3x72x128xf32, #tpu.memory_space<vmem>> -> memref<1x72x128xf32, #tpu.memory_space<vmem>>
      %dma_wait3A_147 = tpu.memref_squeeze %dma_wait3A_146 : memref<1x72x128xf32, #tpu.memory_space<vmem>> -> memref<72x128xf32, #tpu.memory_space<vmem>>
      tpu.wait_dma2 semaphore(%run_scoped3A_123 : memref<!tpu.dma_semaphore, #tpu.memory_space<semaphore_mem>>) src(%dma_wait3A_147 : memref<72x128xf32, #tpu.memory_space<vmem>>) dst(%dma_wait3A_143 : memref<72x128xf32, #tpu.memory_space<vmem_shared>>)
      tpu.yield
    }) : () -> ()
    %mul3A_47 = arith.constant 632 : i32
    %mul3A_48 = arith.muli %arg1, %mul3A_47 : i32
    %add3A_49 = arith.constant 360 : i32
    %add3A_50 = arith.addi %mul3A_48, %add3A_49 : i32
    %run_scoped3A_51 = arith.constant 2 : i32
    "tpu.region"() ({
      %run_scoped3A_123 = tpu.sem_alloc : memref<!tpu.dma_semaphore, #tpu.memory_space<semaphore_mem>>
      %dma_start3A_124 = arith.constant 0 : i32
      %dma_start3A_125 = arith.constant 0 : i32
      %dma_start3A_126 = tpu.memref_slice %arg8[%run_scoped3A_51, %dma_start3A_124, %dma_start3A_125] : memref<3x72x128xf32, #tpu.memory_space<vmem>> -> memref<1x72x128xf32, #tpu.memory_space<vmem>>
      %dma_start3A_127 = tpu.memref_squeeze %dma_start3A_126 : memref<1x72x128xf32, #tpu.memory_space<vmem>> -> memref<72x128xf32, #tpu.memory_space<vmem>>
      %dma_start3A_128 = arith.constant 0 : i32
      %dma_start3A_129 = tpu.memref_slice %arg9[%add3A_50, %dma_start3A_128] : memref<10112x128xf32, #tpu.memory_space<vmem_shared>> -> memref<72x128xf32, #tpu.memory_space<vmem_shared>>
      %dma_start3A_130 = arith.constant 0 : i32
      %dma_start3A_131 = tpu.memref_slice %arg9[%add3A_50, %dma_start3A_130] : memref<10112x128xf32, #tpu.memory_space<vmem_shared>> -> memref<72x128xf32, #tpu.memory_space<vmem_shared>>
      %dma_start3A_132 = arith.constant 0 : i32
      %dma_start3A_133 = arith.constant 0 : i32
      %dma_start3A_134 = tpu.memref_slice %arg8[%run_scoped3A_51, %dma_start3A_132, %dma_start3A_133] : memref<3x72x128xf32, #tpu.memory_space<vmem>> -> memref<1x72x128xf32, #tpu.memory_space<vmem>>
      %dma_start3A_135 = tpu.memref_squeeze %dma_start3A_134 : memref<1x72x128xf32, #tpu.memory_space<vmem>> -> memref<72x128xf32, #tpu.memory_space<vmem>>
      tpu.enqueue_dma source(%dma_start3A_135 : memref<72x128xf32, #tpu.memory_space<vmem>>) target(%dma_start3A_131 : memref<72x128xf32, #tpu.memory_space<vmem_shared>>) target_semaphore(%run_scoped3A_123 : memref<!tpu.dma_semaphore, #tpu.memory_space<semaphore_mem>>)
      %dma_wait3A_136 = arith.constant 0 : i32
      %dma_wait3A_137 = arith.constant 0 : i32
      %dma_wait3A_138 = tpu.memref_slice %arg8[%run_scoped3A_51, %dma_wait3A_136, %dma_wait3A_137] : memref<3x72x128xf32, #tpu.memory_space<vmem>> -> memref<1x72x128xf32, #tpu.memory_space<vmem>>
      %dma_wait3A_139 = tpu.memref_squeeze %dma_wait3A_138 : memref<1x72x128xf32, #tpu.memory_space<vmem>> -> memref<72x128xf32, #tpu.memory_space<vmem>>
      %dma_wait3A_140 = arith.constant 0 : i32
      %dma_wait3A_141 = tpu.memref_slice %arg9[%add3A_50, %dma_wait3A_140] : memref<10112x128xf32, #tpu.memory_space<vmem_shared>> -> memref<72x128xf32, #tpu.memory_space<vmem_shared>>
      %dma_wait3A_142 = arith.constant 0 : i32
      %dma_wait3A_143 = tpu.memref_slice %arg9[%add3A_50, %dma_wait3A_142] : memref<10112x128xf32, #tpu.memory_space<vmem_shared>> -> memref<72x128xf32, #tpu.memory_space<vmem_shared>>
      %dma_wait3A_144 = arith.constant 0 : i32
      %dma_wait3A_145 = arith.constant 0 : i32
      %dma_wait3A_146 = tpu.memref_slice %arg8[%run_scoped3A_51, %dma_wait3A_144, %dma_wait3A_145] : memref<3x72x128xf32, #tpu.memory_space<vmem>> -> memref<1x72x128xf32, #tpu.memory_space<vmem>>
      %dma_wait3A_147 = tpu.memref_squeeze %dma_wait3A_146 : memref<1x72x128xf32, #tpu.memory_space<vmem>> -> memref<72x128xf32, #tpu.memory_space<vmem>>
      tpu.wait_dma2 semaphore(%run_scoped3A_123 : memref<!tpu.dma_semaphore, #tpu.memory_space<semaphore_mem>>) src(%dma_wait3A_147 : memref<72x128xf32, #tpu.memory_space<vmem>>) dst(%dma_wait3A_143 : memref<72x128xf32, #tpu.memory_space<vmem_shared>>)
      tpu.yield
    }) : () -> ()
    %mul3A_52 = arith.constant 632 : i32
    %mul3A_53 = arith.muli %arg1, %mul3A_52 : i32
    %add3A_54 = arith.constant 432 : i32
    %add3A_55 = arith.addi %mul3A_53, %add3A_54 : i32
    %run_scoped3A_56 = arith.constant 2 : i32
    "tpu.region"() ({
      %run_scoped3A_123 = tpu.sem_alloc : memref<!tpu.dma_semaphore, #tpu.memory_space<semaphore_mem>>
      %dma_start3A_124 = arith.constant 0 : i32
      %dma_start3A_125 = arith.constant 0 : i32
      %dma_start3A_126 = tpu.memref_slice %arg8[%run_scoped3A_56, %dma_start3A_124, %dma_start3A_125] : memref<3x72x128xf32, #tpu.memory_space<vmem>> -> memref<1x72x128xf32, #tpu.memory_space<vmem>>
      %dma_start3A_127 = tpu.memref_squeeze %dma_start3A_126 : memref<1x72x128xf32, #tpu.memory_space<vmem>> -> memref<72x128xf32, #tpu.memory_space<vmem>>
      %dma_start3A_128 = arith.constant 0 : i32
      %dma_start3A_129 = tpu.memref_slice %arg9[%add3A_55, %dma_start3A_128] : memref<10112x128xf32, #tpu.memory_space<vmem_shared>> -> memref<72x128xf32, #tpu.memory_space<vmem_shared>>
      %dma_start3A_130 = arith.constant 0 : i32
      %dma_start3A_131 = tpu.memref_slice %arg9[%add3A_55, %dma_start3A_130] : memref<10112x128xf32, #tpu.memory_space<vmem_shared>> -> memref<72x128xf32, #tpu.memory_space<vmem_shared>>
      %dma_start3A_132 = arith.constant 0 : i32
      %dma_start3A_133 = arith.constant 0 : i32
      %dma_start3A_134 = tpu.memref_slice %arg8[%run_scoped3A_56, %dma_start3A_132, %dma_start3A_133] : memref<3x72x128xf32, #tpu.memory_space<vmem>> -> memref<1x72x128xf32, #tpu.memory_space<vmem>>
      %dma_start3A_135 = tpu.memref_squeeze %dma_start3A_134 : memref<1x72x128xf32, #tpu.memory_space<vmem>> -> memref<72x128xf32, #tpu.memory_space<vmem>>
      tpu.enqueue_dma source(%dma_start3A_135 : memref<72x128xf32, #tpu.memory_space<vmem>>) target(%dma_start3A_131 : memref<72x128xf32, #tpu.memory_space<vmem_shared>>) target_semaphore(%run_scoped3A_123 : memref<!tpu.dma_semaphore, #tpu.memory_space<semaphore_mem>>)
      %dma_wait3A_136 = arith.constant 0 : i32
      %dma_wait3A_137 = arith.constant 0 : i32
      %dma_wait3A_138 = tpu.memref_slice %arg8[%run_scoped3A_56, %dma_wait3A_136, %dma_wait3A_137] : memref<3x72x128xf32, #tpu.memory_space<vmem>> -> memref<1x72x128xf32, #tpu.memory_space<vmem>>
      %dma_wait3A_139 = tpu.memref_squeeze %dma_wait3A_138 : memref<1x72x128xf32, #tpu.memory_space<vmem>> -> memref<72x128xf32, #tpu.memory_space<vmem>>
      %dma_wait3A_140 = arith.constant 0 : i32
      %dma_wait3A_141 = tpu.memref_slice %arg9[%add3A_55, %dma_wait3A_140] : memref<10112x128xf32, #tpu.memory_space<vmem_shared>> -> memref<72x128xf32, #tpu.memory_space<vmem_shared>>
      %dma_wait3A_142 = arith.constant 0 : i32
      %dma_wait3A_143 = tpu.memref_slice %arg9[%add3A_55, %dma_wait3A_142] : memref<10112x128xf32, #tpu.memory_space<vmem_shared>> -> memref<72x128xf32, #tpu.memory_space<vmem_shared>>
      %dma_wait3A_144 = arith.constant 0 : i32
      %dma_wait3A_145 = arith.constant 0 : i32
      %dma_wait3A_146 = tpu.memref_slice %arg8[%run_scoped3A_56, %dma_wait3A_144, %dma_wait3A_145] : memref<3x72x128xf32, #tpu.memory_space<vmem>> -> memref<1x72x128xf32, #tpu.memory_space<vmem>>
      %dma_wait3A_147 = tpu.memref_squeeze %dma_wait3A_146 : memref<1x72x128xf32, #tpu.memory_space<vmem>> -> memref<72x128xf32, #tpu.memory_space<vmem>>
      tpu.wait_dma2 semaphore(%run_scoped3A_123 : memref<!tpu.dma_semaphore, #tpu.memory_space<semaphore_mem>>) src(%dma_wait3A_147 : memref<72x128xf32, #tpu.memory_space<vmem>>) dst(%dma_wait3A_143 : memref<72x128xf32, #tpu.memory_space<vmem_shared>>)
      tpu.yield
    }) : () -> ()
    %mul3A_57 = arith.constant 632 : i32
    %mul3A_58 = arith.muli %arg1, %mul3A_57 : i32
    %add3A_59 = arith.constant 504 : i32
    %add3A_60 = arith.addi %mul3A_58, %add3A_59 : i32
    %run_scoped3A_61 = arith.constant 2 : i32
    "tpu.region"() ({
      %run_scoped3A_123 = tpu.sem_alloc : memref<!tpu.dma_semaphore, #tpu.memory_space<semaphore_mem>>
      %dma_start3A_124 = arith.constant 0 : i32
      %dma_start3A_125 = arith.constant 0 : i32
      %dma_start3A_126 = tpu.memref_slice %arg8[%run_scoped3A_61, %dma_start3A_124, %dma_start3A_125] : memref<3x72x128xf32, #tpu.memory_space<vmem>> -> memref<1x72x128xf32, #tpu.memory_space<vmem>>
      %dma_start3A_127 = tpu.memref_squeeze %dma_start3A_126 : memref<1x72x128xf32, #tpu.memory_space<vmem>> -> memref<72x128xf32, #tpu.memory_space<vmem>>
      %dma_start3A_128 = arith.constant 0 : i32
      %dma_start3A_129 = tpu.memref_slice %arg9[%add3A_60, %dma_start3A_128] : memref<10112x128xf32, #tpu.memory_space<vmem_shared>> -> memref<72x128xf32, #tpu.memory_space<vmem_shared>>
      %dma_start3A_130 = arith.constant 0 : i32
      %dma_start3A_131 = tpu.memref_slice %arg9[%add3A_60, %dma_start3A_130] : memref<10112x128xf32, #tpu.memory_space<vmem_shared>> -> memref<72x128xf32, #tpu.memory_space<vmem_shared>>
      %dma_start3A_132 = arith.constant 0 : i32
      %dma_start3A_133 = arith.constant 0 : i32
      %dma_start3A_134 = tpu.memref_slice %arg8[%run_scoped3A_61, %dma_start3A_132, %dma_start3A_133] : memref<3x72x128xf32, #tpu.memory_space<vmem>> -> memref<1x72x128xf32, #tpu.memory_space<vmem>>
      %dma_start3A_135 = tpu.memref_squeeze %dma_start3A_134 : memref<1x72x128xf32, #tpu.memory_space<vmem>> -> memref<72x128xf32, #tpu.memory_space<vmem>>
      tpu.enqueue_dma source(%dma_start3A_135 : memref<72x128xf32, #tpu.memory_space<vmem>>) target(%dma_start3A_131 : memref<72x128xf32, #tpu.memory_space<vmem_shared>>) target_semaphore(%run_scoped3A_123 : memref<!tpu.dma_semaphore, #tpu.memory_space<semaphore_mem>>)
      %dma_wait3A_136 = arith.constant 0 : i32
      %dma_wait3A_137 = arith.constant 0 : i32
      %dma_wait3A_138 = tpu.memref_slice %arg8[%run_scoped3A_61, %dma_wait3A_136, %dma_wait3A_137] : memref<3x72x128xf32, #tpu.memory_space<vmem>> -> memref<1x72x128xf32, #tpu.memory_space<vmem>>
      %dma_wait3A_139 = tpu.memref_squeeze %dma_wait3A_138 : memref<1x72x128xf32, #tpu.memory_space<vmem>> -> memref<72x128xf32, #tpu.memory_space<vmem>>
      %dma_wait3A_140 = arith.constant 0 : i32
      %dma_wait3A_141 = tpu.memref_slice %arg9[%add3A_60, %dma_wait3A_140] : memref<10112x128xf32, #tpu.memory_space<vmem_shared>> -> memref<72x128xf32, #tpu.memory_space<vmem_shared>>
      %dma_wait3A_142 = arith.constant 0 : i32
      %dma_wait3A_143 = tpu.memref_slice %arg9[%add3A_60, %dma_wait3A_142] : memref<10112x128xf32, #tpu.memory_space<vmem_shared>> -> memref<72x128xf32, #tpu.memory_space<vmem_shared>>
      %dma_wait3A_144 = arith.constant 0 : i32
      %dma_wait3A_145 = arith.constant 0 : i32
      %dma_wait3A_146 = tpu.memref_slice %arg8[%run_scoped3A_61, %dma_wait3A_144, %dma_wait3A_145] : memref<3x72x128xf32, #tpu.memory_space<vmem>> -> memref<1x72x128xf32, #tpu.memory_space<vmem>>
      %dma_wait3A_147 = tpu.memref_squeeze %dma_wait3A_146 : memref<1x72x128xf32, #tpu.memory_space<vmem>> -> memref<72x128xf32, #tpu.memory_space<vmem>>
      tpu.wait_dma2 semaphore(%run_scoped3A_123 : memref<!tpu.dma_semaphore, #tpu.memory_space<semaphore_mem>>) src(%dma_wait3A_147 : memref<72x128xf32, #tpu.memory_space<vmem>>) dst(%dma_wait3A_143 : memref<72x128xf32, #tpu.memory_space<vmem_shared>>)
      tpu.yield
    }) : () -> ()
    %mul3A_62 = arith.constant 632 : i32
    %mul3A_63 = arith.muli %arg1, %mul3A_62 : i32
    %add3A_64 = arith.constant 576 : i32
    %add3A_65 = arith.addi %mul3A_63, %add3A_64 : i32
    %run_scoped3A_66 = arith.constant 2 : i32
    "tpu.region"() ({
      %run_scoped3A_123 = tpu.sem_alloc : memref<!tpu.dma_semaphore, #tpu.memory_space<semaphore_mem>>
      %dma_start3A_124 = arith.constant 0 : i32
      %dma_start3A_125 = arith.constant 0 : i32
      %dma_start3A_126 = tpu.memref_slice %arg8[%run_scoped3A_66, %dma_start3A_124, %dma_start3A_125] : memref<3x72x128xf32, #tpu.memory_space<vmem>> -> memref<1x72x128xf32, #tpu.memory_space<vmem>>
      %dma_start3A_127 = tpu.memref_squeeze %dma_start3A_126 : memref<1x72x128xf32, #tpu.memory_space<vmem>> -> memref<72x128xf32, #tpu.memory_space<vmem>>
      %dma_start3A_128 = arith.constant 0 : i32
      %dma_start3A_129 = arith.constant 0 : i32
      %dma_start3A_130 = tpu.memref_slice %dma_start3A_127[%dma_start3A_128, %dma_start3A_129] : memref<72x128xf32, #tpu.memory_space<vmem>> -> memref<56x128xf32, #tpu.memory_space<vmem>>
      %dma_start3A_131 = arith.constant 0 : i32
      %dma_start3A_132 = tpu.memref_slice %arg9[%add3A_65, %dma_start3A_131] : memref<10112x128xf32, #tpu.memory_space<vmem_shared>> -> memref<56x128xf32, #tpu.memory_space<vmem_shared>>
      %dma_start3A_133 = arith.constant 0 : i32
      %dma_start3A_134 = tpu.memref_slice %arg9[%add3A_65, %dma_start3A_133] : memref<10112x128xf32, #tpu.memory_space<vmem_shared>> -> memref<56x128xf32, #tpu.memory_space<vmem_shared>>
      %dma_start3A_135 = arith.constant 0 : i32
      %dma_start3A_136 = arith.constant 0 : i32
      %dma_start3A_137 = tpu.memref_slice %arg8[%run_scoped3A_66, %dma_start3A_135, %dma_start3A_136] : memref<3x72x128xf32, #tpu.memory_space<vmem>> -> memref<1x72x128xf32, #tpu.memory_space<vmem>>
      %dma_start3A_138 = tpu.memref_squeeze %dma_start3A_137 : memref<1x72x128xf32, #tpu.memory_space<vmem>> -> memref<72x128xf32, #tpu.memory_space<vmem>>
      %dma_start3A_139 = arith.constant 0 : i32
      %dma_start3A_140 = arith.constant 0 : i32
      %dma_start3A_141 = tpu.memref_slice %dma_start3A_138[%dma_start3A_139, %dma_start3A_140] : memref<72x128xf32, #tpu.memory_space<vmem>> -> memref<56x128xf32, #tpu.memory_space<vmem>>
      tpu.enqueue_dma source(%dma_start3A_141 : memref<56x128xf32, #tpu.memory_space<vmem>>) target(%dma_start3A_134 : memref<56x128xf32, #tpu.memory_space<vmem_shared>>) target_semaphore(%run_scoped3A_123 : memref<!tpu.dma_semaphore, #tpu.memory_space<semaphore_mem>>)
      %dma_wait3A_142 = arith.constant 0 : i32
      %dma_wait3A_143 = arith.constant 0 : i32
      %dma_wait3A_144 = tpu.memref_slice %arg8[%run_scoped3A_66, %dma_wait3A_142, %dma_wait3A_143] : memref<3x72x128xf32, #tpu.memory_space<vmem>> -> memref<1x72x128xf32, #tpu.memory_space<vmem>>
      %dma_wait3A_145 = tpu.memref_squeeze %dma_wait3A_144 : memref<1x72x128xf32, #tpu.memory_space<vmem>> -> memref<72x128xf32, #tpu.memory_space<vmem>>
      %dma_wait3A_146 = arith.constant 0 : i32
      %dma_wait3A_147 = arith.constant 0 : i32
      %dma_wait3A_148 = tpu.memref_slice %dma_wait3A_145[%dma_wait3A_146, %dma_wait3A_147] : memref<72x128xf32, #tpu.memory_space<vmem>> -> memref<56x128xf32, #tpu.memory_space<vmem>>
      %dma_wait3A_149 = arith.constant 0 : i32
      %dma_wait3A_150 = tpu.memref_slice %arg9[%add3A_65, %dma_wait3A_149] : memref<10112x128xf32, #tpu.memory_space<vmem_shared>> -> memref<56x128xf32, #tpu.memory_space<vmem_shared>>
      %dma_wait3A_151 = arith.constant 0 : i32
      %dma_wait3A_152 = tpu.memref_slice %arg9[%add3A_65, %dma_wait3A_151] : memref<10112x128xf32, #tpu.memory_space<vmem_shared>> -> memref<56x128xf32, #tpu.memory_space<vmem_shared>>
      %dma_wait3A_153 = arith.constant 0 : i32
      %dma_wait3A_154 = arith.constant 0 : i32
      %dma_wait3A_155 = tpu.memref_slice %arg8[%run_scoped3A_66, %dma_wait3A_153, %dma_wait3A_154] : memref<3x72x128xf32, #tpu.memory_space<vmem>> -> memref<1x72x128xf32, #tpu.memory_space<vmem>>
      %dma_wait3A_156 = tpu.memref_squeeze %dma_wait3A_155 : memref<1x72x128xf32, #tpu.memory_space<vmem>> -> memref<72x128xf32, #tpu.memory_space<vmem>>
      %dma_wait3A_157 = arith.constant 0 : i32
      %dma_wait3A_158 = arith.constant 0 : i32
      %dma_wait3A_159 = tpu.memref_slice %dma_wait3A_156[%dma_wait3A_157, %dma_wait3A_158] : memref<72x128xf32, #tpu.memory_space<vmem>> -> memref<56x128xf32, #tpu.memory_space<vmem>>
      tpu.wait_dma2 semaphore(%run_scoped3A_123 : memref<!tpu.dma_semaphore, #tpu.memory_space<semaphore_mem>>) src(%dma_wait3A_159 : memref<56x128xf32, #tpu.memory_space<vmem>>) dst(%dma_wait3A_152 : memref<56x128xf32, #tpu.memory_space<vmem_shared>>)
      tpu.yield
    }) : () -> ()
    %barrier3A = arith.constant 0 : index
    tpu.barrier barrier_id(%barrier3A)
    %scan3A_67 = arith.constant 0 : i32
    %scan3A_68 = arith.constant 0 : i32
    %scan3A_69 = arith.constant 0 : i32
    %scan3A_70 = arith.constant 48 : i32
    %scan3A_71 = arith.addi %scan3A_69, %scan3A_70 : i32
    %scan3A_72 = arith.constant 1 : i32
    %scan3A_73 = scf.for %scan3A_123 = %scan3A_69 to %scan3A_71 step %scan3A_72 iter_args(%scan3A_124 = %scan3A_68) -> (i32)  : i32 {
      %mul3A_125 = arith.constant 3 : i32
      %mul3A_126 = arith.muli %scan3A_123, %mul3A_125 : i32
      %add3A_127 = arith.constant 0 : i32
      %add3A_128 = arith.addi %mul3A_126, %add3A_127 : i32
      %ge3A = arith.constant 2 : i32
      %ge3A_129 = arith.cmpi sge, %add3A_128, %ge3A : i32
      %convert_element_type3A_130 = arith.extui %ge3A_129 : i1 to i32
      %cond3A_131 = arith.constant 0 : i32
      %cond3A_132 = arith.cmpi ne, %convert_element_type3A_130, %cond3A_131 : i32
      scf.if %cond3A_132 {
        %dma_wait3A_286 = arith.constant 1 : i32
        %dma_wait3A_287 = arith.constant 0 : i32
        %dma_wait3A_288 = arith.constant 0 : i32
        %dma_wait3A_289 = arith.constant 0 : i32
        %dma_wait3A_290 = tpu.memref_slice %arg8[%dma_wait3A_286, %dma_wait3A_288, %dma_wait3A_289] : memref<3x72x128xf32, #tpu.memory_space<vmem>> -> memref<1x72x128xf32, #tpu.memory_space<vmem>>
        %dma_wait3A_291 = tpu.memref_squeeze %dma_wait3A_290 : memref<1x72x128xf32, #tpu.memory_space<vmem>> -> memref<72x128xf32, #tpu.memory_space<vmem>>
        %dma_wait3A_292 = arith.constant 0 : i32
        %dma_wait3A_293 = tpu.memref_slice %arg7[%dma_wait3A_287, %dma_wait3A_292] : memref<144x72xi32, #tpu.memory_space<vmem>> -> memref<1x72xi32, #tpu.memory_space<vmem>>
        %dma_wait3A_294 = tpu.memref_squeeze %dma_wait3A_293 : memref<1x72xi32, #tpu.memory_space<vmem>> -> memref<72xi32, #tpu.memory_space<vmem>>
        %dma_wait3A_295 = arith.constant 0 : i32
        %dma_wait3A_296 = arith.constant 0 : i32
        %dma_wait3A_297 = tpu.memref_slice %arg9[%dma_wait3A_295, %dma_wait3A_296] : memref<10112x128xf32, #tpu.memory_space<vmem_shared>> -> memref<10112x128xf32, #tpu.memory_space<vmem_shared>>
        tpu.wait_indirect_dma semaphore(%arg14 : memref<!tpu.dma_semaphore, #tpu.memory_space<semaphore_mem>>) src(%dma_wait3A_291 : memref<72x128xf32, #tpu.memory_space<vmem>>) dst(%dma_wait3A_297 : memref<10112x128xf32, #tpu.memory_space<vmem_shared>>)
      } else {
      }
      %add3A_133 = arith.constant 1 : i32
      %add3A_134 = arith.addi %add3A_128, %add3A_133 : i32
      %rem3A = arith.constant 144 : i32
      %rem3A_135 = arith.remsi %add3A_134, %rem3A : i32
      %dma_start3A_136 = arith.constant 1 : i32
      %dma_start3A_137 = arith.constant 0 : i32
      %dma_start3A_138 = arith.constant 0 : i32
      %dma_start3A_139 = tpu.memref_slice %arg8[%dma_start3A_136, %dma_start3A_137, %dma_start3A_138] : memref<3x72x128xf32, #tpu.memory_space<vmem>> -> memref<1x72x128xf32, #tpu.memory_space<vmem>>
      %dma_start3A_140 = tpu.memref_squeeze %dma_start3A_139 : memref<1x72x128xf32, #tpu.memory_space<vmem>> -> memref<72x128xf32, #tpu.memory_space<vmem>>
      %dma_start3A_141 = arith.constant 0 : i32
      %dma_start3A_142 = tpu.memref_slice %arg6[%rem3A_135, %dma_start3A_141] : memref<144x72xi32, #tpu.memory_space<vmem>> -> memref<1x72xi32, #tpu.memory_space<vmem>>
      %dma_start3A_143 = tpu.memref_squeeze %dma_start3A_142 : memref<1x72xi32, #tpu.memory_space<vmem>> -> memref<72xi32, #tpu.memory_space<vmem>>
      %dma_start3A_144 = arith.constant 0 : i32
      %dma_start3A_145 = arith.constant 0 : i32
      %dma_start3A_146 = tpu.memref_slice %arg2[%scan3A_67, %dma_start3A_144, %dma_start3A_145] : memref<2x20000x128xf32, #tpu.memory_space<hbm>> -> memref<1x20000x128xf32, #tpu.memory_space<hbm>>
      %dma_start3A_147 = tpu.memref_squeeze %dma_start3A_146 : memref<1x20000x128xf32, #tpu.memory_space<hbm>> -> memref<20000x128xf32, #tpu.memory_space<hbm>>
      %dma_start3A_148 = arith.constant 0 : i32
      %dma_start3A_149 = arith.constant 0 : i32
      %dma_start3A_150 = tpu.memref_slice %dma_start3A_147[%dma_start3A_148, %dma_start3A_149] : memref<20000x128xf32, #tpu.memory_space<hbm>> -> memref<20000x128xf32, #tpu.memory_space<hbm>>
      tpu.enqueue_indirect_dma source(%dma_start3A_150 : memref<20000x128xf32, #tpu.memory_space<hbm>>) target(%dma_start3A_140 : memref<72x128xf32, #tpu.memory_space<vmem>>) offsets(%dma_start3A_143 : memref<72xi32, #tpu.memory_space<vmem>>) semaphore(%arg11 : memref<!tpu.dma_semaphore, #tpu.memory_space<semaphore_mem>>)
      %dma_wait3A_151 = arith.constant 0 : i32
      %dma_wait3A_152 = arith.constant 0 : i32
      %dma_wait3A_153 = arith.constant 0 : i32
      %dma_wait3A_154 = tpu.memref_slice %arg8[%dma_wait3A_151, %dma_wait3A_152, %dma_wait3A_153] : memref<3x72x128xf32, #tpu.memory_space<vmem>> -> memref<1x72x128xf32, #tpu.memory_space<vmem>>
      %dma_wait3A_155 = tpu.memref_squeeze %dma_wait3A_154 : memref<1x72x128xf32, #tpu.memory_space<vmem>> -> memref<72x128xf32, #tpu.memory_space<vmem>>
      %dma_wait3A_156 = arith.constant 0 : i32
      %dma_wait3A_157 = tpu.memref_slice %arg6[%add3A_128, %dma_wait3A_156] : memref<144x72xi32, #tpu.memory_space<vmem>> -> memref<1x72xi32, #tpu.memory_space<vmem>>
      %dma_wait3A_158 = tpu.memref_squeeze %dma_wait3A_157 : memref<1x72xi32, #tpu.memory_space<vmem>> -> memref<72xi32, #tpu.memory_space<vmem>>
      %dma_wait3A_159 = arith.constant 0 : i32
      %dma_wait3A_160 = arith.constant 0 : i32
      %dma_wait3A_161 = tpu.memref_slice %arg2[%scan3A_67, %dma_wait3A_159, %dma_wait3A_160] : memref<2x20000x128xf32, #tpu.memory_space<hbm>> -> memref<1x20000x128xf32, #tpu.memory_space<hbm>>
      %dma_wait3A_162 = tpu.memref_squeeze %dma_wait3A_161 : memref<1x20000x128xf32, #tpu.memory_space<hbm>> -> memref<20000x128xf32, #tpu.memory_space<hbm>>
      %dma_wait3A_163 = arith.constant 0 : i32
      %dma_wait3A_164 = arith.constant 0 : i32
      %dma_wait3A_165 = tpu.memref_slice %dma_wait3A_162[%dma_wait3A_163, %dma_wait3A_164] : memref<20000x128xf32, #tpu.memory_space<hbm>> -> memref<20000x128xf32, #tpu.memory_space<hbm>>
      tpu.wait_indirect_dma semaphore(%arg10 : memref<!tpu.dma_semaphore, #tpu.memory_space<semaphore_mem>>) src(%dma_wait3A_165 : memref<20000x128xf32, #tpu.memory_space<hbm>>) dst(%dma_wait3A_155 : memref<72x128xf32, #tpu.memory_space<vmem>>)
      %dma_start3A_166 = arith.constant 0 : i32
      %dma_start3A_167 = arith.constant 0 : i32
      %dma_start3A_168 = arith.constant 0 : i32
      %dma_start3A_169 = tpu.memref_slice %arg8[%dma_start3A_166, %dma_start3A_167, %dma_start3A_168] : memref<3x72x128xf32, #tpu.memory_space<vmem>> -> memref<1x72x128xf32, #tpu.memory_space<vmem>>
      %dma_start3A_170 = tpu.memref_squeeze %dma_start3A_169 : memref<1x72x128xf32, #tpu.memory_space<vmem>> -> memref<72x128xf32, #tpu.memory_space<vmem>>
      %dma_start3A_171 = arith.constant 0 : i32
      %dma_start3A_172 = tpu.memref_slice %arg7[%add3A_128, %dma_start3A_171] : memref<144x72xi32, #tpu.memory_space<vmem>> -> memref<1x72xi32, #tpu.memory_space<vmem>>
      %dma_start3A_173 = tpu.memref_squeeze %dma_start3A_172 : memref<1x72xi32, #tpu.memory_space<vmem>> -> memref<72xi32, #tpu.memory_space<vmem>>
      %dma_start3A_174 = arith.constant 0 : i32
      %dma_start3A_175 = arith.constant 0 : i32
      %dma_start3A_176 = tpu.memref_slice %arg9[%dma_start3A_174, %dma_start3A_175] : memref<10112x128xf32, #tpu.memory_space<vmem_shared>> -> memref<10112x128xf32, #tpu.memory_space<vmem_shared>>
      tpu.enqueue_indirect_dma source(%dma_start3A_170 : memref<72x128xf32, #tpu.memory_space<vmem>>) target(%dma_start3A_176 : memref<10112x128xf32, #tpu.memory_space<vmem_shared>>) offsets(%dma_start3A_173 : memref<72xi32, #tpu.memory_space<vmem>>) semaphore(%arg13 : memref<!tpu.dma_semaphore, #tpu.memory_space<semaphore_mem>>) {add = true}
      %mul3A_177 = arith.constant 3 : i32
      %mul3A_178 = arith.muli %scan3A_123, %mul3A_177 : i32
      %add3A_179 = arith.constant 1 : i32
      %add3A_180 = arith.addi %mul3A_178, %add3A_179 : i32
      %ge3A_181 = arith.constant 2 : i32
      %ge3A_182 = arith.cmpi sge, %add3A_180, %ge3A_181 : i32
      %convert_element_type3A_183 = arith.extui %ge3A_182 : i1 to i32
      %cond3A_184 = arith.constant 0 : i32
      %cond3A_185 = arith.cmpi ne, %convert_element_type3A_183, %cond3A_184 : i32
      scf.if %cond3A_185 {
        %dma_wait3A_286 = arith.constant 2 : i32
        %dma_wait3A_287 = arith.constant 0 : i32
        %dma_wait3A_288 = arith.constant 0 : i32
        %dma_wait3A_289 = arith.constant 0 : i32
        %dma_wait3A_290 = tpu.memref_slice %arg8[%dma_wait3A_286, %dma_wait3A_288, %dma_wait3A_289] : memref<3x72x128xf32, #tpu.memory_space<vmem>> -> memref<1x72x128xf32, #tpu.memory_space<vmem>>
        %dma_wait3A_291 = tpu.memref_squeeze %dma_wait3A_290 : memref<1x72x128xf32, #tpu.memory_space<vmem>> -> memref<72x128xf32, #tpu.memory_space<vmem>>
        %dma_wait3A_292 = arith.constant 0 : i32
        %dma_wait3A_293 = tpu.memref_slice %arg7[%dma_wait3A_287, %dma_wait3A_292] : memref<144x72xi32, #tpu.memory_space<vmem>> -> memref<1x72xi32, #tpu.memory_space<vmem>>
        %dma_wait3A_294 = tpu.memref_squeeze %dma_wait3A_293 : memref<1x72xi32, #tpu.memory_space<vmem>> -> memref<72xi32, #tpu.memory_space<vmem>>
        %dma_wait3A_295 = arith.constant 0 : i32
        %dma_wait3A_296 = arith.constant 0 : i32
        %dma_wait3A_297 = tpu.memref_slice %arg9[%dma_wait3A_295, %dma_wait3A_296] : memref<10112x128xf32, #tpu.memory_space<vmem_shared>> -> memref<10112x128xf32, #tpu.memory_space<vmem_shared>>
        tpu.wait_indirect_dma semaphore(%arg15 : memref<!tpu.dma_semaphore, #tpu.memory_space<semaphore_mem>>) src(%dma_wait3A_291 : memref<72x128xf32, #tpu.memory_space<vmem>>) dst(%dma_wait3A_297 : memref<10112x128xf32, #tpu.memory_space<vmem_shared>>)
      } else {
      }
      %add3A_186 = arith.constant 1 : i32
      %add3A_187 = arith.addi %add3A_180, %add3A_186 : i32
      %rem3A_188 = arith.constant 144 : i32
      %rem3A_189 = arith.remsi %add3A_187, %rem3A_188 : i32
      %dma_start3A_190 = arith.constant 2 : i32
      %dma_start3A_191 = arith.constant 0 : i32
      %dma_start3A_192 = arith.constant 0 : i32
      %dma_start3A_193 = tpu.memref_slice %arg8[%dma_start3A_190, %dma_start3A_191, %dma_start3A_192] : memref<3x72x128xf32, #tpu.memory_space<vmem>> -> memref<1x72x128xf32, #tpu.memory_space<vmem>>
      %dma_start3A_194 = tpu.memref_squeeze %dma_start3A_193 : memref<1x72x128xf32, #tpu.memory_space<vmem>> -> memref<72x128xf32, #tpu.memory_space<vmem>>
      %dma_start3A_195 = arith.constant 0 : i32
      %dma_start3A_196 = tpu.memref_slice %arg6[%rem3A_189, %dma_start3A_195] : memref<144x72xi32, #tpu.memory_space<vmem>> -> memref<1x72xi32, #tpu.memory_space<vmem>>
      %dma_start3A_197 = tpu.memref_squeeze %dma_start3A_196 : memref<1x72xi32, #tpu.memory_space<vmem>> -> memref<72xi32, #tpu.memory_space<vmem>>
      %dma_start3A_198 = arith.constant 0 : i32
      %dma_start3A_199 = arith.constant 0 : i32
      %dma_start3A_200 = tpu.memref_slice %arg2[%scan3A_67, %dma_start3A_198, %dma_start3A_199] : memref<2x20000x128xf32, #tpu.memory_space<hbm>> -> memref<1x20000x128xf32, #tpu.memory_space<hbm>>
      %dma_start3A_201 = tpu.memref_squeeze %dma_start3A_200 : memref<1x20000x128xf32, #tpu.memory_space<hbm>> -> memref<20000x128xf32, #tpu.memory_space<hbm>>
      %dma_start3A_202 = arith.constant 0 : i32
      %dma_start3A_203 = arith.constant 0 : i32
      %dma_start3A_204 = tpu.memref_slice %dma_start3A_201[%dma_start3A_202, %dma_start3A_203] : memref<20000x128xf32, #tpu.memory_space<hbm>> -> memref<20000x128xf32, #tpu.memory_space<hbm>>
      tpu.enqueue_indirect_dma source(%dma_start3A_204 : memref<20000x128xf32, #tpu.memory_space<hbm>>) target(%dma_start3A_194 : memref<72x128xf32, #tpu.memory_space<vmem>>) offsets(%dma_start3A_197 : memref<72xi32, #tpu.memory_space<vmem>>) semaphore(%arg12 : memref<!tpu.dma_semaphore, #tpu.memory_space<semaphore_mem>>)
      %dma_wait3A_205 = arith.constant 1 : i32
      %dma_wait3A_206 = arith.constant 0 : i32
      %dma_wait3A_207 = arith.constant 0 : i32
      %dma_wait3A_208 = tpu.memref_slice %arg8[%dma_wait3A_205, %dma_wait3A_206, %dma_wait3A_207] : memref<3x72x128xf32, #tpu.memory_space<vmem>> -> memref<1x72x128xf32, #tpu.memory_space<vmem>>
      %dma_wait3A_209 = tpu.memref_squeeze %dma_wait3A_208 : memref<1x72x128xf32, #tpu.memory_space<vmem>> -> memref<72x128xf32, #tpu.memory_space<vmem>>
      %dma_wait3A_210 = arith.constant 0 : i32
      %dma_wait3A_211 = tpu.memref_slice %arg6[%add3A_180, %dma_wait3A_210] : memref<144x72xi32, #tpu.memory_space<vmem>> -> memref<1x72xi32, #tpu.memory_space<vmem>>
      %dma_wait3A_212 = tpu.memref_squeeze %dma_wait3A_211 : memref<1x72xi32, #tpu.memory_space<vmem>> -> memref<72xi32, #tpu.memory_space<vmem>>
      %dma_wait3A_213 = arith.constant 0 : i32
      %dma_wait3A_214 = arith.constant 0 : i32
      %dma_wait3A_215 = tpu.memref_slice %arg2[%scan3A_67, %dma_wait3A_213, %dma_wait3A_214] : memref<2x20000x128xf32, #tpu.memory_space<hbm>> -> memref<1x20000x128xf32, #tpu.memory_space<hbm>>
      %dma_wait3A_216 = tpu.memref_squeeze %dma_wait3A_215 : memref<1x20000x128xf32, #tpu.memory_space<hbm>> -> memref<20000x128xf32, #tpu.memory_space<hbm>>
      %dma_wait3A_217 = arith.constant 0 : i32
      %dma_wait3A_218 = arith.constant 0 : i32
      %dma_wait3A_219 = tpu.memref_slice %dma_wait3A_216[%dma_wait3A_217, %dma_wait3A_218] : memref<20000x128xf32, #tpu.memory_space<hbm>> -> memref<20000x128xf32, #tpu.memory_space<hbm>>
      tpu.wait_indirect_dma semaphore(%arg11 : memref<!tpu.dma_semaphore, #tpu.memory_space<semaphore_mem>>) src(%dma_wait3A_219 : memref<20000x128xf32, #tpu.memory_space<hbm>>) dst(%dma_wait3A_209 : memref<72x128xf32, #tpu.memory_space<vmem>>)
      %dma_start3A_220 = arith.constant 1 : i32
      %dma_start3A_221 = arith.constant 0 : i32
      %dma_start3A_222 = arith.constant 0 : i32
      %dma_start3A_223 = tpu.memref_slice %arg8[%dma_start3A_220, %dma_start3A_221, %dma_start3A_222] : memref<3x72x128xf32, #tpu.memory_space<vmem>> -> memref<1x72x128xf32, #tpu.memory_space<vmem>>
      %dma_start3A_224 = tpu.memref_squeeze %dma_start3A_223 : memref<1x72x128xf32, #tpu.memory_space<vmem>> -> memref<72x128xf32, #tpu.memory_space<vmem>>
      %dma_start3A_225 = arith.constant 0 : i32
      %dma_start3A_226 = tpu.memref_slice %arg7[%add3A_180, %dma_start3A_225] : memref<144x72xi32, #tpu.memory_space<vmem>> -> memref<1x72xi32, #tpu.memory_space<vmem>>
      %dma_start3A_227 = tpu.memref_squeeze %dma_start3A_226 : memref<1x72xi32, #tpu.memory_space<vmem>> -> memref<72xi32, #tpu.memory_space<vmem>>
      %dma_start3A_228 = arith.constant 0 : i32
      %dma_start3A_229 = arith.constant 0 : i32
      %dma_start3A_230 = tpu.memref_slice %arg9[%dma_start3A_228, %dma_start3A_229] : memref<10112x128xf32, #tpu.memory_space<vmem_shared>> -> memref<10112x128xf32, #tpu.memory_space<vmem_shared>>
      tpu.enqueue_indirect_dma source(%dma_start3A_224 : memref<72x128xf32, #tpu.memory_space<vmem>>) target(%dma_start3A_230 : memref<10112x128xf32, #tpu.memory_space<vmem_shared>>) offsets(%dma_start3A_227 : memref<72xi32, #tpu.memory_space<vmem>>) semaphore(%arg14 : memref<!tpu.dma_semaphore, #tpu.memory_space<semaphore_mem>>) {add = true}
      %mul3A_231 = arith.constant 3 : i32
      %mul3A_232 = arith.muli %scan3A_123, %mul3A_231 : i32
      %add3A_233 = arith.constant 2 : i32
      %add3A_234 = arith.addi %mul3A_232, %add3A_233 : i32
      %ge3A_235 = arith.constant 2 : i32
      %ge3A_236 = arith.cmpi sge, %add3A_234, %ge3A_235 : i32
      %convert_element_type3A_237 = arith.extui %ge3A_236 : i1 to i32
      %cond3A_238 = arith.constant 0 : i32
      %cond3A_239 = arith.cmpi ne, %convert_element_type3A_237, %cond3A_238 : i32
      scf.if %cond3A_239 {
        %dma_wait3A_286 = arith.constant 0 : i32
        %dma_wait3A_287 = arith.constant 0 : i32
        %dma_wait3A_288 = arith.constant 0 : i32
        %dma_wait3A_289 = arith.constant 0 : i32
        %dma_wait3A_290 = tpu.memref_slice %arg8[%dma_wait3A_286, %dma_wait3A_288, %dma_wait3A_289] : memref<3x72x128xf32, #tpu.memory_space<vmem>> -> memref<1x72x128xf32, #tpu.memory_space<vmem>>
        %dma_wait3A_291 = tpu.memref_squeeze %dma_wait3A_290 : memref<1x72x128xf32, #tpu.memory_space<vmem>> -> memref<72x128xf32, #tpu.memory_space<vmem>>
        %dma_wait3A_292 = arith.constant 0 : i32
        %dma_wait3A_293 = tpu.memref_slice %arg7[%dma_wait3A_287, %dma_wait3A_292] : memref<144x72xi32, #tpu.memory_space<vmem>> -> memref<1x72xi32, #tpu.memory_space<vmem>>
        %dma_wait3A_294 = tpu.memref_squeeze %dma_wait3A_293 : memref<1x72xi32, #tpu.memory_space<vmem>> -> memref<72xi32, #tpu.memory_space<vmem>>
        %dma_wait3A_295 = arith.constant 0 : i32
        %dma_wait3A_296 = arith.constant 0 : i32
        %dma_wait3A_297 = tpu.memref_slice %arg9[%dma_wait3A_295, %dma_wait3A_296] : memref<10112x128xf32, #tpu.memory_space<vmem_shared>> -> memref<10112x128xf32, #tpu.memory_space<vmem_shared>>
        tpu.wait_indirect_dma semaphore(%arg13 : memref<!tpu.dma_semaphore, #tpu.memory_space<semaphore_mem>>) src(%dma_wait3A_291 : memref<72x128xf32, #tpu.memory_space<vmem>>) dst(%dma_wait3A_297 : memref<10112x128xf32, #tpu.memory_space<vmem_shared>>)
      } else {
      }
      %add3A_240 = arith.constant 1 : i32
      %add3A_241 = arith.addi %add3A_234, %add3A_240 : i32
      %rem3A_242 = arith.constant 144 : i32
      %rem3A_243 = arith.remsi %add3A_241, %rem3A_242 : i32
      %dma_start3A_244 = arith.constant 0 : i32
      %dma_start3A_245 = arith.constant 0 : i32
      %dma_start3A_246 = arith.constant 0 : i32
      %dma_start3A_247 = tpu.memref_slice %arg8[%dma_start3A_244, %dma_start3A_245, %dma_start3A_246] : memref<3x72x128xf32, #tpu.memory_space<vmem>> -> memref<1x72x128xf32, #tpu.memory_space<vmem>>
      %dma_start3A_248 = tpu.memref_squeeze %dma_start3A_247 : memref<1x72x128xf32, #tpu.memory_space<vmem>> -> memref<72x128xf32, #tpu.memory_space<vmem>>
      %dma_start3A_249 = arith.constant 0 : i32
      %dma_start3A_250 = tpu.memref_slice %arg6[%rem3A_243, %dma_start3A_249] : memref<144x72xi32, #tpu.memory_space<vmem>> -> memref<1x72xi32, #tpu.memory_space<vmem>>
      %dma_start3A_251 = tpu.memref_squeeze %dma_start3A_250 : memref<1x72xi32, #tpu.memory_space<vmem>> -> memref<72xi32, #tpu.memory_space<vmem>>
      %dma_start3A_252 = arith.constant 0 : i32
      %dma_start3A_253 = arith.constant 0 : i32
      %dma_start3A_254 = tpu.memref_slice %arg2[%scan3A_67, %dma_start3A_252, %dma_start3A_253] : memref<2x20000x128xf32, #tpu.memory_space<hbm>> -> memref<1x20000x128xf32, #tpu.memory_space<hbm>>
      %dma_start3A_255 = tpu.memref_squeeze %dma_start3A_254 : memref<1x20000x128xf32, #tpu.memory_space<hbm>> -> memref<20000x128xf32, #tpu.memory_space<hbm>>
      %dma_start3A_256 = arith.constant 0 : i32
      %dma_start3A_257 = arith.constant 0 : i32
      %dma_start3A_258 = tpu.memref_slice %dma_start3A_255[%dma_start3A_256, %dma_start3A_257] : memref<20000x128xf32, #tpu.memory_space<hbm>> -> memref<20000x128xf32, #tpu.memory_space<hbm>>
      tpu.enqueue_indirect_dma source(%dma_start3A_258 : memref<20000x128xf32, #tpu.memory_space<hbm>>) target(%dma_start3A_248 : memref<72x128xf32, #tpu.memory_space<vmem>>) offsets(%dma_start3A_251 : memref<72xi32, #tpu.memory_space<vmem>>) semaphore(%arg10 : memref<!tpu.dma_semaphore, #tpu.memory_space<semaphore_mem>>)
      %dma_wait3A_259 = arith.constant 2 : i32
      %dma_wait3A_260 = arith.constant 0 : i32
      %dma_wait3A_261 = arith.constant 0 : i32
      %dma_wait3A_262 = tpu.memref_slice %arg8[%dma_wait3A_259, %dma_wait3A_260, %dma_wait3A_261] : memref<3x72x128xf32, #tpu.memory_space<vmem>> -> memref<1x72x128xf32, #tpu.memory_space<vmem>>
      %dma_wait3A_263 = tpu.memref_squeeze %dma_wait3A_262 : memref<1x72x128xf32, #tpu.memory_space<vmem>> -> memref<72x128xf32, #tpu.memory_space<vmem>>
      %dma_wait3A_264 = arith.constant 0 : i32
      %dma_wait3A_265 = tpu.memref_slice %arg6[%add3A_234, %dma_wait3A_264] : memref<144x72xi32, #tpu.memory_space<vmem>> -> memref<1x72xi32, #tpu.memory_space<vmem>>
      %dma_wait3A_266 = tpu.memref_squeeze %dma_wait3A_265 : memref<1x72xi32, #tpu.memory_space<vmem>> -> memref<72xi32, #tpu.memory_space<vmem>>
      %dma_wait3A_267 = arith.constant 0 : i32
      %dma_wait3A_268 = arith.constant 0 : i32
      %dma_wait3A_269 = tpu.memref_slice %arg2[%scan3A_67, %dma_wait3A_267, %dma_wait3A_268] : memref<2x20000x128xf32, #tpu.memory_space<hbm>> -> memref<1x20000x128xf32, #tpu.memory_space<hbm>>
      %dma_wait3A_270 = tpu.memref_squeeze %dma_wait3A_269 : memref<1x20000x128xf32, #tpu.memory_space<hbm>> -> memref<20000x128xf32, #tpu.memory_space<hbm>>
      %dma_wait3A_271 = arith.constant 0 : i32
      %dma_wait3A_272 = arith.constant 0 : i32
      %dma_wait3A_273 = tpu.memref_slice %dma_wait3A_270[%dma_wait3A_271, %dma_wait3A_272] : memref<20000x128xf32, #tpu.memory_space<hbm>> -> memref<20000x128xf32, #tpu.memory_space<hbm>>
      tpu.wait_indirect_dma semaphore(%arg12 : memref<!tpu.dma_semaphore, #tpu.memory_space<semaphore_mem>>) src(%dma_wait3A_273 : memref<20000x128xf32, #tpu.memory_space<hbm>>) dst(%dma_wait3A_263 : memref<72x128xf32, #tpu.memory_space<vmem>>)
      %dma_start3A_274 = arith.constant 2 : i32
      %dma_start3A_275 = arith.constant 0 : i32
      %dma_start3A_276 = arith.constant 0 : i32
      %dma_start3A_277 = tpu.memref_slice %arg8[%dma_start3A_274, %dma_start3A_275, %dma_start3A_276] : memref<3x72x128xf32, #tpu.memory_space<vmem>> -> memref<1x72x128xf32, #tpu.memory_space<vmem>>
      %dma_start3A_278 = tpu.memref_squeeze %dma_start3A_277 : memref<1x72x128xf32, #tpu.memory_space<vmem>> -> memref<72x128xf32, #tpu.memory_space<vmem>>
      %dma_start3A_279 = arith.constant 0 : i32
      %dma_start3A_280 = tpu.memref_slice %arg7[%add3A_234, %dma_start3A_279] : memref<144x72xi32, #tpu.memory_space<vmem>> -> memref<1x72xi32, #tpu.memory_space<vmem>>
      %dma_start3A_281 = tpu.memref_squeeze %dma_start3A_280 : memref<1x72xi32, #tpu.memory_space<vmem>> -> memref<72xi32, #tpu.memory_space<vmem>>
      %dma_start3A_282 = arith.constant 0 : i32
      %dma_start3A_283 = arith.constant 0 : i32
      %dma_start3A_284 = tpu.memref_slice %arg9[%dma_start3A_282, %dma_start3A_283] : memref<10112x128xf32, #tpu.memory_space<vmem_shared>> -> memref<10112x128xf32, #tpu.memory_space<vmem_shared>>
      tpu.enqueue_indirect_dma source(%dma_start3A_278 : memref<72x128xf32, #tpu.memory_space<vmem>>) target(%dma_start3A_284 : memref<10112x128xf32, #tpu.memory_space<vmem_shared>>) offsets(%dma_start3A_281 : memref<72xi32, #tpu.memory_space<vmem>>) semaphore(%arg15 : memref<!tpu.dma_semaphore, #tpu.memory_space<semaphore_mem>>) {add = true}
      %scan3A_285 = arith.constant 0 : i32
      scf.yield %scan3A_285 : i32
    }
    %scan3A_74 = arith.constant 48 : i32
    %dma_wait3A = arith.constant 1 : i32
    %dma_wait3A_75 = arith.constant 0 : i32
    %dma_wait3A_76 = arith.constant 0 : i32
    %dma_wait3A_77 = arith.constant 0 : i32
    %dma_wait3A_78 = tpu.memref_slice %arg8[%dma_wait3A, %dma_wait3A_76, %dma_wait3A_77] : memref<3x72x128xf32, #tpu.memory_space<vmem>> -> memref<1x72x128xf32, #tpu.memory_space<vmem>>
    %dma_wait3A_79 = tpu.memref_squeeze %dma_wait3A_78 : memref<1x72x128xf32, #tpu.memory_space<vmem>> -> memref<72x128xf32, #tpu.memory_space<vmem>>
    %dma_wait3A_80 = arith.constant 0 : i32
    %dma_wait3A_81 = tpu.memref_slice %arg7[%dma_wait3A_75, %dma_wait3A_80] : memref<144x72xi32, #tpu.memory_space<vmem>> -> memref<1x72xi32, #tpu.memory_space<vmem>>
    %dma_wait3A_82 = tpu.memref_squeeze %dma_wait3A_81 : memref<1x72xi32, #tpu.memory_space<vmem>> -> memref<72xi32, #tpu.memory_space<vmem>>
    %dma_wait3A_83 = arith.constant 0 : i32
    %dma_wait3A_84 = arith.constant 0 : i32
    %dma_wait3A_85 = tpu.memref_slice %arg9[%dma_wait3A_83, %dma_wait3A_84] : memref<10112x128xf32, #tpu.memory_space<vmem_shared>> -> memref<10112x128xf32, #tpu.memory_space<vmem_shared>>
    tpu.wait_indirect_dma semaphore(%arg14 : memref<!tpu.dma_semaphore, #tpu.memory_space<semaphore_mem>>) src(%dma_wait3A_79 : memref<72x128xf32, #tpu.memory_space<vmem>>) dst(%dma_wait3A_85 : memref<10112x128xf32, #tpu.memory_space<vmem_shared>>)
    %dma_wait3A_86 = arith.constant 2 : i32
    %dma_wait3A_87 = arith.constant 0 : i32
    %dma_wait3A_88 = arith.constant 0 : i32
    %dma_wait3A_89 = arith.constant 0 : i32
    %dma_wait3A_90 = tpu.memref_slice %arg8[%dma_wait3A_86, %dma_wait3A_88, %dma_wait3A_89] : memref<3x72x128xf32, #tpu.memory_space<vmem>> -> memref<1x72x128xf32, #tpu.memory_space<vmem>>
    %dma_wait3A_91 = tpu.memref_squeeze %dma_wait3A_90 : memref<1x72x128xf32, #tpu.memory_space<vmem>> -> memref<72x128xf32, #tpu.memory_space<vmem>>
    %dma_wait3A_92 = arith.constant 0 : i32
    %dma_wait3A_93 = tpu.memref_slice %arg7[%dma_wait3A_87, %dma_wait3A_92] : memref<144x72xi32, #tpu.memory_space<vmem>> -> memref<1x72xi32, #tpu.memory_space<vmem>>
    %dma_wait3A_94 = tpu.memref_squeeze %dma_wait3A_93 : memref<1x72xi32, #tpu.memory_space<vmem>> -> memref<72xi32, #tpu.memory_space<vmem>>
    %dma_wait3A_95 = arith.constant 0 : i32
    %dma_wait3A_96 = arith.constant 0 : i32
    %dma_wait3A_97 = tpu.memref_slice %arg9[%dma_wait3A_95, %dma_wait3A_96] : memref<10112x128xf32, #tpu.memory_space<vmem_shared>> -> memref<10112x128xf32, #tpu.memory_space<vmem_shared>>
    tpu.wait_indirect_dma semaphore(%arg15 : memref<!tpu.dma_semaphore, #tpu.memory_space<semaphore_mem>>) src(%dma_wait3A_91 : memref<72x128xf32, #tpu.memory_space<vmem>>) dst(%dma_wait3A_97 : memref<10112x128xf32, #tpu.memory_space<vmem_shared>>)
    %dma_wait3A_98 = arith.constant 0 : i32
    %dma_wait3A_99 = arith.constant 0 : i32
    %dma_wait3A_100 = arith.constant 0 : i32
    %dma_wait3A_101 = arith.constant 0 : i32
    %dma_wait3A_102 = arith.constant 0 : i32
    %dma_wait3A_103 = tpu.memref_slice %arg8[%dma_wait3A_100, %dma_wait3A_101, %dma_wait3A_102] : memref<3x72x128xf32, #tpu.memory_space<vmem>> -> memref<1x72x128xf32, #tpu.memory_space<vmem>>
    %dma_wait3A_104 = tpu.memref_squeeze %dma_wait3A_103 : memref<1x72x128xf32, #tpu.memory_space<vmem>> -> memref<72x128xf32, #tpu.memory_space<vmem>>
    %dma_wait3A_105 = arith.constant 0 : i32
    %dma_wait3A_106 = tpu.memref_slice %arg6[%dma_wait3A_99, %dma_wait3A_105] : memref<144x72xi32, #tpu.memory_space<vmem>> -> memref<1x72xi32, #tpu.memory_space<vmem>>
    %dma_wait3A_107 = tpu.memref_squeeze %dma_wait3A_106 : memref<1x72xi32, #tpu.memory_space<vmem>> -> memref<72xi32, #tpu.memory_space<vmem>>
    %dma_wait3A_108 = arith.constant 0 : i32
    %dma_wait3A_109 = arith.constant 0 : i32
    %dma_wait3A_110 = tpu.memref_slice %arg2[%dma_wait3A_98, %dma_wait3A_108, %dma_wait3A_109] : memref<2x20000x128xf32, #tpu.memory_space<hbm>> -> memref<1x20000x128xf32, #tpu.memory_space<hbm>>
    %dma_wait3A_111 = tpu.memref_squeeze %dma_wait3A_110 : memref<1x20000x128xf32, #tpu.memory_space<hbm>> -> memref<20000x128xf32, #tpu.memory_space<hbm>>
    %dma_wait3A_112 = arith.constant 0 : i32
    %dma_wait3A_113 = arith.constant 0 : i32
    %dma_wait3A_114 = tpu.memref_slice %dma_wait3A_111[%dma_wait3A_112, %dma_wait3A_113] : memref<20000x128xf32, #tpu.memory_space<hbm>> -> memref<20000x128xf32, #tpu.memory_space<hbm>>
    tpu.wait_indirect_dma semaphore(%arg10 : memref<!tpu.dma_semaphore, #tpu.memory_space<semaphore_mem>>) src(%dma_wait3A_114 : memref<20000x128xf32, #tpu.memory_space<hbm>>) dst(%dma_wait3A_104 : memref<72x128xf32, #tpu.memory_space<vmem>>)
    %barrier3A_115 = arith.constant 0 : index
    tpu.barrier barrier_id(%barrier3A_115)
    %mul3A_116 = arith.constant 624 : i32
    %mul3A_117 = arith.muli %arg1, %mul3A_116 : i32
    %mul3A_118 = arith.constant 10000 : i32
    %mul3A_119 = arith.muli %arg0, %mul3A_118 : i32
    %add3A_120 = arith.addi %mul3A_119, %mul3A_117 : i32
    "tpu.region"() ({
      %run_scoped3A_123 = tpu.sem_alloc : memref<!tpu.dma_semaphore, #tpu.memory_space<semaphore_mem>>
      %dma_start3A_124 = arith.constant 0 : i32
      %dma_start3A_125 = tpu.memref_slice %arg5[%add3A_120, %dma_start3A_124] : memref<20000x128xf32, #tpu.memory_space<hbm>> -> memref<624x128xf32, #tpu.memory_space<hbm>>
      %dma_start3A_126 = arith.constant 0 : i32
      %dma_start3A_127 = tpu.memref_slice %arg9[%mul3A_117, %dma_start3A_126] : memref<10112x128xf32, #tpu.memory_space<vmem_shared>> -> memref<624x128xf32, #tpu.memory_space<vmem_shared>>
      tpu.enqueue_dma source(%dma_start3A_127 : memref<624x128xf32, #tpu.memory_space<vmem_shared>>) target(%dma_start3A_125 : memref<624x128xf32, #tpu.memory_space<hbm>>) target_semaphore(%run_scoped3A_123 : memref<!tpu.dma_semaphore, #tpu.memory_space<semaphore_mem>>)
      %dma_wait3A_128 = arith.constant 0 : i32
      %dma_wait3A_129 = tpu.memref_slice %arg5[%add3A_120, %dma_wait3A_128] : memref<20000x128xf32, #tpu.memory_space<hbm>> -> memref<624x128xf32, #tpu.memory_space<hbm>>
      %dma_wait3A_130 = arith.constant 0 : i32
      %dma_wait3A_131 = tpu.memref_slice %arg9[%mul3A_117, %dma_wait3A_130] : memref<10112x128xf32, #tpu.memory_space<vmem_shared>> -> memref<624x128xf32, #tpu.memory_space<vmem_shared>>
      tpu.wait_dma2 semaphore(%run_scoped3A_123 : memref<!tpu.dma_semaphore, #tpu.memory_space<semaphore_mem>>) src(%dma_wait3A_131 : memref<624x128xf32, #tpu.memory_space<vmem_shared>>) dst(%dma_wait3A_129 : memref<624x128xf32, #tpu.memory_space<hbm>>)
      tpu.yield
    }) : () -> ()
    %eq3A = arith.constant 15 : i32
    %eq3A_121 = arith.cmpi eq, %arg1, %eq3A : i32
    %convert_element_type3A = arith.extui %eq3A_121 : i1 to i32
    %cond3A = arith.constant 0 : i32
    %cond3A_122 = arith.cmpi ne, %convert_element_type3A, %cond3A : i32
    scf.if %cond3A_122 {
      %mul3A_123 = arith.constant 10000 : i32
      %mul3A_124 = arith.muli %arg0, %mul3A_123 : i32
      %add3A_125 = arith.constant 9984 : i32
      %add3A_126 = arith.addi %mul3A_124, %add3A_125 : i32
      "tpu.region"() ({
        %run_scoped3A_127 = tpu.sem_alloc : memref<!tpu.dma_semaphore, #tpu.memory_space<semaphore_mem>>
        %dma_start3A_128 = arith.constant 0 : i32
        %dma_start3A_129 = tpu.memref_slice %arg5[%add3A_126, %dma_start3A_128] : memref<20000x128xf32, #tpu.memory_space<hbm>> -> memref<16x128xf32, #tpu.memory_space<hbm>>
        %dma_start3A_130 = arith.constant 9984 : i32
        %dma_start3A_131 = arith.constant 0 : i32
        %dma_start3A_132 = tpu.memref_slice %arg9[%dma_start3A_130, %dma_start3A_131] : memref<10112x128xf32, #tpu.memory_space<vmem_shared>> -> memref<16x128xf32, #tpu.memory_space<vmem_shared>>
        tpu.enqueue_dma source(%dma_start3A_132 : memref<16x128xf32, #tpu.memory_space<vmem_shared>>) target(%dma_start3A_129 : memref<16x128xf32, #tpu.memory_space<hbm>>) target_semaphore(%run_scoped3A_127 : memref<!tpu.dma_semaphore, #tpu.memory_space<semaphore_mem>>)
        %dma_wait3A_133 = arith.constant 0 : i32
        %dma_wait3A_134 = tpu.memref_slice %arg5[%add3A_126, %dma_wait3A_133] : memref<20000x128xf32, #tpu.memory_space<hbm>> -> memref<16x128xf32, #tpu.memory_space<hbm>>
        %dma_wait3A_135 = arith.constant 9984 : i32
        %dma_wait3A_136 = arith.constant 0 : i32
        %dma_wait3A_137 = tpu.memref_slice %arg9[%dma_wait3A_135, %dma_wait3A_136] : memref<10112x128xf32, #tpu.memory_space<vmem_shared>> -> memref<16x128xf32, #tpu.memory_space<vmem_shared>>
        tpu.wait_dma2 semaphore(%run_scoped3A_127 : memref<!tpu.dma_semaphore, #tpu.memory_space<semaphore_mem>>) src(%dma_wait3A_137 : memref<16x128xf32, #tpu.memory_space<vmem_shared>>) dst(%dma_wait3A_134 : memref<16x128xf32, #tpu.memory_space<hbm>>)
        tpu.yield
      }) : () -> ()
    } else {
    }
    return
  }
}

module attributes {stable_mosaic.version = 14 : i64} {
  func.func @_proj_body(%arg0: i32, %arg1: i32, %arg2: memref<2000x256xf32, #tpu.memory_space<vmem>>, %arg3: memref<2000x256xf32, #tpu.memory_space<vmem>>, %arg4: memref<1x256x256xf32, #tpu.memory_space<vmem>>, %arg5: memref<1x1x256xf32, #tpu.memory_space<vmem>>, %arg6: memref<1x2x2000x128xf32, #tpu.memory_space<vmem>>) attributes {dimension_semantics = [#tpu.dimension_semantics<arbitrary>, #tpu.dimension_semantics<arbitrary>], iteration_bounds = array<i64: 2, 5>, scalar_prefetch = 0 : i64, scratch_operands = 0 : i64, tpu.core_type = #tpu.core_type<tc>, window_params = [{transform_indices = @transform_0, window_bounds = array<i64: 2000, 256>}, {transform_indices = @transform_1, window_bounds = array<i64: 2000, 256>}, {transform_indices = @transform_2, window_bounds = array<i64: 1, 256, 256>}, {transform_indices = @transform_3, window_bounds = array<i64: 1, 1, 256>}, {transform_indices = @transform_4, window_bounds = array<i64: 1, 2, 2000, 128>}]} {
    %eq3A = arith.constant 0 : i32
    %eq3A_0 = arith.cmpi eq, %arg0, %eq3A : i32
    %get3A = arith.constant 0 : index
    %get3A_1 = arith.constant 0 : index
    %get3A_2 = vector.load %arg2[%get3A, %get3A_1] : memref<2000x256xf32, #tpu.memory_space<vmem>>, vector<2000x256xf32>
    %get3A_3 = arith.constant 0 : index
    %get3A_4 = arith.constant 0 : index
    %get3A_5 = vector.load %arg3[%get3A_3, %get3A_4] : memref<2000x256xf32, #tpu.memory_space<vmem>>, vector<2000x256xf32>
    %select_n3A = arith.select %eq3A_0, %get3A_2, %get3A_5 : vector<2000x256xf32>
    %get3A_6 = arith.constant 0 : index
    %get3A_7 = arith.constant 0 : index
    %get3A_8 = arith.constant 0 : index
    %get3A_9 = vector.load %arg4[%get3A_6, %get3A_7, %get3A_8] : memref<1x256x256xf32, #tpu.memory_space<vmem>>, vector<1x256x256xf32>
    %get3A_10 = vector.shape_cast %get3A_9 : vector<1x256x256xf32> to vector<256x256xf32>
    %dot_general3A = arith.constant dense<0.000000e+00> : vector<2000x256xf32>
    %dot_general3A_11 = tpu.matmul %select_n3A, %get3A_10, %dot_general3A {dimension_numbers = #tpu.dot_dimension_numbers<[1], [0], [0], [1], [0, 0, 1, 1], [], []>, transpose_lhs_hint = false} : vector<2000x256xf32>, vector<256x256xf32>, vector<2000x256xf32> -> vector<2000x256xf32>
    %get3A_12 = arith.constant 0 : index
    %get3A_13 = arith.constant 0 : index
    %get3A_14 = arith.constant 0 : index
    %get3A_15 = vector.load %arg5[%get3A_12, %get3A_13, %get3A_14] : memref<1x1x256xf32, #tpu.memory_space<vmem>>, vector<1x1x256xf32>
    %get3A_16 = vector.shape_cast %get3A_15 : vector<1x1x256xf32> to vector<1x256xf32>
    %add3A = vector.broadcast %get3A_16 : vector<1x256xf32> to vector<2000x256xf32>
    %add3A_17 = arith.addf %dot_general3A_11, %add3A : vector<2000x256xf32>
    %max3A = arith.constant 0.000000e+00 : f32
    %max3A_18 = vector.broadcast %max3A : f32 to vector<2000x256xf32>
    %max3A_19 = arith.maximumf %add3A_17, %max3A_18 : vector<2000x256xf32>
    %slice3A = vector.extract_strided_slice %max3A_19 {offsets = [0, 0], sizes = [2000, 128], strides = [1, 1]} : vector<2000x256xf32> to vector<2000x128xf32>
    %swap3A = arith.constant 0 : index
    %swap3A_20 = arith.constant 0 : index
    %swap3A_21 = arith.constant 0 : index
    %swap3A_22 = arith.constant 0 : index
    %swap3A_23 = vector.load %arg6[%swap3A, %swap3A_20, %swap3A_21, %swap3A_22] : memref<1x2x2000x128xf32, #tpu.memory_space<vmem>>, vector<1x1x2000x128xf32>
    %swap3A_24 = vector.shape_cast %swap3A_23 : vector<1x1x2000x128xf32> to vector<2000x128xf32>
    %swap3A_25 = vector.shape_cast %slice3A : vector<2000x128xf32> to vector<1x1x2000x128xf32>
    tpu.vector_store %arg6[%swap3A, %swap3A_20, %swap3A_21, %swap3A_22], %swap3A_25 {strides = array<i32>} : memref<1x2x2000x128xf32, #tpu.memory_space<vmem>>, vector<1x1x2000x128xf32>,
    %slice3A_26 = vector.extract_strided_slice %max3A_19 {offsets = [0, 128], sizes = [2000, 128], strides = [1, 1]} : vector<2000x256xf32> to vector<2000x128xf32>
    %swap3A_27 = arith.constant 0 : index
    %swap3A_28 = arith.constant 1 : index
    %swap3A_29 = arith.constant 0 : index
    %swap3A_30 = arith.constant 0 : index
    %swap3A_31 = vector.load %arg6[%swap3A_27, %swap3A_28, %swap3A_29, %swap3A_30] : memref<1x2x2000x128xf32, #tpu.memory_space<vmem>>, vector<1x1x2000x128xf32>
    %swap3A_32 = vector.shape_cast %swap3A_31 : vector<1x1x2000x128xf32> to vector<2000x128xf32>
    %swap3A_33 = vector.shape_cast %slice3A_26 : vector<2000x128xf32> to vector<1x1x2000x128xf32>
    tpu.vector_store %arg6[%swap3A_27, %swap3A_28, %swap3A_29, %swap3A_30], %swap3A_33 {strides = array<i32>} : memref<1x2x2000x128xf32, #tpu.memory_space<vmem>>, vector<1x1x2000x128xf32>,
    return
  }
  func.func @transform_0(%arg0: i32, %arg1: i32) -> (i32, i32) {
    %sub3A = arith.constant 1 : i32
    %sub3A_0 = arith.subi %sub3A, %arg0 : i32
    %mul3A = arith.muli %sub3A_0, %arg1 : i32
    %c0_i32 = arith.constant 0 : i32
    %c0_i32_1 = arith.constant 0 : i32
    return %mul3A, %c0_i32 : i32, i32
  }
  func.func @transform_1(%arg0: i32, %arg1: i32) -> (i32, i32) {
    %mul3A = arith.muli %arg0, %arg1 : i32
    %c0_i32 = arith.constant 0 : i32
    %c0_i32_0 = arith.constant 0 : i32
    return %mul3A, %c0_i32 : i32, i32
  }
  func.func @transform_2(%arg0: i32, %arg1: i32) -> (i32, i32, i32) {
    %c0_i32 = arith.constant 0 : i32
    %c0_i32_0 = arith.constant 0 : i32
    %c0_i32_1 = arith.constant 0 : i32
    return %arg0, %c0_i32, %c0_i32_0 : i32, i32, i32
  }
  func.func @transform_3(%arg0: i32, %arg1: i32) -> (i32, i32, i32) {
    %c0_i32 = arith.constant 0 : i32
    %c0_i32_0 = arith.constant 0 : i32
    %c0_i32_1 = arith.constant 0 : i32
    return %arg0, %c0_i32, %c0_i32_0 : i32, i32, i32
  }
  func.func @transform_4(%arg0: i32, %arg1: i32) -> (i32, i32, i32, i32) {
    %c0_i32 = arith.constant 0 : i32
    %c0_i32_0 = arith.constant 0 : i32
    %c0_i32_1 = arith.constant 0 : i32
    return %arg0, %c0_i32, %arg1, %c0_i32_0 : i32, i32, i32, i32
  }
}

module attributes {stable_mosaic.version = 14 : i64} {
  func.func @_mixnorm_body(%arg0: i32, %arg1: memref<2x2000x128xf32, #tpu.memory_space<vmem>>, %arg2: memref<2000x1xf32, #tpu.memory_space<vmem>>, %arg3: memref<1x2x2000x128xf32, #tpu.memory_space<vmem>>, %arg4: memref<256x256xf32, #tpu.memory_space<vmem>>, %arg5: memref<1x256xf32, #tpu.memory_space<vmem>>, %arg6: memref<256x256xf32, #tpu.memory_space<vmem>>, %arg7: memref<1x256xf32, #tpu.memory_space<vmem>>, %arg8: memref<1x256xf32, #tpu.memory_space<vmem>>, %arg9: memref<1x256xf32, #tpu.memory_space<vmem>>, %arg10: memref<256x256xf32, #tpu.memory_space<vmem>>, %arg11: memref<1x256xf32, #tpu.memory_space<vmem>>, %arg12: memref<2000x256xf32, #tpu.memory_space<vmem>>, %arg13: memref<5x2000x256xf32, #tpu.memory_space<vmem>>, %arg14: memref<8x256xf32, #tpu.memory_space<vmem>>) attributes {dimension_semantics = [#tpu.dimension_semantics<arbitrary>], iteration_bounds = array<i64: 10>, scalar_prefetch = 0 : i64, scratch_operands = 2 : i64, tpu.core_type = #tpu.core_type<tc>, window_params = [{transform_indices = @transform_0, window_bounds = array<i64: 2, 2000, 128>}, {transform_indices = @transform_1, window_bounds = array<i64: 2000, 1>}, {transform_indices = @transform_2, window_bounds = array<i64: 1, 2, 2000, 128>}, {pipeline_mode = #tpu.pipeline_mode<synchronous>, transform_indices = @transform_3, window_bounds = array<i64: 256, 256>}, {pipeline_mode = #tpu.pipeline_mode<synchronous>, transform_indices = @transform_4, window_bounds = array<i64: 1, 256>}, {pipeline_mode = #tpu.pipeline_mode<synchronous>, transform_indices = @transform_5, window_bounds = array<i64: 256, 256>}, {pipeline_mode = #tpu.pipeline_mode<synchronous>, transform_indices = @transform_6, window_bounds = array<i64: 1, 256>}, {pipeline_mode = #tpu.pipeline_mode<synchronous>, transform_indices = @transform_7, window_bounds = array<i64: 1, 256>}, {pipeline_mode = #tpu.pipeline_mode<synchronous>, transform_indices = @transform_8, window_bounds = array<i64: 1, 256>}, {pipeline_mode = #tpu.pipeline_mode<synchronous>, transform_indices = @transform_9, window_bounds = array<i64: 256, 256>}, {pipeline_mode = #tpu.pipeline_mode<synchronous>, transform_indices = @transform_10, window_bounds = array<i64: 1, 256>}, {transform_indices = @transform_11, window_bounds = array<i64: 2000, 256>}]} {
    %eq3A = arith.constant 0 : i32
    %eq3A_0 = arith.cmpi eq, %arg0, %eq3A : i32
    %convert_element_type3A = arith.extui %eq3A_0 : i1 to i32
    %cond3A = arith.constant 0 : i32
    %cond3A_1 = arith.cmpi ne, %convert_element_type3A, %cond3A : i32
    scf.if %cond3A_1 {
      %broadcast_in_dim3A = arith.constant 0.000000e+00 : f32
      %broadcast_in_dim3A_10 = vector.broadcast %broadcast_in_dim3A : f32 to vector<8x256xf32>
      %swap3A = arith.constant 0 : index
      %swap3A_11 = arith.constant 0 : index
      %swap3A_12 = vector.load %arg14[%swap3A, %swap3A_11] : memref<8x256xf32, #tpu.memory_space<vmem>>, vector<8x256xf32>
      tpu.vector_store %arg14[%swap3A, %swap3A_11], %broadcast_in_dim3A_10 {strides = array<i32>} : memref<8x256xf32, #tpu.memory_space<vmem>>, vector<8x256xf32>,
    } else {
    }
    %lt3A = arith.constant 5 : i32
    %lt3A_2 = arith.cmpi slt, %arg0, %lt3A : i32
    %convert_element_type3A_3 = arith.extui %lt3A_2 : i1 to i32
    %cond3A_4 = arith.constant 0 : i32
    %cond3A_5 = arith.cmpi ne, %convert_element_type3A_3, %cond3A_4 : i32
    scf.if %cond3A_5 {
      %get3A = arith.constant 0 : index
      %get3A_10 = arith.constant 0 : index
      %get3A_11 = vector.load %arg2[%get3A, %get3A_10] : memref<2000x1xf32, #tpu.memory_space<vmem>>, vector<2000x1xf32>
      %max3A = arith.constant 1.000000e+00 : f32
      %max3A_12 = vector.broadcast %max3A : f32 to vector<2000x1xf32>
      %max3A_13 = arith.maximumf %get3A_11, %max3A_12 : vector<2000x1xf32>
      %get3A_14 = arith.constant 0 : index
      %get3A_15 = arith.constant 0 : index
      %get3A_16 = arith.constant 0 : index
      %get3A_17 = vector.load %arg1[%get3A_14, %get3A_15, %get3A_16] : memref<2x2000x128xf32, #tpu.memory_space<vmem>>, vector<1x2000x128xf32>
      %get3A_18 = vector.shape_cast %get3A_17 : vector<1x2000x128xf32> to vector<2000x128xf32>
      %get3A_19 = arith.constant 1 : index
      %get3A_20 = arith.constant 0 : index
      %get3A_21 = arith.constant 0 : index
      %get3A_22 = vector.load %arg1[%get3A_19, %get3A_20, %get3A_21] : memref<2x2000x128xf32, #tpu.memory_space<vmem>>, vector<1x2000x128xf32>
      %get3A_23 = vector.shape_cast %get3A_22 : vector<1x2000x128xf32> to vector<2000x128xf32>
      %concatenate3A = tpu.concatenate %get3A_18, %get3A_23 in 1 : vector<2000x128xf32>, vector<2000x128xf32> -> vector<2000x256xf32>
      %div3A = vector.broadcast %max3A_13 : vector<2000x1xf32> to vector<2000x256xf32>
      %div3A_24 = arith.divf %concatenate3A, %div3A : vector<2000x256xf32>
      %get3A_25 = arith.constant 0 : index
      %get3A_26 = arith.constant 0 : index
      %get3A_27 = arith.constant 0 : index
      %get3A_28 = arith.constant 0 : index
      %get3A_29 = vector.load %arg3[%get3A_25, %get3A_26, %get3A_27, %get3A_28] : memref<1x2x2000x128xf32, #tpu.memory_space<vmem>>, vector<1x1x2000x128xf32>
      %get3A_30 = vector.shape_cast %get3A_29 : vector<1x1x2000x128xf32> to vector<2000x128xf32>
      %get3A_31 = arith.constant 0 : index
      %get3A_32 = arith.constant 1 : index
      %get3A_33 = arith.constant 0 : index
      %get3A_34 = arith.constant 0 : index
      %get3A_35 = vector.load %arg3[%get3A_31, %get3A_32, %get3A_33, %get3A_34] : memref<1x2x2000x128xf32, #tpu.memory_space<vmem>>, vector<1x1x2000x128xf32>
      %get3A_36 = vector.shape_cast %get3A_35 : vector<1x1x2000x128xf32> to vector<2000x128xf32>
      %concatenate3A_37 = tpu.concatenate %get3A_30, %get3A_36 in 1 : vector<2000x128xf32>, vector<2000x128xf32> -> vector<2000x256xf32>
      %get3A_38 = arith.constant 0 : index
      %get3A_39 = arith.constant 0 : index
      %get3A_40 = vector.load %arg4[%get3A_38, %get3A_39] : memref<256x256xf32, #tpu.memory_space<vmem>>, vector<256x256xf32>
      %dot_general3A = arith.constant dense<0.000000e+00> : vector<2000x256xf32>
      %dot_general3A_41 = tpu.matmul %div3A_24, %get3A_40, %dot_general3A {dimension_numbers = #tpu.dot_dimension_numbers<[1], [0], [0], [1], [0, 0, 1, 1], [], []>, transpose_lhs_hint = false} : vector<2000x256xf32>, vector<256x256xf32>, vector<2000x256xf32> -> vector<2000x256xf32>
      %get3A_42 = arith.constant 0 : index
      %get3A_43 = arith.constant 0 : index
      %get3A_44 = vector.load %arg5[%get3A_42, %get3A_43] : memref<1x256xf32, #tpu.memory_space<vmem>>, vector<1x256xf32>
      %add3A = vector.broadcast %get3A_44 : vector<1x256xf32> to vector<2000x256xf32>
      %add3A_45 = arith.addf %dot_general3A_41, %add3A : vector<2000x256xf32>
      %get3A_46 = arith.constant 0 : index
      %get3A_47 = arith.constant 0 : index
      %get3A_48 = vector.load %arg6[%get3A_46, %get3A_47] : memref<256x256xf32, #tpu.memory_space<vmem>>, vector<256x256xf32>
      %dot_general3A_49 = arith.constant dense<0.000000e+00> : vector<2000x256xf32>
      %dot_general3A_50 = tpu.matmul %concatenate3A_37, %get3A_48, %dot_general3A_49 {dimension_numbers = #tpu.dot_dimension_numbers<[1], [0], [0], [1], [0, 0, 1, 1], [], []>, transpose_lhs_hint = false} : vector<2000x256xf32>, vector<256x256xf32>, vector<2000x256xf32> -> vector<2000x256xf32>
      %add3A_51 = arith.addf %add3A_45, %dot_general3A_50 : vector<2000x256xf32>
      %broadcast_in_dim3A = vector.shape_cast %add3A_51 : vector<2000x256xf32> to vector<1x2000x256xf32>
      %swap3A = arith.index_cast %arg0 : i32 to index
      %swap3A_52 = arith.constant 0 : index
      %swap3A_53 = arith.constant 0 : index
      %swap3A_54 = vector.load %arg13[%swap3A, %swap3A_52, %swap3A_53] : memref<5x2000x256xf32, #tpu.memory_space<vmem>>, vector<1x2000x256xf32>
      tpu.vector_store %arg13[%swap3A, %swap3A_52, %swap3A_53], %broadcast_in_dim3A {strides = array<i32>} : memref<5x2000x256xf32, #tpu.memory_space<vmem>>, vector<1x2000x256xf32>,
      %get3A_55 = arith.constant 0 : index
      %get3A_56 = arith.constant 0 : index
      %get3A_57 = vector.load %arg14[%get3A_55, %get3A_56] : memref<8x256xf32, #tpu.memory_space<vmem>>, vector<1x256xf32>
      %reduce_sum3A = arith.constant dense<0.000000e+00> : vector<256xf32>
      %reduce_sum3A_58 = vector.multi_reduction <add>, %add3A_51, %reduce_sum3A [0] : vector<2000x256xf32> to vector<256xf32>
      %broadcast_in_dim3A_59 = vector.shape_cast %reduce_sum3A_58 : vector<256xf32> to vector<1x256xf32>
      %add3A_60 = arith.addf %get3A_57, %broadcast_in_dim3A_59 : vector<1x256xf32>
      %swap3A_61 = arith.constant 0 : index
      %swap3A_62 = arith.constant 0 : index
      %swap3A_63 = vector.load %arg14[%swap3A_61, %swap3A_62] : memref<8x256xf32, #tpu.memory_space<vmem>>, vector<1x256xf32>
      tpu.vector_store %arg14[%swap3A_61, %swap3A_62], %add3A_60 {strides = array<i32>} : memref<8x256xf32, #tpu.memory_space<vmem>>, vector<1x256xf32>,
      %get3A_64 = arith.constant 1 : index
      %get3A_65 = arith.constant 0 : index
      %get3A_66 = vector.load %arg14[%get3A_64, %get3A_65] : memref<8x256xf32, #tpu.memory_space<vmem>>, vector<1x256xf32>
      %mul3A = arith.mulf %add3A_51, %add3A_51 : vector<2000x256xf32>
      %reduce_sum3A_67 = arith.constant dense<0.000000e+00> : vector<256xf32>
      %reduce_sum3A_68 = vector.multi_reduction <add>, %mul3A, %reduce_sum3A_67 [0] : vector<2000x256xf32> to vector<256xf32>
      %broadcast_in_dim3A_69 = vector.shape_cast %reduce_sum3A_68 : vector<256xf32> to vector<1x256xf32>
      %add3A_70 = arith.addf %get3A_66, %broadcast_in_dim3A_69 : vector<1x256xf32>
      %swap3A_71 = arith.constant 1 : index
      %swap3A_72 = arith.constant 0 : index
      %swap3A_73 = vector.load %arg14[%swap3A_71, %swap3A_72] : memref<8x256xf32, #tpu.memory_space<vmem>>, vector<1x256xf32>
      tpu.vector_store %arg14[%swap3A_71, %swap3A_72], %add3A_70 {strides = array<i32>} : memref<8x256xf32, #tpu.memory_space<vmem>>, vector<1x256xf32>,
    } else {
    }
    %ge3A = arith.constant 5 : i32
    %ge3A_6 = arith.cmpi sge, %arg0, %ge3A : i32
    %convert_element_type3A_7 = arith.extui %ge3A_6 : i1 to i32
    %cond3A_8 = arith.constant 0 : i32
    %cond3A_9 = arith.cmpi ne, %convert_element_type3A_7, %cond3A_8 : i32
    scf.if %cond3A_9 {
      %sub3A = arith.constant 5 : i32
      %sub3A_10 = arith.subi %arg0, %sub3A : i32
      %get3A = arith.constant 0 : index
      %get3A_11 = arith.constant 0 : index
      %get3A_12 = vector.load %arg14[%get3A, %get3A_11] : memref<8x256xf32, #tpu.memory_space<vmem>>, vector<1x256xf32>
      %mul3A = arith.constant 9.99999974E-5 : f32
      %mul3A_13 = vector.broadcast %mul3A : f32 to vector<1x256xf32>
      %mul3A_14 = arith.mulf %get3A_12, %mul3A_13 : vector<1x256xf32>
      %get3A_15 = arith.constant 1 : index
      %get3A_16 = arith.constant 0 : index
      %get3A_17 = vector.load %arg14[%get3A_15, %get3A_16] : memref<8x256xf32, #tpu.memory_space<vmem>>, vector<1x256xf32>
      %mul3A_18 = arith.constant 9.99999974E-5 : f32
      %mul3A_19 = vector.broadcast %mul3A_18 : f32 to vector<1x256xf32>
      %mul3A_20 = arith.mulf %get3A_17, %mul3A_19 : vector<1x256xf32>
      %get3A_21 = arith.constant 0 : index
      %get3A_22 = arith.constant 0 : index
      %get3A_23 = vector.load %arg9[%get3A_21, %get3A_22] : memref<1x256xf32, #tpu.memory_space<vmem>>, vector<1x256xf32>
      %mul3A_24 = arith.mulf %get3A_23, %mul3A_14 : vector<1x256xf32>
      %mul3A_25 = arith.constant 2.000000e+00 : f32
      %mul3A_26 = vector.broadcast %mul3A_25 : f32 to vector<1x256xf32>
      %mul3A_27 = arith.mulf %mul3A_26, %mul3A_24 : vector<1x256xf32>
      %mul3A_28 = arith.mulf %mul3A_27, %mul3A_14 : vector<1x256xf32>
      %sub3A_29 = arith.subf %mul3A_20, %mul3A_28 : vector<1x256xf32>
      %mul3A_30 = arith.mulf %mul3A_24, %mul3A_24 : vector<1x256xf32>
      %add3A = arith.addf %sub3A_29, %mul3A_30 : vector<1x256xf32>
      %add3A_31 = arith.constant 9.99999974E-6 : f32
      %add3A_32 = vector.broadcast %add3A_31 : f32 to vector<1x256xf32>
      %add3A_33 = arith.addf %add3A, %add3A_32 : vector<1x256xf32>
      %rsqrt3A = math.rsqrt %add3A_33 : vector<1x256xf32>
      %get3A_34 = arith.constant 0 : index
      %get3A_35 = arith.constant 0 : index
      %get3A_36 = vector.load %arg7[%get3A_34, %get3A_35] : memref<1x256xf32, #tpu.memory_space<vmem>>, vector<1x256xf32>
      %mul3A_37 = arith.mulf %get3A_36, %rsqrt3A : vector<1x256xf32>
      %get3A_38 = arith.constant 0 : index
      %get3A_39 = arith.constant 0 : index
      %get3A_40 = vector.load %arg8[%get3A_38, %get3A_39] : memref<1x256xf32, #tpu.memory_space<vmem>>, vector<1x256xf32>
      %mul3A_41 = arith.mulf %mul3A_24, %mul3A_37 : vector<1x256xf32>
      %sub3A_42 = arith.subf %get3A_40, %mul3A_41 : vector<1x256xf32>
      %get3A_43 = arith.index_cast %sub3A_10 : i32 to index
      %get3A_44 = arith.constant 0 : index
      %get3A_45 = arith.constant 0 : index
      %get3A_46 = vector.load %arg13[%get3A_43, %get3A_44, %get3A_45] : memref<5x2000x256xf32, #tpu.memory_space<vmem>>, vector<1x2000x256xf32>
      %get3A_47 = vector.shape_cast %get3A_46 : vector<1x2000x256xf32> to vector<2000x256xf32>
      %mul3A_48 = vector.broadcast %mul3A_37 : vector<1x256xf32> to vector<2000x256xf32>
      %mul3A_49 = arith.mulf %get3A_47, %mul3A_48 : vector<2000x256xf32>
      %add3A_50 = vector.broadcast %sub3A_42 : vector<1x256xf32> to vector<2000x256xf32>
      %add3A_51 = arith.addf %mul3A_49, %add3A_50 : vector<2000x256xf32>
      %get3A_52 = arith.constant 0 : index
      %get3A_53 = arith.constant 0 : index
      %get3A_54 = vector.load %arg10[%get3A_52, %get3A_53] : memref<256x256xf32, #tpu.memory_space<vmem>>, vector<256x256xf32>
      %dot_general3A = arith.constant dense<0.000000e+00> : vector<2000x256xf32>
      %dot_general3A_55 = tpu.matmul %add3A_51, %get3A_54, %dot_general3A {dimension_numbers = #tpu.dot_dimension_numbers<[1], [0], [0], [1], [0, 0, 1, 1], [], []>, transpose_lhs_hint = false} : vector<2000x256xf32>, vector<256x256xf32>, vector<2000x256xf32> -> vector<2000x256xf32>
      %get3A_56 = arith.constant 0 : index
      %get3A_57 = arith.constant 0 : index
      %get3A_58 = vector.load %arg11[%get3A_56, %get3A_57] : memref<1x256xf32, #tpu.memory_space<vmem>>, vector<1x256xf32>
      %add3A_59 = vector.broadcast %get3A_58 : vector<1x256xf32> to vector<2000x256xf32>
      %add3A_60 = arith.addf %dot_general3A_55, %add3A_59 : vector<2000x256xf32>
      %swap3A = arith.constant 0 : index
      %swap3A_61 = arith.constant 0 : index
      %swap3A_62 = vector.load %arg12[%swap3A, %swap3A_61] : memref<2000x256xf32, #tpu.memory_space<vmem>>, vector<2000x256xf32>
      tpu.vector_store %arg12[%swap3A, %swap3A_61], %add3A_60 {strides = array<i32>} : memref<2000x256xf32, #tpu.memory_space<vmem>>, vector<2000x256xf32>,
    } else {
    }
    return
  }
  func.func @transform_0(%arg0: i32) -> (i32, i32, i32) {
    %min3A = arith.constant 4 : i32
    %min3A_0 = arith.minsi %arg0, %min3A : i32
    %c0_i32 = arith.constant 0 : i32
    %c0_i32_1 = arith.constant 0 : i32
    %c0_i32_2 = arith.constant 0 : i32
    return %c0_i32, %min3A_0, %c0_i32_1 : i32, i32, i32
  }
  func.func @transform_1(%arg0: i32) -> (i32, i32) {
    %min3A = arith.constant 4 : i32
    %min3A_0 = arith.minsi %arg0, %min3A : i32
    %add3A = arith.constant 0 : i32
    %add3A_1 = arith.addi %add3A, %min3A_0 : i32
    %c0_i32 = arith.constant 0 : i32
    %c0_i32_2 = arith.constant 0 : i32
    return %add3A_1, %c0_i32 : i32, i32
  }
  func.func @transform_2(%arg0: i32) -> (i32, i32, i32, i32) {
    %min3A = arith.constant 4 : i32
    %min3A_0 = arith.minsi %arg0, %min3A : i32
    %c1_i32 = arith.constant 1 : i32
    %c0_i32 = arith.constant 0 : i32
    %c0_i32_1 = arith.constant 0 : i32
    %c0_i32_2 = arith.constant 0 : i32
    return %c1_i32, %c0_i32, %min3A_0, %c0_i32_1 : i32, i32, i32, i32
  }
  func.func @transform_3(%arg0: i32) -> (i32, i32) {
    %c0_i32 = arith.constant 0 : i32
    %c0_i32_0 = arith.constant 0 : i32
    %c0_i32_1 = arith.constant 0 : i32
    return %c0_i32, %c0_i32_0 : i32, i32
  }
  func.func @transform_4(%arg0: i32) -> (i32, i32) {
    %c0_i32 = arith.constant 0 : i32
    %c0_i32_0 = arith.constant 0 : i32
    %c0_i32_1 = arith.constant 0 : i32
    return %c0_i32, %c0_i32_0 : i32, i32
  }
  func.func @transform_5(%arg0: i32) -> (i32, i32) {
    %c0_i32 = arith.constant 0 : i32
    %c0_i32_0 = arith.constant 0 : i32
    %c0_i32_1 = arith.constant 0 : i32
    return %c0_i32, %c0_i32_0 : i32, i32
  }
  func.func @transform_6(%arg0: i32) -> (i32, i32) {
    %c0_i32 = arith.constant 0 : i32
    %c0_i32_0 = arith.constant 0 : i32
    %c0_i32_1 = arith.constant 0 : i32
    return %c0_i32, %c0_i32_0 : i32, i32
  }
  func.func @transform_7(%arg0: i32) -> (i32, i32) {
    %c0_i32 = arith.constant 0 : i32
    %c0_i32_0 = arith.constant 0 : i32
    %c0_i32_1 = arith.constant 0 : i32
    return %c0_i32, %c0_i32_0 : i32, i32
  }
  func.func @transform_8(%arg0: i32) -> (i32, i32) {
    %c0_i32 = arith.constant 0 : i32
    %c0_i32_0 = arith.constant 0 : i32
    %c0_i32_1 = arith.constant 0 : i32
    return %c0_i32, %c0_i32_0 : i32, i32
  }
  func.func @transform_9(%arg0: i32) -> (i32, i32) {
    %c0_i32 = arith.constant 0 : i32
    %c0_i32_0 = arith.constant 0 : i32
    %c0_i32_1 = arith.constant 0 : i32
    return %c0_i32, %c0_i32_0 : i32, i32
  }
  func.func @transform_10(%arg0: i32) -> (i32, i32) {
    %c0_i32 = arith.constant 0 : i32
    %c0_i32_0 = arith.constant 0 : i32
    %c0_i32_1 = arith.constant 0 : i32
    return %c0_i32, %c0_i32_0 : i32, i32
  }
  func.func @transform_11(%arg0: i32) -> (i32, i32) {
    %sub3A = arith.constant 5 : i32
    %sub3A_0 = arith.subi %arg0, %sub3A : i32
    %max3A = arith.constant 0 : i32
    %max3A_1 = arith.maxsi %sub3A_0, %max3A : i32
    %c0_i32 = arith.constant 0 : i32
    %c0_i32_2 = arith.constant 0 : i32
    return %max3A_1, %c0_i32 : i32, i32
  }
}

module attributes {stable_mosaic.version = 14 : i64} {
  func.func @_mixnorm_body(%arg0: i32, %arg1: memref<2x2000x128xf32, #tpu.memory_space<vmem>>, %arg2: memref<2000x1xf32, #tpu.memory_space<vmem>>, %arg3: memref<1x2x2000x128xf32, #tpu.memory_space<vmem>>, %arg4: memref<256x256xf32, #tpu.memory_space<vmem>>, %arg5: memref<1x256xf32, #tpu.memory_space<vmem>>, %arg6: memref<256x256xf32, #tpu.memory_space<vmem>>, %arg7: memref<1x256xf32, #tpu.memory_space<vmem>>, %arg8: memref<1x256xf32, #tpu.memory_space<vmem>>, %arg9: memref<1x256xf32, #tpu.memory_space<vmem>>, %arg10: memref<256x256xf32, #tpu.memory_space<vmem>>, %arg11: memref<1x256xf32, #tpu.memory_space<vmem>>, %arg12: memref<2000x256xf32, #tpu.memory_space<vmem>>, %arg13: memref<5x2000x256xf32, #tpu.memory_space<vmem>>, %arg14: memref<8x256xf32, #tpu.memory_space<vmem>>) attributes {dimension_semantics = [#tpu.dimension_semantics<arbitrary>], iteration_bounds = array<i64: 10>, scalar_prefetch = 0 : i64, scratch_operands = 2 : i64, tpu.core_type = #tpu.core_type<tc>, window_params = [{transform_indices = @transform_0, window_bounds = array<i64: 2, 2000, 128>}, {transform_indices = @transform_1, window_bounds = array<i64: 2000, 1>}, {transform_indices = @transform_2, window_bounds = array<i64: 1, 2, 2000, 128>}, {pipeline_mode = #tpu.pipeline_mode<synchronous>, transform_indices = @transform_3, window_bounds = array<i64: 256, 256>}, {pipeline_mode = #tpu.pipeline_mode<synchronous>, transform_indices = @transform_4, window_bounds = array<i64: 1, 256>}, {pipeline_mode = #tpu.pipeline_mode<synchronous>, transform_indices = @transform_5, window_bounds = array<i64: 256, 256>}, {pipeline_mode = #tpu.pipeline_mode<synchronous>, transform_indices = @transform_6, window_bounds = array<i64: 1, 256>}, {pipeline_mode = #tpu.pipeline_mode<synchronous>, transform_indices = @transform_7, window_bounds = array<i64: 1, 256>}, {pipeline_mode = #tpu.pipeline_mode<synchronous>, transform_indices = @transform_8, window_bounds = array<i64: 1, 256>}, {pipeline_mode = #tpu.pipeline_mode<synchronous>, transform_indices = @transform_9, window_bounds = array<i64: 256, 256>}, {pipeline_mode = #tpu.pipeline_mode<synchronous>, transform_indices = @transform_10, window_bounds = array<i64: 1, 256>}, {transform_indices = @transform_11, window_bounds = array<i64: 2000, 256>}]} {
    %eq3A = arith.constant 0 : i32
    %eq3A_0 = arith.cmpi eq, %arg0, %eq3A : i32
    %convert_element_type3A = arith.extui %eq3A_0 : i1 to i32
    %cond3A = arith.constant 0 : i32
    %cond3A_1 = arith.cmpi ne, %convert_element_type3A, %cond3A : i32
    scf.if %cond3A_1 {
      %broadcast_in_dim3A = arith.constant 0.000000e+00 : f32
      %broadcast_in_dim3A_10 = vector.broadcast %broadcast_in_dim3A : f32 to vector<8x256xf32>
      %swap3A = arith.constant 0 : index
      %swap3A_11 = arith.constant 0 : index
      %swap3A_12 = vector.load %arg14[%swap3A, %swap3A_11] : memref<8x256xf32, #tpu.memory_space<vmem>>, vector<8x256xf32>
      tpu.vector_store %arg14[%swap3A, %swap3A_11], %broadcast_in_dim3A_10 {strides = array<i32>} : memref<8x256xf32, #tpu.memory_space<vmem>>, vector<8x256xf32>,
    } else {
    }
    %lt3A = arith.constant 5 : i32
    %lt3A_2 = arith.cmpi slt, %arg0, %lt3A : i32
    %convert_element_type3A_3 = arith.extui %lt3A_2 : i1 to i32
    %cond3A_4 = arith.constant 0 : i32
    %cond3A_5 = arith.cmpi ne, %convert_element_type3A_3, %cond3A_4 : i32
    scf.if %cond3A_5 {
      %get3A = arith.constant 0 : index
      %get3A_10 = arith.constant 0 : index
      %get3A_11 = vector.load %arg2[%get3A, %get3A_10] : memref<2000x1xf32, #tpu.memory_space<vmem>>, vector<2000x1xf32>
      %max3A = arith.constant 1.000000e+00 : f32
      %max3A_12 = vector.broadcast %max3A : f32 to vector<2000x1xf32>
      %max3A_13 = arith.maximumf %get3A_11, %max3A_12 : vector<2000x1xf32>
      %get3A_14 = arith.constant 0 : index
      %get3A_15 = arith.constant 0 : index
      %get3A_16 = arith.constant 0 : index
      %get3A_17 = vector.load %arg1[%get3A_14, %get3A_15, %get3A_16] : memref<2x2000x128xf32, #tpu.memory_space<vmem>>, vector<1x2000x128xf32>
      %get3A_18 = vector.shape_cast %get3A_17 : vector<1x2000x128xf32> to vector<2000x128xf32>
      %get3A_19 = arith.constant 1 : index
      %get3A_20 = arith.constant 0 : index
      %get3A_21 = arith.constant 0 : index
      %get3A_22 = vector.load %arg1[%get3A_19, %get3A_20, %get3A_21] : memref<2x2000x128xf32, #tpu.memory_space<vmem>>, vector<1x2000x128xf32>
      %get3A_23 = vector.shape_cast %get3A_22 : vector<1x2000x128xf32> to vector<2000x128xf32>
      %concatenate3A = tpu.concatenate %get3A_18, %get3A_23 in 1 : vector<2000x128xf32>, vector<2000x128xf32> -> vector<2000x256xf32>
      %div3A = vector.broadcast %max3A_13 : vector<2000x1xf32> to vector<2000x256xf32>
      %div3A_24 = arith.divf %concatenate3A, %div3A : vector<2000x256xf32>
      %get3A_25 = arith.constant 0 : index
      %get3A_26 = arith.constant 0 : index
      %get3A_27 = arith.constant 0 : index
      %get3A_28 = arith.constant 0 : index
      %get3A_29 = vector.load %arg3[%get3A_25, %get3A_26, %get3A_27, %get3A_28] : memref<1x2x2000x128xf32, #tpu.memory_space<vmem>>, vector<1x1x2000x128xf32>
      %get3A_30 = vector.shape_cast %get3A_29 : vector<1x1x2000x128xf32> to vector<2000x128xf32>
      %get3A_31 = arith.constant 0 : index
      %get3A_32 = arith.constant 1 : index
      %get3A_33 = arith.constant 0 : index
      %get3A_34 = arith.constant 0 : index
      %get3A_35 = vector.load %arg3[%get3A_31, %get3A_32, %get3A_33, %get3A_34] : memref<1x2x2000x128xf32, #tpu.memory_space<vmem>>, vector<1x1x2000x128xf32>
      %get3A_36 = vector.shape_cast %get3A_35 : vector<1x1x2000x128xf32> to vector<2000x128xf32>
      %concatenate3A_37 = tpu.concatenate %get3A_30, %get3A_36 in 1 : vector<2000x128xf32>, vector<2000x128xf32> -> vector<2000x256xf32>
      %get3A_38 = arith.constant 0 : index
      %get3A_39 = arith.constant 0 : index
      %get3A_40 = vector.load %arg4[%get3A_38, %get3A_39] : memref<256x256xf32, #tpu.memory_space<vmem>>, vector<256x256xf32>
      %dot_general3A = arith.constant dense<0.000000e+00> : vector<2000x256xf32>
      %dot_general3A_41 = tpu.matmul %div3A_24, %get3A_40, %dot_general3A {dimension_numbers = #tpu.dot_dimension_numbers<[1], [0], [0], [1], [0, 0, 1, 1], [], []>, transpose_lhs_hint = false} : vector<2000x256xf32>, vector<256x256xf32>, vector<2000x256xf32> -> vector<2000x256xf32>
      %get3A_42 = arith.constant 0 : index
      %get3A_43 = arith.constant 0 : index
      %get3A_44 = vector.load %arg5[%get3A_42, %get3A_43] : memref<1x256xf32, #tpu.memory_space<vmem>>, vector<1x256xf32>
      %add3A = vector.broadcast %get3A_44 : vector<1x256xf32> to vector<2000x256xf32>
      %add3A_45 = arith.addf %dot_general3A_41, %add3A : vector<2000x256xf32>
      %get3A_46 = arith.constant 0 : index
      %get3A_47 = arith.constant 0 : index
      %get3A_48 = vector.load %arg6[%get3A_46, %get3A_47] : memref<256x256xf32, #tpu.memory_space<vmem>>, vector<256x256xf32>
      %dot_general3A_49 = arith.constant dense<0.000000e+00> : vector<2000x256xf32>
      %dot_general3A_50 = tpu.matmul %concatenate3A_37, %get3A_48, %dot_general3A_49 {dimension_numbers = #tpu.dot_dimension_numbers<[1], [0], [0], [1], [0, 0, 1, 1], [], []>, transpose_lhs_hint = false} : vector<2000x256xf32>, vector<256x256xf32>, vector<2000x256xf32> -> vector<2000x256xf32>
      %add3A_51 = arith.addf %add3A_45, %dot_general3A_50 : vector<2000x256xf32>
      %broadcast_in_dim3A = vector.shape_cast %add3A_51 : vector<2000x256xf32> to vector<1x2000x256xf32>
      %swap3A = arith.index_cast %arg0 : i32 to index
      %swap3A_52 = arith.constant 0 : index
      %swap3A_53 = arith.constant 0 : index
      %swap3A_54 = vector.load %arg13[%swap3A, %swap3A_52, %swap3A_53] : memref<5x2000x256xf32, #tpu.memory_space<vmem>>, vector<1x2000x256xf32>
      tpu.vector_store %arg13[%swap3A, %swap3A_52, %swap3A_53], %broadcast_in_dim3A {strides = array<i32>} : memref<5x2000x256xf32, #tpu.memory_space<vmem>>, vector<1x2000x256xf32>,
      %get3A_55 = arith.constant 0 : index
      %get3A_56 = arith.constant 0 : index
      %get3A_57 = vector.load %arg14[%get3A_55, %get3A_56] : memref<8x256xf32, #tpu.memory_space<vmem>>, vector<1x256xf32>
      %reduce_sum3A = arith.constant dense<0.000000e+00> : vector<256xf32>
      %reduce_sum3A_58 = vector.multi_reduction <add>, %add3A_51, %reduce_sum3A [0] : vector<2000x256xf32> to vector<256xf32>
      %broadcast_in_dim3A_59 = vector.shape_cast %reduce_sum3A_58 : vector<256xf32> to vector<1x256xf32>
      %add3A_60 = arith.addf %get3A_57, %broadcast_in_dim3A_59 : vector<1x256xf32>
      %swap3A_61 = arith.constant 0 : index
      %swap3A_62 = arith.constant 0 : index
      %swap3A_63 = vector.load %arg14[%swap3A_61, %swap3A_62] : memref<8x256xf32, #tpu.memory_space<vmem>>, vector<1x256xf32>
      tpu.vector_store %arg14[%swap3A_61, %swap3A_62], %add3A_60 {strides = array<i32>} : memref<8x256xf32, #tpu.memory_space<vmem>>, vector<1x256xf32>,
      %get3A_64 = arith.constant 1 : index
      %get3A_65 = arith.constant 0 : index
      %get3A_66 = vector.load %arg14[%get3A_64, %get3A_65] : memref<8x256xf32, #tpu.memory_space<vmem>>, vector<1x256xf32>
      %mul3A = arith.mulf %add3A_51, %add3A_51 : vector<2000x256xf32>
      %reduce_sum3A_67 = arith.constant dense<0.000000e+00> : vector<256xf32>
      %reduce_sum3A_68 = vector.multi_reduction <add>, %mul3A, %reduce_sum3A_67 [0] : vector<2000x256xf32> to vector<256xf32>
      %broadcast_in_dim3A_69 = vector.shape_cast %reduce_sum3A_68 : vector<256xf32> to vector<1x256xf32>
      %add3A_70 = arith.addf %get3A_66, %broadcast_in_dim3A_69 : vector<1x256xf32>
      %swap3A_71 = arith.constant 1 : index
      %swap3A_72 = arith.constant 0 : index
      %swap3A_73 = vector.load %arg14[%swap3A_71, %swap3A_72] : memref<8x256xf32, #tpu.memory_space<vmem>>, vector<1x256xf32>
      tpu.vector_store %arg14[%swap3A_71, %swap3A_72], %add3A_70 {strides = array<i32>} : memref<8x256xf32, #tpu.memory_space<vmem>>, vector<1x256xf32>,
    } else {
    }
    %ge3A = arith.constant 5 : i32
    %ge3A_6 = arith.cmpi sge, %arg0, %ge3A : i32
    %convert_element_type3A_7 = arith.extui %ge3A_6 : i1 to i32
    %cond3A_8 = arith.constant 0 : i32
    %cond3A_9 = arith.cmpi ne, %convert_element_type3A_7, %cond3A_8 : i32
    scf.if %cond3A_9 {
      %sub3A = arith.constant 5 : i32
      %sub3A_10 = arith.subi %arg0, %sub3A : i32
      %get3A = arith.constant 0 : index
      %get3A_11 = arith.constant 0 : index
      %get3A_12 = vector.load %arg14[%get3A, %get3A_11] : memref<8x256xf32, #tpu.memory_space<vmem>>, vector<1x256xf32>
      %mul3A = arith.constant 9.99999974E-5 : f32
      %mul3A_13 = vector.broadcast %mul3A : f32 to vector<1x256xf32>
      %mul3A_14 = arith.mulf %get3A_12, %mul3A_13 : vector<1x256xf32>
      %get3A_15 = arith.constant 1 : index
      %get3A_16 = arith.constant 0 : index
      %get3A_17 = vector.load %arg14[%get3A_15, %get3A_16] : memref<8x256xf32, #tpu.memory_space<vmem>>, vector<1x256xf32>
      %mul3A_18 = arith.constant 9.99999974E-5 : f32
      %mul3A_19 = vector.broadcast %mul3A_18 : f32 to vector<1x256xf32>
      %mul3A_20 = arith.mulf %get3A_17, %mul3A_19 : vector<1x256xf32>
      %get3A_21 = arith.constant 0 : index
      %get3A_22 = arith.constant 0 : index
      %get3A_23 = vector.load %arg9[%get3A_21, %get3A_22] : memref<1x256xf32, #tpu.memory_space<vmem>>, vector<1x256xf32>
      %mul3A_24 = arith.mulf %get3A_23, %mul3A_14 : vector<1x256xf32>
      %mul3A_25 = arith.constant 2.000000e+00 : f32
      %mul3A_26 = vector.broadcast %mul3A_25 : f32 to vector<1x256xf32>
      %mul3A_27 = arith.mulf %mul3A_26, %mul3A_24 : vector<1x256xf32>
      %mul3A_28 = arith.mulf %mul3A_27, %mul3A_14 : vector<1x256xf32>
      %sub3A_29 = arith.subf %mul3A_20, %mul3A_28 : vector<1x256xf32>
      %mul3A_30 = arith.mulf %mul3A_24, %mul3A_24 : vector<1x256xf32>
      %add3A = arith.addf %sub3A_29, %mul3A_30 : vector<1x256xf32>
      %add3A_31 = arith.constant 9.99999974E-6 : f32
      %add3A_32 = vector.broadcast %add3A_31 : f32 to vector<1x256xf32>
      %add3A_33 = arith.addf %add3A, %add3A_32 : vector<1x256xf32>
      %rsqrt3A = math.rsqrt %add3A_33 : vector<1x256xf32>
      %get3A_34 = arith.constant 0 : index
      %get3A_35 = arith.constant 0 : index
      %get3A_36 = vector.load %arg7[%get3A_34, %get3A_35] : memref<1x256xf32, #tpu.memory_space<vmem>>, vector<1x256xf32>
      %mul3A_37 = arith.mulf %get3A_36, %rsqrt3A : vector<1x256xf32>
      %get3A_38 = arith.constant 0 : index
      %get3A_39 = arith.constant 0 : index
      %get3A_40 = vector.load %arg8[%get3A_38, %get3A_39] : memref<1x256xf32, #tpu.memory_space<vmem>>, vector<1x256xf32>
      %mul3A_41 = arith.mulf %mul3A_24, %mul3A_37 : vector<1x256xf32>
      %sub3A_42 = arith.subf %get3A_40, %mul3A_41 : vector<1x256xf32>
      %get3A_43 = arith.index_cast %sub3A_10 : i32 to index
      %get3A_44 = arith.constant 0 : index
      %get3A_45 = arith.constant 0 : index
      %get3A_46 = vector.load %arg13[%get3A_43, %get3A_44, %get3A_45] : memref<5x2000x256xf32, #tpu.memory_space<vmem>>, vector<1x2000x256xf32>
      %get3A_47 = vector.shape_cast %get3A_46 : vector<1x2000x256xf32> to vector<2000x256xf32>
      %mul3A_48 = vector.broadcast %mul3A_37 : vector<1x256xf32> to vector<2000x256xf32>
      %mul3A_49 = arith.mulf %get3A_47, %mul3A_48 : vector<2000x256xf32>
      %add3A_50 = vector.broadcast %sub3A_42 : vector<1x256xf32> to vector<2000x256xf32>
      %add3A_51 = arith.addf %mul3A_49, %add3A_50 : vector<2000x256xf32>
      %get3A_52 = arith.constant 0 : index
      %get3A_53 = arith.constant 0 : index
      %get3A_54 = vector.load %arg10[%get3A_52, %get3A_53] : memref<256x256xf32, #tpu.memory_space<vmem>>, vector<256x256xf32>
      %dot_general3A = arith.constant dense<0.000000e+00> : vector<2000x256xf32>
      %dot_general3A_55 = tpu.matmul %add3A_51, %get3A_54, %dot_general3A {dimension_numbers = #tpu.dot_dimension_numbers<[1], [0], [0], [1], [0, 0, 1, 1], [], []>, transpose_lhs_hint = false} : vector<2000x256xf32>, vector<256x256xf32>, vector<2000x256xf32> -> vector<2000x256xf32>
      %get3A_56 = arith.constant 0 : index
      %get3A_57 = arith.constant 0 : index
      %get3A_58 = vector.load %arg11[%get3A_56, %get3A_57] : memref<1x256xf32, #tpu.memory_space<vmem>>, vector<1x256xf32>
      %add3A_59 = vector.broadcast %get3A_58 : vector<1x256xf32> to vector<2000x256xf32>
      %add3A_60 = arith.addf %dot_general3A_55, %add3A_59 : vector<2000x256xf32>
      %swap3A = arith.constant 0 : index
      %swap3A_61 = arith.constant 0 : index
      %swap3A_62 = vector.load %arg12[%swap3A, %swap3A_61] : memref<2000x256xf32, #tpu.memory_space<vmem>>, vector<2000x256xf32>
      tpu.vector_store %arg12[%swap3A, %swap3A_61], %add3A_60 {strides = array<i32>} : memref<2000x256xf32, #tpu.memory_space<vmem>>, vector<2000x256xf32>,
    } else {
    }
    return
  }
  func.func @transform_0(%arg0: i32) -> (i32, i32, i32) {
    %min3A = arith.constant 4 : i32
    %min3A_0 = arith.minsi %arg0, %min3A : i32
    %c0_i32 = arith.constant 0 : i32
    %c0_i32_1 = arith.constant 0 : i32
    %c0_i32_2 = arith.constant 0 : i32
    return %c0_i32, %min3A_0, %c0_i32_1 : i32, i32, i32
  }
  func.func @transform_1(%arg0: i32) -> (i32, i32) {
    %min3A = arith.constant 4 : i32
    %min3A_0 = arith.minsi %arg0, %min3A : i32
    %add3A = arith.constant 5 : i32
    %add3A_1 = arith.addi %add3A, %min3A_0 : i32
    %c0_i32 = arith.constant 0 : i32
    %c0_i32_2 = arith.constant 0 : i32
    return %add3A_1, %c0_i32 : i32, i32
  }
  func.func @transform_2(%arg0: i32) -> (i32, i32, i32, i32) {
    %min3A = arith.constant 4 : i32
    %min3A_0 = arith.minsi %arg0, %min3A : i32
    %c0_i32 = arith.constant 0 : i32
    %c0_i32_1 = arith.constant 0 : i32
    %c0_i32_2 = arith.constant 0 : i32
    %c0_i32_3 = arith.constant 0 : i32
    return %c0_i32, %c0_i32_1, %min3A_0, %c0_i32_2 : i32, i32, i32, i32
  }
  func.func @transform_3(%arg0: i32) -> (i32, i32) {
    %c0_i32 = arith.constant 0 : i32
    %c0_i32_0 = arith.constant 0 : i32
    %c0_i32_1 = arith.constant 0 : i32
    return %c0_i32, %c0_i32_0 : i32, i32
  }
  func.func @transform_4(%arg0: i32) -> (i32, i32) {
    %c0_i32 = arith.constant 0 : i32
    %c0_i32_0 = arith.constant 0 : i32
    %c0_i32_1 = arith.constant 0 : i32
    return %c0_i32, %c0_i32_0 : i32, i32
  }
  func.func @transform_5(%arg0: i32) -> (i32, i32) {
    %c0_i32 = arith.constant 0 : i32
    %c0_i32_0 = arith.constant 0 : i32
    %c0_i32_1 = arith.constant 0 : i32
    return %c0_i32, %c0_i32_0 : i32, i32
  }
  func.func @transform_6(%arg0: i32) -> (i32, i32) {
    %c0_i32 = arith.constant 0 : i32
    %c0_i32_0 = arith.constant 0 : i32
    %c0_i32_1 = arith.constant 0 : i32
    return %c0_i32, %c0_i32_0 : i32, i32
  }
  func.func @transform_7(%arg0: i32) -> (i32, i32) {
    %c0_i32 = arith.constant 0 : i32
    %c0_i32_0 = arith.constant 0 : i32
    %c0_i32_1 = arith.constant 0 : i32
    return %c0_i32, %c0_i32_0 : i32, i32
  }
  func.func @transform_8(%arg0: i32) -> (i32, i32) {
    %c0_i32 = arith.constant 0 : i32
    %c0_i32_0 = arith.constant 0 : i32
    %c0_i32_1 = arith.constant 0 : i32
    return %c0_i32, %c0_i32_0 : i32, i32
  }
  func.func @transform_9(%arg0: i32) -> (i32, i32) {
    %c0_i32 = arith.constant 0 : i32
    %c0_i32_0 = arith.constant 0 : i32
    %c0_i32_1 = arith.constant 0 : i32
    return %c0_i32, %c0_i32_0 : i32, i32
  }
  func.func @transform_10(%arg0: i32) -> (i32, i32) {
    %c0_i32 = arith.constant 0 : i32
    %c0_i32_0 = arith.constant 0 : i32
    %c0_i32_1 = arith.constant 0 : i32
    return %c0_i32, %c0_i32_0 : i32, i32
  }
  func.func @transform_11(%arg0: i32) -> (i32, i32) {
    %sub3A = arith.constant 5 : i32
    %sub3A_0 = arith.subi %arg0, %sub3A : i32
    %max3A = arith.constant 0 : i32
    %max3A_1 = arith.maxsi %sub3A_0, %max3A : i32
    %c0_i32 = arith.constant 0 : i32
    %c0_i32_2 = arith.constant 0 : i32
    return %max3A_1, %c0_i32 : i32, i32
  }
}

</mosaic_0001>

<sc_bundles>
// kernel: kernel.11.cloned.1.call-start
scs
__scs_entry_jumppad:
0x0: {  	(pc) =	sbr.rel $0x88, $3  }
0x1: {  	(tag) =	ssettag $0x0;
	lr =	simm.s32 $0x1  }
0x2: {  	[smem:$0x3F89] =	sst lr;
	_ =	strace $0xD0000000  }
0x3: {  	_ = 	snop  }
0x4: {  	_ = 	snop  }
0x5: {  	_ = 	snop  }
0x6: {  	_ = 	snop  }
0x7: {  	_ = 	snop  }
__scs_overlays_trampoline_lowered:
0x8: {  	[smem:$0x3F98] =	sst s0  }
0x9: {  	[smem:$0x3F99] =	sst s1  }
0xa: {  	[smem:$0x3F9A] =	sst s2  }
0xb: {  	[smem:$0x3F9B] =	sst s3  }
0xc: {  	[smem:$0x3F9C] =	sst s4  }
0xd: {  	[smem:$0x3F9D] =	sst s5  }
0xe: {  	[smem:$0x3F9E] =	sst s6  }
0xf: {  	[smem:$0x3F9F] =	sst s7  }
0x10: {  	[smem:$0x3FA0] =	sst s8  }
0x11: {  	[smem:$0x3FA1] =	sst s9;
	s0 =	simm.s32 @!p0 $0x0  }
0x12: {  	s1 =	sld [smem:$0x3F87];
	s0 =	simm.s32 @p0 $0x1  }
0x13: {  	[smem:$0x3FA2] =	sst s0;
	s0 =	simm.s32 @!p1 $0x0  }
0x14: {  	s2 =	sld [smem:$0x3F86];
	s0 =	simm.s32 @p1 $0x1  }
0x15: {  	[smem:$0x3FA3] =	sst s0;
	s0 =	simm.s32 @!p2 $0x0  }
0x16: {  	s3 =	sld [smem:$0x3FDB];
	s0 =	simm.s32 @p2 $0x1  }
0x17: {  	s4 =	simm.s32 $0x1BF5;
	[smem:$0x3FA5] =	sst s0  }
0x18: {  	s0 =	sld [smem:$0x3F88];
	_ =	swait.ge [sflag:s4], $0x0  }
0x19: {  	s7 =	sld [smem:$0x3F89]  }
0x1a: {  	s8 =	sadd.s32 $0xFFFFE003, lr  }
0x1b: {  	s9 =	sadd.s32 $0xFFFFFEF7, lr;
	s5 =	simm.s32 $0xFFFFFFFF;
	p2 =	slt.u32 s8, $0xFFFFF086  }
0x1c: {  	p1 =	slt.u32 s9, $0xF7A;
	s5 =	simm.s32 @!p2 $0x0  }
0x1d: {  	s5 =	simm.s32 @p1 $0x1;
	p0 =	seq.s32 s7, s2  }
0x1e: {  	s7 =	smul.u32 @!p0 $0xF7A, s2;
	p2 =	seq.s32 @!p0 s5, $0x0  }
0x1f: {  	s9 =	smul.u32 $0xF7A, s1;
	s8 =	simm.s32 @!p0 $0x1BF5;
	p2 =	por !p2, p0  }
0x20: {  	[sflag:s8] =	ssyncset.s32 @!p0 $0xFFFFF086;
	s6 =	sadd.s32 @!p0 s3, s7;
	s7 =	simm.s32 @!p0 $0x108  }
0x21: {  	s3 =	sadd.s32 s3, s9;
	s6 =	sadd.s32 @!p0 $0x88, s6;
	s7 =	simm.s32 @p2 $0x1082  }
0x22: {  	[simem:s7], [sflag:s8] =	dma.local @!p0 [hbm:s6], $0xF7A  }
0x23: {  	s9 =	sor.u32 $0xD0000000, s2;
	s6 =	simm.s32 $0x108;
	_ =	swait.ge @!p0 [sflag:s8], $0x0  }
0x24: {  	s3 =	sadd.s32 $0x88, s3;
	s6 =	simm.s32 @!p1 $0x1082;
	[sflag:s4] =	ssyncset.s32 $0xFFFFF086  }
0x25: {  	[simem:s6], [sflag:s4] =	dma.local [hbm:s3], $0xF7A  }
0x26: {  	[smem:$0x3F89] =	sst s1;
	(tag) =	ssettag s2;
	_ =	strace s9  }
0x27: {  	s1 =	sld [smem:$0x3F99]  }
0x28: {  	s2 =	sld [smem:$0x3F9A]  }
0x29: {  	s4 =	sld [smem:$0x3F9C]  }
0x2a: {  	p0 =	seq.s32 s5, $0x0;
	s5 =	sld [smem:$0x3F9D]  }
0x2b: {  	s6 =	sld [smem:$0x3F9E]  }
0x2c: {  	s7 =	sld [smem:$0x3F9F]  }
0x2d: {  	s3 =	simm.s32 $0x108;
	s8 =	sld [smem:$0x3FA0]  }
0x2e: {  	s3 =	simm.s32 @!p0 $0x1082;
	s9 =	sld [smem:$0x3FA1]  }
0x2f: {  	lr =	sadd.s32 s0, s3;
	s0 =	sld [smem:$0x3F98]  }
0x30: {  	s3 =	sld [smem:$0x3F9B]  }
0x31: {  	[smem:$0x3FA4] =	sst s10  }
0x32: {  	s10 =	sld [smem:$0x3FA2];
	_ =	sdelay $0x3  }
0x33: {  	p0 =	seq.s32 s10, $0x1;
	s10 =	sld [smem:$0x3FA4];
	_ =	sdelay $0x3  }
0x34: {  	[smem:$0x3FA4] =	sst s10  }
0x35: {  	s10 =	sld [smem:$0x3FA3];
	_ =	sdelay $0x3  }
0x36: {  	p1 =	seq.s32 s10, $0x1;
	s10 =	sld [smem:$0x3FA4];
	_ =	sdelay $0x3  }
0x37: {  	[smem:$0x3FA4] =	sst s10  }
0x38: {  	s10 =	sld [smem:$0x3FA5]  }
0x39: {  	_ = 	snop;
	(pc) =	sbr.ind lr, $3  }
0x3a: {  	_ = 	snop  }
0x3b: {  	_ = 	snop  }
0x3c: {  	p2 =	seq.s32 s10, $0x1;
	s10 =	sld [smem:$0x3FA4]  }
0x3d: {  	_ =	shalt  }
0x3e: {  	_ =	shalt  }
0x3f: {  	_ =	shalt  }
0x40: {  	_ =	shalt  }
0x41: {  	_ =	shalt  }
0x42: {  	_ =	shalt  }
0x43: {  	_ =	shalt  }
0x44: {  	_ =	shalt  }
0x45: {  	_ =	shalt  }
0x46: {  	_ =	shalt  }
0x47: {  	_ =	shalt  }
0x48: {  	_ =	shalt  }
0x49: {  	_ =	shalt  }
0x4a: {  	_ =	shalt  }
0x4b: {  	_ =	shalt  }
0x4c: {  	_ =	shalt  }
0x4d: {  	_ =	shalt  }
0x4e: {  	_ =	shalt  }
0x4f: {  	_ =	shalt  }
0x50: {  	_ =	shalt  }
0x51: {  	_ =	shalt  }
0x52: {  	_ =	shalt  }
0x53: {  	_ =	shalt  }
0x54: {  	_ =	shalt  }
0x55: {  	_ =	shalt  }
0x56: {  	_ =	shalt  }
0x57: {  	_ =	shalt  }
0x58: {  	_ =	shalt  }
0x59: {  	_ =	shalt  }
0x5a: {  	_ =	shalt  }
0x5b: {  	_ =	shalt  }
0x5c: {  	_ =	shalt  }
0x5d: {  	_ =	shalt  }
0x5e: {  	_ =	shalt  }
0x5f: {  	_ =	shalt  }
0x60: {  	_ =	shalt  }
0x61: {  	_ =	shalt  }
0x62: {  	_ =	shalt  }
0x63: {  	_ =	shalt  }
0x64: {  	_ =	shalt  }
0x65: {  	_ =	shalt  }
0x66: {  	_ =	shalt  }
0x67: {  	_ =	shalt  }
0x68: {  	_ =	shalt  }
0x69: {  	_ =	shalt  }
0x6a: {  	_ =	shalt  }
0x6b: {  	_ =	shalt  }
0x6c: {  	_ =	shalt  }
0x6d: {  	_ =	shalt  }
0x6e: {  	_ =	shalt  }
0x6f: {  	_ =	shalt  }
0x70: {  	_ =	shalt  }
0x71: {  	_ =	shalt  }
0x72: {  	_ =	shalt  }
0x73: {  	_ =	shalt  }
0x74: {  	_ =	shalt  }
0x75: {  	_ =	shalt  }
0x76: {  	_ =	shalt  }
0x77: {  	_ =	shalt  }
0x78: {  	_ =	shalt  }
0x79: {  	_ =	shalt  }
0x7a: {  	_ =	shalt  }
0x7b: {  	_ =	shalt  }
0x7c: {  	_ =	shalt  }
0x7d: {  	_ =	shalt  }
0x7e: {  	_ =	shalt  }
0x7f: {  	_ =	shalt  }
0x80: {  	_ =	shalt  }
0x81: {  	_ =	shalt  }
0x82: {  	_ =	shalt  }
0x83: {  	_ =	shalt  }
0x84: {  	_ =	shalt  }
0x85: {  	_ =	shalt  }
0x86: {  	_ =	shalt  }
0x87: {  	_ =	shalt  }
.Lfunc_end0:
.L_simem_size_0:
called_computation.1_lowered:
.L_overlay_start_0:
0x88: {  	s2 =	sld [smem:$0x3FD9]  }
0x89: {  	s3 =	sld [smem:$0x3FFE];
	_ =	sdelay $0x1  }
0x8a: {  	s1 =	srdreg.scid  }
0x8b: {  	s0 =	sand.u32 $0x1, s1  }
0x8c: {  	s15 =	sshll.u32 s0, $0xA;
	s2 =	sadd.s32 s3, s2  }
0x8d: {  	s2 =	sadd.s32 s2, s15  }
0x8e: {  	[smem:$0x3FB0] =	sst s2  }
0x8f: {  	_ = 	snop  }
0x90: {  	s2 =	sld [smem:$0x3FD0];
	_ =	sdelay $0x2  }
0x91: {  	s16 =	simm.s32 $0xC;
	s4 =	simm.s32 $0x10  }
0x92: {  	[smem:s4], [sflag:s16] =	dma.local [hbm:s2], $0x1  }
0x93: {  	_ =	swait.eq [sflag:s16], $0x1  }
0x94: {  	[sflag:s16] =	ssyncset.done $0x0  }
0x95: {  	[sflag:s16] =	ssyncadd.s32 $0xFFFFFFFF  }
0x96: {  	s17 =	sld [smem:$0x11];
	(tm) =	ssettm $0x1  }
0x97: {  	s18 =	sld [smem:$0x3FFB];
	_ =	sdelay $0x3  }
0x98: {  	_ =	strace s18  }
0x99: {  	s2 =	sld [smem:$0x3FFC];
	_ =	sdelay $0x3  }
0x9a: {  	_ =	strace s2  }
0x9b: {  	s2 =	sld [smem:$0x3FFD];
	_ =	sdelay $0x3  }
0x9c: {  	_ =	strace s2  }
0x9d: {  	_ =	strace $0x8FFFFFFF  }
0x9e: {  	s19 =	sld [smem:$0x3FDB];
	_ =	sdelay $0x1  }
0x9f: {  	s20 =	simm.s32 $_scs_section_size  }
0xa0: {  	s5 =	simm.s32 $_size__tile_overlayer_lowered;
	s6 =	simm.s32 $_tile_overlayer_lowered  }
0xa1: {  	s7 =	simm.s32 $0x1BFF;
	s21 =	sshll.u32 s6, $0x1;
	s4 =	sadd.s32 s20, s19  }
0xa2: {  	s22 =	simm.s32 $0x0;
	s5 =	sshll.u32 s5, $0x1;
	s6 =	sadd.s32 s21, s4  }
0xa3: {  	[timem:s22], [sflag:s7] =	dma.local [hbm:s6], s5  }
0xa4: {  	_ =	swait.ge [sflag:s7], s5  }
0xa5: {  	s5 =	ssub.s32 $0x0, s5;
	[sflag:s7] =	ssyncset.done $0x0  }
0xa6: {  	[sflag:s7] =	ssyncadd.s32 s5;
	_ =	sdelay $0x1  }
0xa7: {  	s23 =	simm.s32 $0x1B8B  }
0xa8: {  	_ =	swait.ge [sflag:s23], $0x1  }
0xa9: {  	[sflag:s23] =	ssyncset.done $0x0  }
0xaa: {  	[sflag:s23] =	ssyncadd.s32 $0xFFFFFFFF  }
0xab: {  	s5 =	sld [smem:$0x0]  }
0xac: {  	s6 =	sand.u32 $0xFFFFFFFE, s1  }
0xad: {  	p0 =	sne.s32 s1, s6  }
0xae: {  	s6 =	sshll.u32 @p0 s6, $0xE  }
0xaf: {  	s6 =	sadd.s32 @p0 $0x11B8D, s6;
	s7 =	sshll.u32 @p0 s5, $0x11  }
0xb0: {  	s6 =	sor.u32 @p0 s7, s6  }
0xb1: {  	[sflag:s6] =	ssyncadd.remote.s32 @p0 $0x1;
	_ =	sdelay $0x1  }
0xb2: {  	s6 =	simm.s32 @p0 $0x1B8D  }
0xb3: {  	_ =	swait.eq @p0 [sflag:s6], $0x1  }
0xb4: {  	[sflag:s6] =	ssyncadd.s32 @p0 $0xFFFFFFFF  }
0xb5: {  	s7 =	sshll.u32 @!p0 s1, $0xE  }
0xb6: {  	s7 =	sor.u32 @!p0 $0x4000, s7;
	s6 =	simm.s32 @!p0 $0x1B8D  }
0xb7: {  	s5 =	sshll.u32 @!p0 s5, $0x11;
	s7 =	sadd.s32 @!p0 $0x11B8D, s7;
	_ =	swait.eq @!p0 [sflag:s6], $0x1  }
0xb8: {  	s5 =	sor.u32 @!p0 s5, s7;
	[sflag:s6] =	ssyncadd.s32 @!p0 $0xFFFFFFFF  }
0xb9: {  	s25 =	simm.s32 $0x1B8E;
	s24 =	sld [smem:$0x3FFE];
	[sflag:s5] =	ssyncadd.remote.s32 @!p0 $0x1  }
0xba: {  	s26 =	simm.s32 $execute0_lowered;
	[smem:$0x3FD2] =	sst s25  }
0xbb: {  	s6 =	sshll.u32 s26, $0x1;
	_ =	strace $0x80000049;
	[dreg:$0x1] =	wrdreg $0xFFFFFFFF  }
0xbc: {  	s28 =	simm.s32 $_size_execute0_lowered;
	s4 =	sadd.s32 s4, s6;
	[dreg:$0x0] =	wrdreg $0x0  }
0xbd: {  	s6 =	sshll.u32 s28, $0x1;
	[dreg:$0x2] =	wrdreg s4  }
0xbe: {  	[dreg:$0x3] =	wrdreg s6  }
0xbf: {  	[dreg:$0x4] =	wrdreg $0xC0  }
0xc0: {  	_ =	task [dreg:s22], $0x5FFFF  }
0xc1: {  	[dreg:$0x1] =	wrdreg $0xFFFFFFFF  }
0xc2: {  	[dreg:$0x0] =	wrdreg $0x60  }
0xc3: {  	[dreg:$0x2] =	wrdreg s24  }
0xc4: {  	[dreg:$0x3] =	wrdreg s17  }
0xc5: {  	[dreg:$0x4] =	wrdreg $0xBD000  }
0xc6: {  	[dreg:$0x5] =	wrdreg $0xA  }
0xc7: {  	_ =	task.clear_ibuf [dreg:s22], $0x6FFFF;
	_ =	strace $0x90000049  }
0xc8: {  	s29 =	simm.s32 $0xA;
	_ =	strace $0x8000004B  }
0xc9: {  	_ =	swait.ge [sflag:s29], $0x1  }
0xca: {  	[sflag:s29] =	ssyncadd.s32 $0xFFFFFFFF  }
0xcb: {  	_ =	strace $0x9000004B  }
0xcc: {  	_ =	sfence  }
0xcd: {  	s30 =	sld [smem:$0x0];
	_ =	sdelay $0x2  }
0xce: {  	s31 =	sshll.u32 s1, $0xD;
	s1 =	sshrl.u32 s1, $0x2  }
0xcf: {  	s4 =	sand.u32 $0x4000, s31;
	s1 =	sadd.s32 s1, s30  }
0xd0: {  	s0 =	sor.u32 s4, s0;
	s1 =	sshll.u32 s1, $0x11  }
0xd1: {  	s0 =	sor.u32 s1, s0  }
0xd2: {  	s0 =	sadd.s32 $0x8F2B, s0  }
0xd3: {  	[sflag:s0] =	ssyncadd.remote.s32 $0x1  }
0xd4: {  	_ =	sfence.sel $0xFFFF  }
0xd5: {  	[dreg:$0x0] =	wrdreg $0xFFFFFFFF;
	(pc) =	sbr.abs _section_cstart, $3  }
0xd6: {  	[dreg:$0x1] =	wrdreg $0xFFFFFFFF  }
0xd7: {  	_ =	task.clear_ibuf [dreg:s22], $0x2FFFF;
	_ =	strace $0x9FFFFFFF  }
0xd8: {  	(tm) =	ssettm $0x7FFFFFFF  }
0xd9: {  	_ =	shalt  }
tec
execute0_lowered:
.L_overlay_start_1:
0x0: {  	(tag) =	ssettag $0x1  }
0x1: {  	s1 =	rddreg [dreg:$0x0]  }
0x2: {  	s0 =	srdreg.scid;
	s5 =	rddreg [dreg:$0x1]  }
0x3: {  	s23 =	stileid.u32;
	s2 =	rddreg [dreg:$0x2]  }
0x4: {  	s19 =	simm.s32 $0x7;
	s20 =	simm.s32 $0x2880;
	s7 =	smul.u32 $0x510, s23  }
0x5: {  	s28 =	simm.s32 $0x1;
	s30 =	simm.s32 $0x2;
	s8 =	smul.u32 $0x4F000, s23  }
0x6: {  	s31 =	simm.s32 $0x3;
	s29 =	simm.s32 $0x5;
	s25 =	smul.u32 $0x2700, s23  }
0x7: {  	s0 =	sand.u32 $0x1, s0;
	s17 =	smul.u32 $0x4E000, s23;
	p0 =	sne.s32 s23, $0xF  }
0x8: {  	s3 =	sshll.u32 s0, $0x4;
	s9 =	ssub.s32 $0x2, s0;
	s24 =	smul.u32 $0x27100, s0  }
0x9: {  	s0 =	smul.u32 $0x138800, s0;
	s4 =	sor.u32 s23, s3;
	s3 =	simm.s32 $0x0  }
0xa: {  	s21 =	sshrl.u32 s9, $0x1;
	s8 =	sshrl.u32 s8, $0x2;
	s26 =	sshrl.u32 s17, $0x2  }
0xb: {  	s23 =	simm.s32 $0x9900;
	s6 =	smul.u32 $0x510, s4;
	[smem:$0x7FF] =	sst s3  }
0xc: {  	s4 =	sadd.s32 $0x22E00, s1;
	s0 =	sshrl.u32 s0, $0x3;
	_ =	strace $0x8000004A  }
0xd: {  	s0 =	sadd.s32 s5, s0;
	s6 =	sadd.s32 s6, s1;
	s1 =	sadd.s32 s7, s1  }
0xe: {  	s7 =	ssub.s32 s9, s21;
	s17 =	sadd.s32 $0x27000, s0;
	s0 =	sadd.s32 $0x138000, s2  }
0xf: {  	s21 =	simm.s32 $0x48;
	s6 =	sadd.s32 $0x18C00, s6;
	s1 =	sadd.s32 $0x8E00, s1  }
0x10: {  	s18 =	smax.u32 s7, $0x1;
	[dreg:$0x4] =	wrdreg s6;
	s6 =	sadd.s32 s8, s2  }
0x11: {  	[dreg:$0x5] =	wrdreg s1;
	s1 =	sadd.s32 s25, s24;
	s25 =	sshrl.u32 @!p0 s0, $0x3  }
0x12: {  	s0 =	simm.s32 $0x6;
	s22 =	sadd.s32 $0x2400, s6;
	s8 =	sadd.s32 $0x4800, s6  }
0x13: {  	s10 =	sadd.s32 $0x6C00, s6;
	s11 =	sadd.s32 $0x9000, s6;
	s12 =	sadd.s32 $0xB400, s6  }
0x14: {  	s13 =	sadd.s32 $0xD800, s6;
	s14 =	sadd.s32 $0xFC00, s6;
	s15 =	sadd.s32 $0x12000, s6  }
0x15: {  	s16 =	sadd.s32 s5, s1;
	s1 =	sadd.s32 s26, s2;
	[dreg:$0x6] =	wrdreg s22  }
0x16: {  	s26 =	simm.s32 $0x7500;
	s5 =	simm.s32 $0x0;
	[dreg:$0x7] =	wrdreg s8  }
0x17: {  	v0 =	vimm.f32 $0.0e+00;
	s22 =	simm.s32 $0x5100;
	s24 =	sshrl.u32 s1, $0x3;
	s1 =	simm.s32 $0x4  }
.LBB2_1:
0x18: {  	s7 =	rddreg [dreg:$0x4]  }
0x19: {  	[tilespmem:s3], [sflag:$0x7] =	stream.linear.gather [hbm4b:s7+s3], $0x2880, $0x38;
	[tilespmem:$0x1F900] =	vst v63  }
0x1a: {  	_ =	swait.ge [sflag:s19], $0x2880  }
0x1b: {  	[sflag:s19] =	ssyncset.done $0x0  }
0x1c: {  	s9 =	rddreg [dreg:$0x5];
	[sflag:s19] =	ssyncadd.s32 $0xFFFFD780  }
0x1d: {  	[tilespmem:s20], [sflag:$0x7] =	stream.linear.gather [hbm4b:s9+s3], $0x2880, $0x38;
	[tilespmem:$0x1F900] =	vst v63  }
0x1e: {  	_ =	swait.ge [sflag:s19], $0x2880  }
0x1f: {  	[sflag:s19] =	ssyncset.done $0x0  }
0x20: {  	s8 =	simm.s32 $0x200;
	s7 =	simm.s32 $0x0;
	[sflag:s19] =	ssyncadd.s32 $0xFFFFD780  }
0x21: {  	[tilespmem:s22], [sflag:$0x1] =	stream.indirect.gather [hbm4b:s4+s21], $0x80, s3, s21, $0xb8;
	[tilespmem:$0x1F900] =	vst v63  }
.LBB2_2:
0x22: {  	p1 =	sne.s32 s8, $0x8E00;
	[tilespmem:s7+$0x9970] =	vst v0  }
0x23: {  	[tilespmem:s7+$0x9900] =	vst v0  }
0x24: {  	[tilespmem:s7+$0x9910] =	vst v0  }
.Ltmp0:
0x25: {  	[tilespmem:s7+$0x9920] =	vst v0;
	(pc) =	sbr.rel @p1 .LBB2_2-.Ltmp0, $4  }
0x26: {  	[tilespmem:s7+$0x9930] =	vst v0  }
0x27: {  	[tilespmem:s7+$0x9940] =	vst v0  }
0x28: {  	[tilespmem:s7+$0x9950] =	vst v0  }
0x29: {  	[tilespmem:s7+$0x9960] =	vst v0;
	s7 =	sshra.s32 s8, $0x2;
	s8 =	sadd.s32 $0x200, s8  }
0x2a: {  	[tilespmem:s7+$0x9970] =	vst v0  }
0x2b: {  	[tilespmem:s7+$0x9900] =	vst v0  }
0x2c: {  	[tilespmem:s7+$0x9910] =	vst v0  }
0x2d: {  	[tilespmem:s7+$0x9920] =	vst v0  }
0x2e: {  	[tilespmem:s7+$0x9930] =	vst v0  }
0x2f: {  	[tilespmem:s7+$0x9940] =	vst v0  }
0x30: {  	[tilespmem:s7+$0x9950] =	vst v0  }
0x31: {  	[tilespmem:s7+$0x9960] =	vst v0  }
0x32: {  	[spmem:s6] =	stream.linear.scatter [tilespmem:s23], [sflag:$0x7], $0x2400, $0x38;
	[tilespmem:$0x1F900] =	vst v63  }
0x33: {  	_ =	swait.ge [sflag:s19], $0x2400  }
0x34: {  	[sflag:s19] =	ssyncset.done $0x0  }
0x35: {  	s9 =	rddreg [dreg:$0x6];
	[sflag:s19] =	ssyncadd.s32 $0xFFFFDC00  }
0x36: {  	[spmem:s9] =	stream.linear.scatter [tilespmem:s23], [sflag:$0x7], $0x2400, $0x38;
	[tilespmem:$0x1F900] =	vst v63  }
0x37: {  	_ =	swait.ge [sflag:s19], $0x2400  }
0x38: {  	[sflag:s19] =	ssyncset.done $0x0  }
0x39: {  	s8 =	rddreg [dreg:$0x7];
	[sflag:s19] =	ssyncadd.s32 $0xFFFFDC00  }
0x3a: {  	[spmem:s8] =	stream.linear.scatter [tilespmem:s23], [sflag:$0x7], $0x2400, $0x38;
	[tilespmem:$0x1F900] =	vst v63  }
0x3b: {  	_ =	swait.ge [sflag:s19], $0x2400  }
0x3c: {  	[sflag:s19] =	ssyncset.done $0x0  }
0x3d: {  	[sflag:s19] =	ssyncadd.s32 $0xFFFFDC00  }
0x3e: {  	[spmem:s10] =	stream.linear.scatter [tilespmem:s23], [sflag:$0x7], $0x2400, $0x38;
	[tilespmem:$0x1F900] =	vst v63  }
0x3f: {  	_ =	swait.ge [sflag:s19], $0x2400  }
0x40: {  	[sflag:s19] =	ssyncset.done $0x0  }
0x41: {  	[sflag:s19] =	ssyncadd.s32 $0xFFFFDC00  }
0x42: {  	[spmem:s11] =	stream.linear.scatter [tilespmem:s23], [sflag:$0x7], $0x2400, $0x38;
	[tilespmem:$0x1F900] =	vst v63  }
0x43: {  	_ =	swait.ge [sflag:s19], $0x2400  }
0x44: {  	[sflag:s19] =	ssyncset.done $0x0  }
0x45: {  	[sflag:s19] =	ssyncadd.s32 $0xFFFFDC00  }
0x46: {  	[spmem:s12] =	stream.linear.scatter [tilespmem:s23], [sflag:$0x7], $0x2400, $0x38;
	[tilespmem:$0x1F900] =	vst v63  }
0x47: {  	_ =	swait.ge [sflag:s19], $0x2400  }
0x48: {  	[sflag:s19] =	ssyncset.done $0x0  }
0x49: {  	[sflag:s19] =	ssyncadd.s32 $0xFFFFDC00  }
0x4a: {  	[spmem:s13] =	stream.linear.scatter [tilespmem:s23], [sflag:$0x7], $0x2400, $0x38;
	[tilespmem:$0x1F900] =	vst v63  }
0x4b: {  	_ =	swait.ge [sflag:s19], $0x2400  }
0x4c: {  	[sflag:s19] =	ssyncset.done $0x0  }
0x4d: {  	[sflag:s19] =	ssyncadd.s32 $0xFFFFDC00  }
0x4e: {  	[spmem:s14] =	stream.linear.scatter [tilespmem:s23], [sflag:$0x7], $0x2400, $0x38;
	[tilespmem:$0x1F900] =	vst v63  }
0x4f: {  	_ =	swait.ge [sflag:s19], $0x2400  }
0x50: {  	[sflag:s19] =	ssyncset.done $0x0  }
0x51: {  	[sflag:s19] =	ssyncadd.s32 $0xFFFFDC00  }
0x52: {  	[spmem:s15] =	stream.linear.scatter [tilespmem:s23], [sflag:$0x7], $0x1C00, $0x38;
	[tilespmem:$0x1F900] =	vst v63  }
0x53: {  	_ =	swait.ge [sflag:s19], $0x1C00  }
0x54: {  	[sflag:s19] =	ssyncset.done $0x0  }
0x55: {  	[sflag:s19] =	ssyncadd.s32 $0xFFFFE400  }
0x56: {  	[bflag:$0x0] =	sbarrier.arrive $0xFFFF  }
0x57: {  	[tilespmem:s26], [sflag:$0x2] =	stream.indirect.gather [hbm4b:s4+s21], $0x80, s21, s21, $0xb8;
	[tilespmem:$0x1F900] =	vst v63  }
0x58: {  	_ =	swait.ge [sflag:s28], $0x2400  }
0x59: {  	[sflag:s28] =	ssyncset.done $0x0  }
0x5a: {  	[sflag:s28] =	ssyncadd.s32 $0xFFFFDC00  }
0x5b: {  	[spmem:s2] =	stream.indirect.scatter.add.f32 [tilespmem:s22], [sflag:$0x4], $0x80, s20, s21, $0xb8;
	[tilespmem:$0x1F900] =	vst v63  }
0x5c: {  	s9 =	simm.s32 $0x90  }
0x5d: {  	[tilespmem:s23], [sflag:$0x3] =	stream.indirect.gather [hbm4b:s4+s21], $0x80, s9, s21, $0xb8;
	[tilespmem:$0x1F900] =	vst v63  }
0x5e: {  	_ =	swait.ge [sflag:s30], $0x2400  }
0x5f: {  	[sflag:s30] =	ssyncset.done $0x0  }
0x60: {  	s8 =	simm.s32 $0x28C8;
	[sflag:s30] =	ssyncadd.s32 $0xFFFFDC00  }
0x61: {  	[spmem:s2] =	stream.indirect.scatter.add.f32 [tilespmem:s26], [sflag:$0x5], $0x80, s8, s21, $0xb8;
	[tilespmem:$0x1F900] =	vst v63  }
0x62: {  	_ =	swait.ge [sflag:s1], $0x2400  }
0x63: {  	[sflag:s1] =	ssyncset.done $0x0  }
0x64: {  	s9 =	simm.s32 $0xD8;
	[sflag:s1] =	ssyncadd.s32 $0xFFFFDC00  }
0x65: {  	[tilespmem:s22], [sflag:$0x1] =	stream.indirect.gather [hbm4b:s4+s21], $0x80, s9, s21, $0xb8;
	[tilespmem:$0x1F900] =	vst v63  }
0x66: {  	_ =	swait.ge [sflag:s31], $0x2400  }
0x67: {  	[sflag:s31] =	ssyncset.done $0x0  }
0x68: {  	s8 =	simm.s32 $0x2910;
	[sflag:s31] =	ssyncadd.s32 $0xFFFFDC00  }
0x69: {  	[spmem:s2] =	stream.indirect.scatter.add.f32 [tilespmem:s23], [sflag:$0x6], $0x80, s8, s21, $0xb8;
	[tilespmem:$0x1F900] =	vst v63  }
0x6a: {  	_ =	swait.ge [sflag:s29], $0x2400  }
0x6b: {  	[sflag:s29] =	ssyncset.done $0x0  }
0x6c: {  	s9 =	simm.s32 $0x120;
	[sflag:s29] =	ssyncadd.s32 $0xFFFFDC00  }
0x6d: {  	[tilespmem:s26], [sflag:$0x2] =	stream.indirect.gather [hbm4b:s4+s21], $0x80, s9, s21, $0xb8;
	[tilespmem:$0x1F900] =	vst v63  }
0x6e: {  	_ =	swait.ge [sflag:s28], $0x2400  }
0x6f: {  	[sflag:s28] =	ssyncset.done $0x0  }
0x70: {  	s8 =	simm.s32 $0x2958;
	[sflag:s28] =	ssyncadd.s32 $0xFFFFDC00  }
0x71: {  	[spmem:s2] =	stream.indirect.scatter.add.f32 [tilespmem:s22], [sflag:$0x4], $0x80, s8, s21, $0xb8;
	[tilespmem:$0x1F900] =	vst v63  }
0x72: {  	_ =	swait.ge [sflag:s0], $0x2400  }
0x73: {  	[sflag:s0] =	ssyncset.done $0x0  }
0x74: {  	s9 =	simm.s32 $0x168;
	[sflag:s0] =	ssyncadd.s32 $0xFFFFDC00  }
0x75: {  	[tilespmem:s23], [sflag:$0x3] =	stream.indirect.gather [hbm4b:s4+s21], $0x80, s9, s21, $0xb8;
	[tilespmem:$0x1F900] =	vst v63  }
0x76: {  	_ =	swait.ge [sflag:s30], $0x2400  }
0x77: {  	[sflag:s30] =	ssyncset.done $0x0  }
0x78: {  	s8 =	simm.s32 $0x29A0;
	[sflag:s30] =	ssyncadd.s32 $0xFFFFDC00  }
0x79: {  	[spmem:s2] =	stream.indirect.scatter.add.f32 [tilespmem:s26], [sflag:$0x5], $0x80, s8, s21, $0xb8;
	[tilespmem:$0x1F900] =	vst v63  }
0x7a: {  	_ =	swait.ge [sflag:s1], $0x2400  }
0x7b: {  	[sflag:s1] =	ssyncset.done $0x0  }
0x7c: {  	s9 =	simm.s32 $0x1B0;
	[sflag:s1] =	ssyncadd.s32 $0xFFFFDC00  }
0x7d: {  	[tilespmem:s22], [sflag:$0x1] =	stream.indirect.gather [hbm4b:s4+s21], $0x80, s9, s21, $0xb8;
	[tilespmem:$0x1F900] =	vst v63  }
0x7e: {  	_ =	swait.ge [sflag:s31], $0x2400  }
0x7f: {  	[sflag:s31] =	ssyncset.done $0x0  }
0x80: {  	s7 =	simm.s32 $0x360;
	s8 =	simm.s32 $0x29E8;
	[sflag:s31] =	ssyncadd.s32 $0xFFFFDC00  }
.LBB2_4:
0x81: {  	[spmem:s2] =	stream.indirect.scatter.add.f32 [tilespmem:s23], [sflag:$0x6], $0x80, s8, s21, $0xb8;
	[tilespmem:$0x1F900] =	vst v63  }
0x82: {  	s8 =	smov.u32 s7;
	s7 =	sadd.s32 $0x360, s7;
	_ =	swait.ge [sflag:s29], $0x2400  }
0x83: {  	s8 =	sshra.s32 s8, $0x2;
	p1 =	sne.s32 s7, $0x9B40;
	[sflag:s29] =	ssyncset.done $0x0  }
0x84: {  	s9 =	sadd.s32 $0x120, s8;
	[sflag:s29] =	ssyncadd.s32 $0xFFFFDC00  }
0x85: {  	[tilespmem:s26], [sflag:$0x2] =	stream.indirect.gather [hbm4b:s4+s21], $0x80, s9, s21, $0xb8;
	[tilespmem:$0x1F900] =	vst v63  }
0x86: {  	_ =	swait.ge [sflag:s28], $0x2400  }
0x87: {  	[sflag:s28] =	ssyncset.done $0x0  }
0x88: {  	s9 =	sadd.s32 $0x2958, s8;
	[sflag:s28] =	ssyncadd.s32 $0xFFFFDC00  }
0x89: {  	[spmem:s2] =	stream.indirect.scatter.add.f32 [tilespmem:s22], [sflag:$0x4], $0x80, s9, s21, $0xb8;
	[tilespmem:$0x1F900] =	vst v63  }
0x8a: {  	_ =	swait.ge [sflag:s0], $0x2400  }
0x8b: {  	[sflag:s0] =	ssyncset.done $0x0  }
0x8c: {  	s9 =	sadd.s32 $0x168, s8;
	[sflag:s0] =	ssyncadd.s32 $0xFFFFDC00  }
0x8d: {  	[tilespmem:s23], [sflag:$0x3] =	stream.indirect.gather [hbm4b:s4+s21], $0x80, s9, s21, $0xb8;
	[tilespmem:$0x1F900] =	vst v63  }
0x8e: {  	_ =	swait.ge [sflag:s30], $0x2400  }
0x8f: {  	[sflag:s30] =	ssyncset.done $0x0  }
0x90: {  	s9 =	sadd.s32 $0x29A0, s8;
	[sflag:s30] =	ssyncadd.s32 $0xFFFFDC00  }
0x91: {  	[spmem:s2] =	stream.indirect.scatter.add.f32 [tilespmem:s26], [sflag:$0x5], $0x80, s9, s21, $0xb8;
	[tilespmem:$0x1F900] =	vst v63  }
0x92: {  	_ =	swait.ge [sflag:s1], $0x2400  }
0x93: {  	[sflag:s1] =	ssyncset.done $0x0  }
.Ltmp1:
0x94: {  	s9 =	sadd.s32 $0x1B0, s8;
	[sflag:s1] =	ssyncadd.s32 $0xFFFFDC00;
	(pc) =	sbr.rel @p1 .LBB2_4-.Ltmp1, $4  }
0x95: {  	[tilespmem:s22], [sflag:$0x1] =	stream.indirect.gather [hbm4b:s4+s21], $0x80, s9, s21, $0xb8;
	[tilespmem:$0x1F900] =	vst v63  }
0x96: {  	_ =	swait.ge [sflag:s31], $0x2400  }
0x97: {  	[sflag:s31] =	ssyncset.done $0x0  }
0x98: {  	s8 =	sadd.s32 $0x29E8, s8;
	[sflag:s31] =	ssyncadd.s32 $0xFFFFDC00  }
0x99: {  	[spmem:s2] =	stream.indirect.scatter.add.f32 [tilespmem:s23], [sflag:$0x6], $0x80, s8, s21, $0xb8;
	[tilespmem:$0x1F900] =	vst v63  }
0x9a: {  	_ =	swait.ge [sflag:s29], $0x2400  }
0x9b: {  	s7 =	sshra.s32 s7, $0x2;
	[sflag:s29] =	ssyncset.done $0x0  }
0x9c: {  	s9 =	sadd.s32 $0x120, s7;
	[sflag:s29] =	ssyncadd.s32 $0xFFFFDC00  }
0x9d: {  	[tilespmem:s26], [sflag:$0x2] =	stream.indirect.gather [hbm4b:s4+s21], $0x80, s9, s21, $0xb8;
	[tilespmem:$0x1F900] =	vst v63  }
0x9e: {  	_ =	swait.ge [sflag:s28], $0x2400  }
0x9f: {  	[sflag:s28] =	ssyncset.done $0x0  }
0xa0: {  	s9 =	sadd.s32 $0x2958, s7;
	[sflag:s28] =	ssyncadd.s32 $0xFFFFDC00  }
0xa1: {  	[spmem:s2] =	stream.indirect.scatter.add.f32 [tilespmem:s22], [sflag:$0x4], $0x80, s9, s21, $0xb8;
	[tilespmem:$0x1F900] =	vst v63  }
0xa2: {  	_ =	swait.ge [sflag:s0], $0x2400  }
0xa3: {  	[sflag:s0] =	ssyncset.done $0x0  }
0xa4: {  	s9 =	sadd.s32 $0x168, s7;
	[sflag:s0] =	ssyncadd.s32 $0xFFFFDC00  }
0xa5: {  	[tilespmem:s23], [sflag:$0x3] =	stream.indirect.gather [hbm4b:s4+s21], $0x80, s9, s21, $0xb8;
	[tilespmem:$0x1F900] =	vst v63  }
0xa6: {  	_ =	swait.ge [sflag:s30], $0x2400  }
0xa7: {  	[sflag:s30] =	ssyncset.done $0x0  }
0xa8: {  	s9 =	sadd.s32 $0x29A0, s7;
	[sflag:s30] =	ssyncadd.s32 $0xFFFFDC00  }
0xa9: {  	[spmem:s2] =	stream.indirect.scatter.add.f32 [tilespmem:s26], [sflag:$0x5], $0x80, s9, s21, $0xb8;
	[tilespmem:$0x1F900] =	vst v63  }
0xaa: {  	_ =	swait.ge [sflag:s1], $0x2400  }
0xab: {  	[sflag:s1] =	ssyncset.done $0x0  }
0xac: {  	[sflag:s1] =	ssyncadd.s32 $0xFFFFDC00  }
0xad: {  	[tilespmem:s22], [sflag:$0x1] =	stream.indirect.gather [hbm4b:s4+s21], $0x80, s3, s21, $0xb8;
	[tilespmem:$0x1F900] =	vst v63  }
0xae: {  	_ =	swait.ge [sflag:s31], $0x2400  }
0xaf: {  	[sflag:s31] =	ssyncset.done $0x0  }
0xb0: {  	s7 =	sadd.s32 $0x29E8, s7;
	[sflag:s31] =	ssyncadd.s32 $0xFFFFDC00  }
0xb1: {  	[spmem:s2] =	stream.indirect.scatter.add.f32 [tilespmem:s23], [sflag:$0x6], $0x80, s7, s21, $0xb8;
	[tilespmem:$0x1F900] =	vst v63  }
0xb2: {  	_ =	swait.ge [sflag:s29], $0x2400  }
0xb3: {  	[sflag:s29] =	ssyncset.done $0x0  }
0xb4: {  	[sflag:s29] =	ssyncadd.s32 $0xFFFFDC00  }
0xb5: {  	_ =	swait.ge [sflag:s0], $0x2400  }
0xb6: {  	[sflag:s0] =	ssyncset.done $0x0  }
0xb7: {  	[sflag:s0] =	ssyncadd.s32 $0xFFFFDC00  }
0xb8: {  	_ =	swait.ge [sflag:s28], $0x2400  }
0xb9: {  	s9 =	stileid.u32;
	[sflag:s28] =	ssyncset.done $0x0  }
0xba: {  	s7 =	sshll.u32 s9, $0x6;
	[sflag:s28] =	ssyncadd.s32 $0xFFFFDC00  }
0xbb: {  	s7 =	sor.u32 $0x1C07, s7;
	[bflag:$0x0] =	sbarrier.arrive $0xFFFF  }
0xbc: {  	[hbm:s16], [sflag:s7] =	dma.local [spmem:s24], $0x2700  }
0xbd: {  	_ =	swait.ge [sflag:s19], $0x2700  }
0xbe: {  	s5 =	sadd.s32 $0x1, s5;
	[sflag:s19] =	ssyncset.done $0x0  }
0xbf: {  	p1 =	sne.s32 s5, s18;
	[sflag:s19] =	ssyncadd.s32 $0xFFFFD900  }
0xc0: {  	[hbm:s17], [sflag:s7] =	dma.local @!p0 [spmem:s25], $0x100  }
.Ltmp2:
0xc1: {  	_ = 	snop;
	(pc) =	sbr.rel @p1 .LBB2_1-.Ltmp2, $4  }
0xc2: {  	s7 =	simm.s32 @!p0 $0x7  }
0xc3: {  	_ =	swait.ge @!p0 [sflag:s7], $0x100  }
0xc4: {  	[sflag:s7] =	ssyncset.done @!p0 $0x0  }
0xc5: {  	[sflag:s7] =	ssyncadd.s32 @!p0 $0xFFFFFF00  }
0xc6: {  	_ =	sfence.sel $0x180000  }
0xc7: {  	[bflag:$0x0] =	sbarrier.arrive $0xFFFF  }
0xc8: {  	_ =	strace $0x9000004A  }
0xc9: {  	s0 =	stileid.u32;
	[bflag:$0x2] =	sbarrier.arrive $0xFFFF  }
0xca: {  	p0 =	sne.s32 s0, $0x0;
	s0 =	rddreg [dreg:$0x3]  }
0xcb: {  	s0 =	sadd.s32 @!p0 $0x100000, s0  }
0xcc: {  	[sflag:s0] =	ssyncadd.tile.s32 @!p0 $0x1;
	_ =	shalt  }
.Lfunc_end2:
_tile_overlayer_lowered:
.L_overlay_start_2:
0xcd: {  	(tag) =	ssettag $0x2  }
0xce: {  	s0 =	rddreg [dreg:$0x0];
	s2 =	stileid.u32  }
0xcf: {  	s1 =	rddreg [dreg:$0x1];
	p0 =	sne.s32 s2, $0x0  }
0xd0: {  	s3 =	rddreg [dreg:$0x2];
	[bflag:$0x3] =	sbarrier.arrive $0xFFFF;
	s2 =	simm.s32 @!p0 $0x1C07  }
0xd1: {  	[timem:s3], [sflag:s2] =	dma.local @!p0 [hbm:s0], s1  }
0xd2: {  	s0 =	simm.s32 @!p0 $0x7  }
0xd3: {  	_ =	swait.ge @!p0 [sflag:s0], s1  }
0xd4: {  	s1 =	ssub.s32 @!p0 $0x0, s1;
	[sflag:s0] =	ssyncset.done @!p0 $0x0  }
0xd5: {  	[sflag:s0] =	ssyncadd.s32 @!p0 s1  }
0xd6: {  	[bflag:$0x3] =	sbarrier.arrive $0xFFFF  }
0xd7: {  	_ =	shalt  }

// kernel: kernel.14.cloned.1.call-start
scs
__scs_entry_jumppad:
0x0: {  	(pc) =	sbr.rel $0x88, $3  }
0x1: {  	(tag) =	ssettag $0x0;
	lr =	simm.s32 $0x1  }
0x2: {  	[smem:$0x3F89] =	sst lr;
	_ =	strace $0xD0000000  }
0x3: {  	_ = 	snop  }
0x4: {  	_ = 	snop  }
0x5: {  	_ = 	snop  }
0x6: {  	_ = 	snop  }
0x7: {  	_ = 	snop  }
__scs_overlays_trampoline_lowered:
0x8: {  	[smem:$0x3F98] =	sst s0  }
0x9: {  	[smem:$0x3F99] =	sst s1  }
0xa: {  	[smem:$0x3F9A] =	sst s2  }
0xb: {  	[smem:$0x3F9B] =	sst s3  }
0xc: {  	[smem:$0x3F9C] =	sst s4  }
0xd: {  	[smem:$0x3F9D] =	sst s5  }
0xe: {  	[smem:$0x3F9E] =	sst s6  }
0xf: {  	[smem:$0x3F9F] =	sst s7  }
0x10: {  	[smem:$0x3FA0] =	sst s8  }
0x11: {  	[smem:$0x3FA1] =	sst s9;
	s0 =	simm.s32 @!p0 $0x0  }
0x12: {  	s1 =	sld [smem:$0x3F87];
	s0 =	simm.s32 @p0 $0x1  }
0x13: {  	[smem:$0x3FA2] =	sst s0;
	s0 =	simm.s32 @!p1 $0x0  }
0x14: {  	s2 =	sld [smem:$0x3F86];
	s0 =	simm.s32 @p1 $0x1  }
0x15: {  	[smem:$0x3FA3] =	sst s0;
	s0 =	simm.s32 @!p2 $0x0  }
0x16: {  	s3 =	sld [smem:$0x3FDB];
	s0 =	simm.s32 @p2 $0x1  }
0x17: {  	s4 =	simm.s32 $0x1BF5;
	[smem:$0x3FA5] =	sst s0  }
0x18: {  	s0 =	sld [smem:$0x3F88];
	_ =	swait.ge [sflag:s4], $0x0  }
0x19: {  	s7 =	sld [smem:$0x3F89]  }
0x1a: {  	s8 =	sadd.s32 $0xFFFFE003, lr  }
0x1b: {  	s9 =	sadd.s32 $0xFFFFFEF7, lr;
	s5 =	simm.s32 $0xFFFFFFFF;
	p2 =	slt.u32 s8, $0xFFFFF086  }
0x1c: {  	p1 =	slt.u32 s9, $0xF7A;
	s5 =	simm.s32 @!p2 $0x0  }
0x1d: {  	s5 =	simm.s32 @p1 $0x1;
	p0 =	seq.s32 s7, s2  }
0x1e: {  	s7 =	smul.u32 @!p0 $0xF7A, s2;
	p2 =	seq.s32 @!p0 s5, $0x0  }
0x1f: {  	s9 =	smul.u32 $0xF7A, s1;
	s8 =	simm.s32 @!p0 $0x1BF5;
	p2 =	por !p2, p0  }
0x20: {  	[sflag:s8] =	ssyncset.s32 @!p0 $0xFFFFF086;
	s6 =	sadd.s32 @!p0 s3, s7;
	s7 =	simm.s32 @!p0 $0x108  }
0x21: {  	s3 =	sadd.s32 s3, s9;
	s6 =	sadd.s32 @!p0 $0x88, s6;
	s7 =	simm.s32 @p2 $0x1082  }
0x22: {  	[simem:s7], [sflag:s8] =	dma.local @!p0 [hbm:s6], $0xF7A  }
0x23: {  	s9 =	sor.u32 $0xD0000000, s2;
	s6 =	simm.s32 $0x108;
	_ =	swait.ge @!p0 [sflag:s8], $0x0  }
0x24: {  	s3 =	sadd.s32 $0x88, s3;
	s6 =	simm.s32 @!p1 $0x1082;
	[sflag:s4] =	ssyncset.s32 $0xFFFFF086  }
0x25: {  	[simem:s6], [sflag:s4] =	dma.local [hbm:s3], $0xF7A  }
0x26: {  	[smem:$0x3F89] =	sst s1;
	(tag) =	ssettag s2;
	_ =	strace s9  }
0x27: {  	s1 =	sld [smem:$0x3F99]  }
0x28: {  	s2 =	sld [smem:$0x3F9A]  }
0x29: {  	s4 =	sld [smem:$0x3F9C]  }
0x2a: {  	p0 =	seq.s32 s5, $0x0;
	s5 =	sld [smem:$0x3F9D]  }
0x2b: {  	s6 =	sld [smem:$0x3F9E]  }
0x2c: {  	s7 =	sld [smem:$0x3F9F]  }
0x2d: {  	s3 =	simm.s32 $0x108;
	s8 =	sld [smem:$0x3FA0]  }
0x2e: {  	s3 =	simm.s32 @!p0 $0x1082;
	s9 =	sld [smem:$0x3FA1]  }
0x2f: {  	lr =	sadd.s32 s0, s3;
	s0 =	sld [smem:$0x3F98]  }
0x30: {  	s3 =	sld [smem:$0x3F9B]  }
0x31: {  	[smem:$0x3FA4] =	sst s10  }
0x32: {  	s10 =	sld [smem:$0x3FA2];
	_ =	sdelay $0x3  }
0x33: {  	p0 =	seq.s32 s10, $0x1;
	s10 =	sld [smem:$0x3FA4];
	_ =	sdelay $0x3  }
0x34: {  	[smem:$0x3FA4] =	sst s10  }
0x35: {  	s10 =	sld [smem:$0x3FA3];
	_ =	sdelay $0x3  }
0x36: {  	p1 =	seq.s32 s10, $0x1;
	s10 =	sld [smem:$0x3FA4];
	_ =	sdelay $0x3  }
0x37: {  	[smem:$0x3FA4] =	sst s10  }
0x38: {  	s10 =	sld [smem:$0x3FA5]  }
0x39: {  	_ = 	snop;
	(pc) =	sbr.ind lr, $3  }
0x3a: {  	_ = 	snop  }
0x3b: {  	_ = 	snop  }
0x3c: {  	p2 =	seq.s32 s10, $0x1;
	s10 =	sld [smem:$0x3FA4]  }
0x3d: {  	_ =	shalt  }
0x3e: {  	_ =	shalt  }
0x3f: {  	_ =	shalt  }
0x40: {  	_ =	shalt  }
0x41: {  	_ =	shalt  }
0x42: {  	_ =	shalt  }
0x43: {  	_ =	shalt  }
0x44: {  	_ =	shalt  }
0x45: {  	_ =	shalt  }
0x46: {  	_ =	shalt  }
0x47: {  	_ =	shalt  }
0x48: {  	_ =	shalt  }
0x49: {  	_ =	shalt  }
0x4a: {  	_ =	shalt  }
0x4b: {  	_ =	shalt  }
0x4c: {  	_ =	shalt  }
0x4d: {  	_ =	shalt  }
0x4e: {  	_ =	shalt  }
0x4f: {  	_ =	shalt  }
0x50: {  	_ =	shalt  }
0x51: {  	_ =	shalt  }
0x52: {  	_ =	shalt  }
0x53: {  	_ =	shalt  }
0x54: {  	_ =	shalt  }
0x55: {  	_ =	shalt  }
0x56: {  	_ =	shalt  }
0x57: {  	_ =	shalt  }
0x58: {  	_ =	shalt  }
0x59: {  	_ =	shalt  }
0x5a: {  	_ =	shalt  }
0x5b: {  	_ =	shalt  }
0x5c: {  	_ =	shalt  }
0x5d: {  	_ =	shalt  }
0x5e: {  	_ =	shalt  }
0x5f: {  	_ =	shalt  }
0x60: {  	_ =	shalt  }
0x61: {  	_ =	shalt  }
0x62: {  	_ =	shalt  }
0x63: {  	_ =	shalt  }
0x64: {  	_ =	shalt  }
0x65: {  	_ =	shalt  }
0x66: {  	_ =	shalt  }
0x67: {  	_ =	shalt  }
0x68: {  	_ =	shalt  }
0x69: {  	_ =	shalt  }
0x6a: {  	_ =	shalt  }
0x6b: {  	_ =	shalt  }
0x6c: {  	_ =	shalt  }
0x6d: {  	_ =	shalt  }
0x6e: {  	_ =	shalt  }
0x6f: {  	_ =	shalt  }
0x70: {  	_ =	shalt  }
0x71: {  	_ =	shalt  }
0x72: {  	_ =	shalt  }
0x73: {  	_ =	shalt  }
0x74: {  	_ =	shalt  }
0x75: {  	_ =	shalt  }
0x76: {  	_ =	shalt  }
0x77: {  	_ =	shalt  }
0x78: {  	_ =	shalt  }
0x79: {  	_ =	shalt  }
0x7a: {  	_ =	shalt  }
0x7b: {  	_ =	shalt  }
0x7c: {  	_ =	shalt  }
0x7d: {  	_ =	shalt  }
0x7e: {  	_ =	shalt  }
0x7f: {  	_ =	shalt  }
0x80: {  	_ =	shalt  }
0x81: {  	_ =	shalt  }
0x82: {  	_ =	shalt  }
0x83: {  	_ =	shalt  }
0x84: {  	_ =	shalt  }
0x85: {  	_ =	shalt  }
0x86: {  	_ =	shalt  }
0x87: {  	_ =	shalt  }
.Lfunc_end0:
.L_simem_size_0:
called_computation.2_lowered:
.L_overlay_start_0:
0x88: {  	s2 =	sld [smem:$0x3FD9]  }
0x89: {  	s3 =	sld [smem:$0x3FFE];
	_ =	sdelay $0x1  }
0x8a: {  	s1 =	srdreg.scid  }
0x8b: {  	s0 =	sand.u32 $0x1, s1  }
0x8c: {  	s15 =	sshll.u32 s0, $0xA;
	s2 =	sadd.s32 s3, s2  }
0x8d: {  	s2 =	sadd.s32 s2, s15  }
0x8e: {  	[smem:$0x3FB0] =	sst s2  }
0x8f: {  	_ = 	snop  }
0x90: {  	s2 =	sld [smem:$0x3FD0];
	_ =	sdelay $0x2  }
0x91: {  	s16 =	simm.s32 $0xC;
	s4 =	simm.s32 $0x10  }
0x92: {  	[smem:s4], [sflag:s16] =	dma.local [hbm:s2], $0x1  }
0x93: {  	_ =	swait.eq [sflag:s16], $0x1  }
0x94: {  	[sflag:s16] =	ssyncset.done $0x0  }
0x95: {  	[sflag:s16] =	ssyncadd.s32 $0xFFFFFFFF  }
0x96: {  	s17 =	sld [smem:$0x10];
	(tm) =	ssettm $0x1  }
0x97: {  	s18 =	sld [smem:$0x3FFB];
	_ =	sdelay $0x3  }
0x98: {  	_ =	strace s18  }
0x99: {  	s2 =	sld [smem:$0x3FFC];
	_ =	sdelay $0x3  }
0x9a: {  	_ =	strace s2  }
0x9b: {  	s2 =	sld [smem:$0x3FFD];
	_ =	sdelay $0x3  }
0x9c: {  	_ =	strace s2  }
0x9d: {  	_ =	strace $0x8FFFFFFF  }
0x9e: {  	s19 =	sld [smem:$0x3FDB];
	_ =	sdelay $0x1  }
0x9f: {  	s20 =	simm.s32 $_scs_section_size  }
0xa0: {  	s5 =	simm.s32 $_size__tile_overlayer_lowered;
	s6 =	simm.s32 $_tile_overlayer_lowered  }
0xa1: {  	s7 =	simm.s32 $0x1BFF;
	s21 =	sshll.u32 s6, $0x1;
	s4 =	sadd.s32 s20, s19  }
0xa2: {  	s22 =	simm.s32 $0x0;
	s5 =	sshll.u32 s5, $0x1;
	s6 =	sadd.s32 s21, s4  }
0xa3: {  	[timem:s22], [sflag:s7] =	dma.local [hbm:s6], s5  }
0xa4: {  	_ =	swait.ge [sflag:s7], s5  }
0xa5: {  	s5 =	ssub.s32 $0x0, s5;
	[sflag:s7] =	ssyncset.done $0x0  }
0xa6: {  	[sflag:s7] =	ssyncadd.s32 s5;
	_ =	sdelay $0x1  }
0xa7: {  	s23 =	simm.s32 $0x1B8B  }
0xa8: {  	_ =	swait.ge [sflag:s23], $0x1  }
0xa9: {  	[sflag:s23] =	ssyncset.done $0x0  }
0xaa: {  	[sflag:s23] =	ssyncadd.s32 $0xFFFFFFFF  }
0xab: {  	s5 =	sld [smem:$0x0]  }
0xac: {  	s6 =	sand.u32 $0xFFFFFFFE, s1  }
0xad: {  	p0 =	sne.s32 s1, s6  }
0xae: {  	s6 =	sshll.u32 @p0 s6, $0xE  }
0xaf: {  	s6 =	sadd.s32 @p0 $0x11B8D, s6;
	s7 =	sshll.u32 @p0 s5, $0x11  }
0xb0: {  	s6 =	sor.u32 @p0 s7, s6  }
0xb1: {  	[sflag:s6] =	ssyncadd.remote.s32 @p0 $0x1;
	_ =	sdelay $0x1  }
0xb2: {  	s6 =	simm.s32 @p0 $0x1B8D  }
0xb3: {  	_ =	swait.eq @p0 [sflag:s6], $0x1  }
0xb4: {  	[sflag:s6] =	ssyncadd.s32 @p0 $0xFFFFFFFF  }
0xb5: {  	s7 =	sshll.u32 @!p0 s1, $0xE  }
0xb6: {  	s7 =	sor.u32 @!p0 $0x4000, s7;
	s6 =	simm.s32 @!p0 $0x1B8D  }
0xb7: {  	s5 =	sshll.u32 @!p0 s5, $0x11;
	s7 =	sadd.s32 @!p0 $0x11B8D, s7;
	_ =	swait.eq @!p0 [sflag:s6], $0x1  }
0xb8: {  	s5 =	sor.u32 @!p0 s5, s7;
	[sflag:s6] =	ssyncadd.s32 @!p0 $0xFFFFFFFF  }
0xb9: {  	s25 =	simm.s32 $0x1B8E;
	s24 =	sld [smem:$0x3FFE];
	[sflag:s5] =	ssyncadd.remote.s32 @!p0 $0x1  }
0xba: {  	s26 =	simm.s32 $execute0_lowered;
	[smem:$0x3FD2] =	sst s25  }
0xbb: {  	s6 =	sshll.u32 s26, $0x1;
	_ =	strace $0x8000004C;
	[dreg:$0x1] =	wrdreg $0xFFFFFFFF  }
0xbc: {  	s28 =	simm.s32 $_size_execute0_lowered;
	s4 =	sadd.s32 s4, s6;
	[dreg:$0x0] =	wrdreg $0x0  }
0xbd: {  	s6 =	sshll.u32 s28, $0x1;
	[dreg:$0x2] =	wrdreg s4  }
0xbe: {  	[dreg:$0x3] =	wrdreg s6  }
0xbf: {  	[dreg:$0x4] =	wrdreg $0xC0  }
0xc0: {  	_ =	task [dreg:s22], $0x5FFFF  }
0xc1: {  	[dreg:$0x1] =	wrdreg $0xFFFFFFFF  }
0xc2: {  	[dreg:$0x0] =	wrdreg $0x60  }
0xc3: {  	[dreg:$0x2] =	wrdreg s24  }
0xc4: {  	[dreg:$0x3] =	wrdreg s17  }
0xc5: {  	[dreg:$0x4] =	wrdreg $0xBD000  }
0xc6: {  	[dreg:$0x5] =	wrdreg $0xB  }
0xc7: {  	_ =	task.clear_ibuf [dreg:s22], $0x6FFFF;
	_ =	strace $0x9000004C  }
0xc8: {  	s29 =	simm.s32 $0xB;
	_ =	strace $0x8000004E  }
0xc9: {  	_ =	swait.ge [sflag:s29], $0x1  }
0xca: {  	[sflag:s29] =	ssyncadd.s32 $0xFFFFFFFF  }
0xcb: {  	_ =	strace $0x9000004E  }
0xcc: {  	_ =	sfence  }
0xcd: {  	s30 =	sld [smem:$0x0];
	_ =	sdelay $0x2  }
0xce: {  	s31 =	sshll.u32 s1, $0xD;
	s1 =	sshrl.u32 s1, $0x2  }
0xcf: {  	s4 =	sand.u32 $0x4000, s31;
	s1 =	sadd.s32 s1, s30  }
0xd0: {  	s0 =	sor.u32 s4, s0;
	s1 =	sshll.u32 s1, $0x11  }
0xd1: {  	s0 =	sor.u32 s1, s0  }
0xd2: {  	s0 =	sadd.s32 $0x8F2B, s0  }
0xd3: {  	[sflag:s0] =	ssyncadd.remote.s32 $0x1  }
0xd4: {  	_ =	sfence.sel $0xFFFF  }
0xd5: {  	[dreg:$0x0] =	wrdreg $0xFFFFFFFF;
	(pc) =	sbr.abs _section_cstart, $3  }
0xd6: {  	[dreg:$0x1] =	wrdreg $0xFFFFFFFF  }
0xd7: {  	_ =	task.clear_ibuf [dreg:s22], $0x2FFFF;
	_ =	strace $0x9FFFFFFF  }
0xd8: {  	(tm) =	ssettm $0x7FFFFFFF  }
0xd9: {  	_ =	shalt  }
tec
execute0_lowered:
.L_overlay_start_1:
0x0: {  	(tag) =	ssettag $0x1  }
0x1: {  	s0 =	srdreg.scid  }
0x2: {  	s1 =	rddreg [dreg:$0x0];
	s23 =	stileid.u32  }
0x3: {  	s4 =	rddreg [dreg:$0x1];
	s6 =	smul.u32 $0x510, s23  }
0x4: {  	s28 =	simm.s32 $0x1;
	s30 =	simm.s32 $0x2;
	s8 =	smul.u32 $0x4F000, s23  }
0x5: {  	s31 =	simm.s32 $0x3;
	s29 =	simm.s32 $0x5;
	s24 =	smul.u32 $0x2700, s23  }
0x6: {  	s0 =	sand.u32 $0x1, s0;
	s25 =	smul.u32 $0x4E000, s23;
	p0 =	sne.s32 s23, $0xF  }
0x7: {  	s2 =	sshll.u32 s0, $0x4;
	s7 =	ssub.s32 $0x2, s0;
	s21 =	smul.u32 $0x27100, s0  }
0x8: {  	s0 =	smul.u32 $0x138800, s0;
	s3 =	sor.u32 s23, s2;
	s2 =	rddreg [dreg:$0x2]  }
0x9: {  	s9 =	sshrl.u32 s7, $0x1;
	s6 =	sadd.s32 s6, s1;
	s17 =	sshrl.u32 s8, $0x2  }
0xa: {  	s26 =	sshrl.u32 s25, $0x2;
	s23 =	simm.s32 $0x9900;
	s5 =	smul.u32 $0x510, s3  }
0xb: {  	s3 =	simm.s32 $0x0;
	s18 =	ssub.s32 s7, s9;
	s19 =	sadd.s32 $0x3C00, s6  }
0xc: {  	s6 =	sadd.s32 s17, s2;
	s7 =	sadd.s32 $0x71000, s1;
	s0 =	sshrl.u32 s0, $0x3  }
0xd: {  	[smem:$0x7FF] =	sst s3;
	s20 =	sadd.s32 $0x2400, s6;
	s22 =	sadd.s32 $0x4800, s6  }
0xe: {  	s10 =	sadd.s32 $0x6C00, s6;
	s11 =	sadd.s32 $0x9000, s6;
	s12 =	sadd.s32 $0xB400, s6  }
0xf: {  	s13 =	sadd.s32 $0xD800, s6;
	s14 =	sadd.s32 $0xFC00, s6;
	s15 =	sadd.s32 $0x12000, s6  }
0x10: {  	s0 =	sadd.s32 s4, s0;
	_ =	strace $0x8000004D;
	[dreg:$0x5] =	wrdreg s19  }
0x11: {  	s18 =	smax.u32 s18, $0x1;
	s5 =	sadd.s32 s5, s1;
	[dreg:$0x6] =	wrdreg s20  }
0x12: {  	[dreg:$0x7] =	wrdreg s22;
	s1 =	sadd.s32 s24, s21;
	s17 =	sadd.s32 $0x27000, s0  }
0x13: {  	s0 =	sadd.s32 $0x138000, s2;
	s19 =	simm.s32 $0x7;
	s20 =	simm.s32 $0x2880  }
0x14: {  	s21 =	simm.s32 $0x48;
	s22 =	simm.s32 $0x5100;
	s5 =	sadd.s32 $0xBF200, s5  }
0x15: {  	s16 =	sadd.s32 s4, s1;
	s1 =	sadd.s32 s26, s2;
	s25 =	sshrl.u32 @!p0 s0, $0x3  }
0x16: {  	s26 =	simm.s32 $0x7500;
	s0 =	simm.s32 $0x6;
	s4 =	simm.s32 $0x0  }
0x17: {  	v0 =	vimm.f32 $0.0e+00;
	[dreg:$0x4] =	wrdreg s5;
	s24 =	sshrl.u32 s1, $0x3;
	s1 =	simm.s32 $0x4  }
.LBB2_1:
0x18: {  	s5 =	rddreg [dreg:$0x4]  }
0x19: {  	[tilespmem:s3], [sflag:$0x7] =	stream.linear.gather [hbm4b:s5+s3], $0x2880, $0x38;
	[tilespmem:$0x1F900] =	vst v63  }
0x1a: {  	_ =	swait.ge [sflag:s19], $0x2880  }
0x1b: {  	[sflag:s19] =	ssyncset.done $0x0  }
0x1c: {  	s9 =	rddreg [dreg:$0x5];
	[sflag:s19] =	ssyncadd.s32 $0xFFFFD780  }
0x1d: {  	[tilespmem:s20], [sflag:$0x7] =	stream.linear.gather [hbm4b:s9+s3], $0x2880, $0x38;
	[tilespmem:$0x1F900] =	vst v63  }
0x1e: {  	_ =	swait.ge [sflag:s19], $0x2880  }
0x1f: {  	[sflag:s19] =	ssyncset.done $0x0  }
0x20: {  	s8 =	simm.s32 $0x200;
	s5 =	simm.s32 $0x0;
	[sflag:s19] =	ssyncadd.s32 $0xFFFFD780  }
0x21: {  	[tilespmem:s22], [sflag:$0x1] =	stream.indirect.gather [hbm4b:s7+s21], $0x80, s3, s21, $0xb8;
	[tilespmem:$0x1F900] =	vst v63  }
.LBB2_2:
0x22: {  	p1 =	sne.s32 s8, $0x8E00;
	[tilespmem:s5+$0x9970] =	vst v0  }
0x23: {  	[tilespmem:s5+$0x9900] =	vst v0  }
0x24: {  	[tilespmem:s5+$0x9910] =	vst v0  }
.Ltmp0:
0x25: {  	[tilespmem:s5+$0x9920] =	vst v0;
	(pc) =	sbr.rel @p1 .LBB2_2-.Ltmp0, $4  }
0x26: {  	[tilespmem:s5+$0x9930] =	vst v0  }
0x27: {  	[tilespmem:s5+$0x9940] =	vst v0  }
0x28: {  	[tilespmem:s5+$0x9950] =	vst v0  }
0x29: {  	[tilespmem:s5+$0x9960] =	vst v0;
	s5 =	sshra.s32 s8, $0x2;
	s8 =	sadd.s32 $0x200, s8  }
0x2a: {  	[tilespmem:s5+$0x9970] =	vst v0  }
0x2b: {  	[tilespmem:s5+$0x9900] =	vst v0  }
0x2c: {  	[tilespmem:s5+$0x9910] =	vst v0  }
0x2d: {  	[tilespmem:s5+$0x9920] =	vst v0  }
0x2e: {  	[tilespmem:s5+$0x9930] =	vst v0  }
0x2f: {  	[tilespmem:s5+$0x9940] =	vst v0  }
0x30: {  	[tilespmem:s5+$0x9950] =	vst v0  }
0x31: {  	[tilespmem:s5+$0x9960] =	vst v0  }
0x32: {  	[spmem:s6] =	stream.linear.scatter [tilespmem:s23], [sflag:$0x7], $0x2400, $0x38;
	[tilespmem:$0x1F900] =	vst v63  }
0x33: {  	_ =	swait.ge [sflag:s19], $0x2400  }
0x34: {  	[sflag:s19] =	ssyncset.done $0x0  }
0x35: {  	s9 =	rddreg [dreg:$0x6];
	[sflag:s19] =	ssyncadd.s32 $0xFFFFDC00  }
0x36: {  	[spmem:s9] =	stream.linear.scatter [tilespmem:s23], [sflag:$0x7], $0x2400, $0x38;
	[tilespmem:$0x1F900] =	vst v63  }
0x37: {  	_ =	swait.ge [sflag:s19], $0x2400  }
0x38: {  	[sflag:s19] =	ssyncset.done $0x0  }
0x39: {  	s8 =	rddreg [dreg:$0x7];
	[sflag:s19] =	ssyncadd.s32 $0xFFFFDC00  }
0x3a: {  	[spmem:s8] =	stream.linear.scatter [tilespmem:s23], [sflag:$0x7], $0x2400, $0x38;
	[tilespmem:$0x1F900] =	vst v63  }
0x3b: {  	_ =	swait.ge [sflag:s19], $0x2400  }
0x3c: {  	[sflag:s19] =	ssyncset.done $0x0  }
0x3d: {  	[sflag:s19] =	ssyncadd.s32 $0xFFFFDC00  }
0x3e: {  	[spmem:s10] =	stream.linear.scatter [tilespmem:s23], [sflag:$0x7], $0x2400, $0x38;
	[tilespmem:$0x1F900] =	vst v63  }
0x3f: {  	_ =	swait.ge [sflag:s19], $0x2400  }
0x40: {  	[sflag:s19] =	ssyncset.done $0x0  }
0x41: {  	[sflag:s19] =	ssyncadd.s32 $0xFFFFDC00  }
0x42: {  	[spmem:s11] =	stream.linear.scatter [tilespmem:s23], [sflag:$0x7], $0x2400, $0x38;
	[tilespmem:$0x1F900] =	vst v63  }
0x43: {  	_ =	swait.ge [sflag:s19], $0x2400  }
0x44: {  	[sflag:s19] =	ssyncset.done $0x0  }
0x45: {  	[sflag:s19] =	ssyncadd.s32 $0xFFFFDC00  }
0x46: {  	[spmem:s12] =	stream.linear.scatter [tilespmem:s23], [sflag:$0x7], $0x2400, $0x38;
	[tilespmem:$0x1F900] =	vst v63  }
0x47: {  	_ =	swait.ge [sflag:s19], $0x2400  }
0x48: {  	[sflag:s19] =	ssyncset.done $0x0  }
0x49: {  	[sflag:s19] =	ssyncadd.s32 $0xFFFFDC00  }
0x4a: {  	[spmem:s13] =	stream.linear.scatter [tilespmem:s23], [sflag:$0x7], $0x2400, $0x38;
	[tilespmem:$0x1F900] =	vst v63  }
0x4b: {  	_ =	swait.ge [sflag:s19], $0x2400  }
0x4c: {  	[sflag:s19] =	ssyncset.done $0x0  }
0x4d: {  	[sflag:s19] =	ssyncadd.s32 $0xFFFFDC00  }
0x4e: {  	[spmem:s14] =	stream.linear.scatter [tilespmem:s23], [sflag:$0x7], $0x2400, $0x38;
	[tilespmem:$0x1F900] =	vst v63  }
0x4f: {  	_ =	swait.ge [sflag:s19], $0x2400  }
0x50: {  	[sflag:s19] =	ssyncset.done $0x0  }
0x51: {  	[sflag:s19] =	ssyncadd.s32 $0xFFFFDC00  }
0x52: {  	[spmem:s15] =	stream.linear.scatter [tilespmem:s23], [sflag:$0x7], $0x1C00, $0x38;
	[tilespmem:$0x1F900] =	vst v63  }
0x53: {  	_ =	swait.ge [sflag:s19], $0x1C00  }
0x54: {  	[sflag:s19] =	ssyncset.done $0x0  }
0x55: {  	[sflag:s19] =	ssyncadd.s32 $0xFFFFE400  }
0x56: {  	[bflag:$0x0] =	sbarrier.arrive $0xFFFF  }
0x57: {  	[tilespmem:s26], [sflag:$0x2] =	stream.indirect.gather [hbm4b:s7+s21], $0x80, s21, s21, $0xb8;
	[tilespmem:$0x1F900] =	vst v63  }
0x58: {  	_ =	swait.ge [sflag:s28], $0x2400  }
0x59: {  	[sflag:s28] =	ssyncset.done $0x0  }
0x5a: {  	[sflag:s28] =	ssyncadd.s32 $0xFFFFDC00  }
0x5b: {  	[spmem:s2] =	stream.indirect.scatter.add.f32 [tilespmem:s22], [sflag:$0x4], $0x80, s20, s21, $0xb8;
	[tilespmem:$0x1F900] =	vst v63  }
0x5c: {  	s9 =	simm.s32 $0x90  }
0x5d: {  	[tilespmem:s23], [sflag:$0x3] =	stream.indirect.gather [hbm4b:s7+s21], $0x80, s9, s21, $0xb8;
	[tilespmem:$0x1F900] =	vst v63  }
0x5e: {  	_ =	swait.ge [sflag:s30], $0x2400  }
0x5f: {  	[sflag:s30] =	ssyncset.done $0x0  }
0x60: {  	s8 =	simm.s32 $0x28C8;
	[sflag:s30] =	ssyncadd.s32 $0xFFFFDC00  }
0x61: {  	[spmem:s2] =	stream.indirect.scatter.add.f32 [tilespmem:s26], [sflag:$0x5], $0x80, s8, s21, $0xb8;
	[tilespmem:$0x1F900] =	vst v63  }
0x62: {  	_ =	swait.ge [sflag:s1], $0x2400  }
0x63: {  	[sflag:s1] =	ssyncset.done $0x0  }
0x64: {  	s9 =	simm.s32 $0xD8;
	[sflag:s1] =	ssyncadd.s32 $0xFFFFDC00  }
0x65: {  	[tilespmem:s22], [sflag:$0x1] =	stream.indirect.gather [hbm4b:s7+s21], $0x80, s9, s21, $0xb8;
	[tilespmem:$0x1F900] =	vst v63  }
0x66: {  	_ =	swait.ge [sflag:s31], $0x2400  }
0x67: {  	[sflag:s31] =	ssyncset.done $0x0  }
0x68: {  	s8 =	simm.s32 $0x2910;
	[sflag:s31] =	ssyncadd.s32 $0xFFFFDC00  }
0x69: {  	[spmem:s2] =	stream.indirect.scatter.add.f32 [tilespmem:s23], [sflag:$0x6], $0x80, s8, s21, $0xb8;
	[tilespmem:$0x1F900] =	vst v63  }
0x6a: {  	_ =	swait.ge [sflag:s29], $0x2400  }
0x6b: {  	[sflag:s29] =	ssyncset.done $0x0  }
0x6c: {  	s9 =	simm.s32 $0x120;
	[sflag:s29] =	ssyncadd.s32 $0xFFFFDC00  }
0x6d: {  	[tilespmem:s26], [sflag:$0x2] =	stream.indirect.gather [hbm4b:s7+s21], $0x80, s9, s21, $0xb8;
	[tilespmem:$0x1F900] =	vst v63  }
0x6e: {  	_ =	swait.ge [sflag:s28], $0x2400  }
0x6f: {  	[sflag:s28] =	ssyncset.done $0x0  }
0x70: {  	s8 =	simm.s32 $0x2958;
	[sflag:s28] =	ssyncadd.s32 $0xFFFFDC00  }
0x71: {  	[spmem:s2] =	stream.indirect.scatter.add.f32 [tilespmem:s22], [sflag:$0x4], $0x80, s8, s21, $0xb8;
	[tilespmem:$0x1F900] =	vst v63  }
0x72: {  	_ =	swait.ge [sflag:s0], $0x2400  }
0x73: {  	[sflag:s0] =	ssyncset.done $0x0  }
0x74: {  	s9 =	simm.s32 $0x168;
	[sflag:s0] =	ssyncadd.s32 $0xFFFFDC00  }
0x75: {  	[tilespmem:s23], [sflag:$0x3] =	stream.indirect.gather [hbm4b:s7+s21], $0x80, s9, s21, $0xb8;
	[tilespmem:$0x1F900] =	vst v63  }
0x76: {  	_ =	swait.ge [sflag:s30], $0x2400  }
0x77: {  	[sflag:s30] =	ssyncset.done $0x0  }
0x78: {  	s8 =	simm.s32 $0x29A0;
	[sflag:s30] =	ssyncadd.s32 $0xFFFFDC00  }
0x79: {  	[spmem:s2] =	stream.indirect.scatter.add.f32 [tilespmem:s26], [sflag:$0x5], $0x80, s8, s21, $0xb8;
	[tilespmem:$0x1F900] =	vst v63  }
0x7a: {  	_ =	swait.ge [sflag:s1], $0x2400  }
0x7b: {  	[sflag:s1] =	ssyncset.done $0x0  }
0x7c: {  	s9 =	simm.s32 $0x1B0;
	[sflag:s1] =	ssyncadd.s32 $0xFFFFDC00  }
0x7d: {  	[tilespmem:s22], [sflag:$0x1] =	stream.indirect.gather [hbm4b:s7+s21], $0x80, s9, s21, $0xb8;
	[tilespmem:$0x1F900] =	vst v63  }
0x7e: {  	_ =	swait.ge [sflag:s31], $0x2400  }
0x7f: {  	[sflag:s31] =	ssyncset.done $0x0  }
0x80: {  	s5 =	simm.s32 $0x360;
	s8 =	simm.s32 $0x29E8;
	[sflag:s31] =	ssyncadd.s32 $0xFFFFDC00  }
.LBB2_4:
0x81: {  	[spmem:s2] =	stream.indirect.scatter.add.f32 [tilespmem:s23], [sflag:$0x6], $0x80, s8, s21, $0xb8;
	[tilespmem:$0x1F900] =	vst v63  }
0x82: {  	s8 =	smov.u32 s5;
	s5 =	sadd.s32 $0x360, s5;
	_ =	swait.ge [sflag:s29], $0x2400  }
0x83: {  	s8 =	sshra.s32 s8, $0x2;
	p1 =	sne.s32 s5, $0x9B40;
	[sflag:s29] =	ssyncset.done $0x0  }
0x84: {  	s9 =	sadd.s32 $0x120, s8;
	[sflag:s29] =	ssyncadd.s32 $0xFFFFDC00  }
0x85: {  	[tilespmem:s26], [sflag:$0x2] =	stream.indirect.gather [hbm4b:s7+s21], $0x80, s9, s21, $0xb8;
	[tilespmem:$0x1F900] =	vst v63  }
0x86: {  	_ =	swait.ge [sflag:s28], $0x2400  }
0x87: {  	[sflag:s28] =	ssyncset.done $0x0  }
0x88: {  	s9 =	sadd.s32 $0x2958, s8;
	[sflag:s28] =	ssyncadd.s32 $0xFFFFDC00  }
0x89: {  	[spmem:s2] =	stream.indirect.scatter.add.f32 [tilespmem:s22], [sflag:$0x4], $0x80, s9, s21, $0xb8;
	[tilespmem:$0x1F900] =	vst v63  }
0x8a: {  	_ =	swait.ge [sflag:s0], $0x2400  }
0x8b: {  	[sflag:s0] =	ssyncset.done $0x0  }
0x8c: {  	s9 =	sadd.s32 $0x168, s8;
	[sflag:s0] =	ssyncadd.s32 $0xFFFFDC00  }
0x8d: {  	[tilespmem:s23], [sflag:$0x3] =	stream.indirect.gather [hbm4b:s7+s21], $0x80, s9, s21, $0xb8;
	[tilespmem:$0x1F900] =	vst v63  }
0x8e: {  	_ =	swait.ge [sflag:s30], $0x2400  }
0x8f: {  	[sflag:s30] =	ssyncset.done $0x0  }
0x90: {  	s9 =	sadd.s32 $0x29A0, s8;
	[sflag:s30] =	ssyncadd.s32 $0xFFFFDC00  }
0x91: {  	[spmem:s2] =	stream.indirect.scatter.add.f32 [tilespmem:s26], [sflag:$0x5], $0x80, s9, s21, $0xb8;
	[tilespmem:$0x1F900] =	vst v63  }
0x92: {  	_ =	swait.ge [sflag:s1], $0x2400  }
0x93: {  	[sflag:s1] =	ssyncset.done $0x0  }
.Ltmp1:
0x94: {  	s9 =	sadd.s32 $0x1B0, s8;
	[sflag:s1] =	ssyncadd.s32 $0xFFFFDC00;
	(pc) =	sbr.rel @p1 .LBB2_4-.Ltmp1, $4  }
0x95: {  	[tilespmem:s22], [sflag:$0x1] =	stream.indirect.gather [hbm4b:s7+s21], $0x80, s9, s21, $0xb8;
	[tilespmem:$0x1F900] =	vst v63  }
0x96: {  	_ =	swait.ge [sflag:s31], $0x2400  }
0x97: {  	[sflag:s31] =	ssyncset.done $0x0  }
0x98: {  	s8 =	sadd.s32 $0x29E8, s8;
	[sflag:s31] =	ssyncadd.s32 $0xFFFFDC00  }
0x99: {  	[spmem:s2] =	stream.indirect.scatter.add.f32 [tilespmem:s23], [sflag:$0x6], $0x80, s8, s21, $0xb8;
	[tilespmem:$0x1F900] =	vst v63  }
0x9a: {  	_ =	swait.ge [sflag:s29], $0x2400  }
0x9b: {  	s5 =	sshra.s32 s5, $0x2;
	[sflag:s29] =	ssyncset.done $0x0  }
0x9c: {  	s9 =	sadd.s32 $0x120, s5;
	[sflag:s29] =	ssyncadd.s32 $0xFFFFDC00  }
0x9d: {  	[tilespmem:s26], [sflag:$0x2] =	stream.indirect.gather [hbm4b:s7+s21], $0x80, s9, s21, $0xb8;
	[tilespmem:$0x1F900] =	vst v63  }
0x9e: {  	_ =	swait.ge [sflag:s28], $0x2400  }
0x9f: {  	[sflag:s28] =	ssyncset.done $0x0  }
0xa0: {  	s9 =	sadd.s32 $0x2958, s5;
	[sflag:s28] =	ssyncadd.s32 $0xFFFFDC00  }
0xa1: {  	[spmem:s2] =	stream.indirect.scatter.add.f32 [tilespmem:s22], [sflag:$0x4], $0x80, s9, s21, $0xb8;
	[tilespmem:$0x1F900] =	vst v63  }
0xa2: {  	_ =	swait.ge [sflag:s0], $0x2400  }
0xa3: {  	[sflag:s0] =	ssyncset.done $0x0  }
0xa4: {  	s9 =	sadd.s32 $0x168, s5;
	[sflag:s0] =	ssyncadd.s32 $0xFFFFDC00  }
0xa5: {  	[tilespmem:s23], [sflag:$0x3] =	stream.indirect.gather [hbm4b:s7+s21], $0x80, s9, s21, $0xb8;
	[tilespmem:$0x1F900] =	vst v63  }
0xa6: {  	_ =	swait.ge [sflag:s30], $0x2400  }
0xa7: {  	[sflag:s30] =	ssyncset.done $0x0  }
0xa8: {  	s9 =	sadd.s32 $0x29A0, s5;
	[sflag:s30] =	ssyncadd.s32 $0xFFFFDC00  }
0xa9: {  	[spmem:s2] =	stream.indirect.scatter.add.f32 [tilespmem:s26], [sflag:$0x5], $0x80, s9, s21, $0xb8;
	[tilespmem:$0x1F900] =	vst v63  }
0xaa: {  	_ =	swait.ge [sflag:s1], $0x2400  }
0xab: {  	[sflag:s1] =	ssyncset.done $0x0  }
0xac: {  	[sflag:s1] =	ssyncadd.s32 $0xFFFFDC00  }
0xad: {  	[tilespmem:s22], [sflag:$0x1] =	stream.indirect.gather [hbm4b:s7+s21], $0x80, s3, s21, $0xb8;
	[tilespmem:$0x1F900] =	vst v63  }
0xae: {  	_ =	swait.ge [sflag:s31], $0x2400  }
0xaf: {  	[sflag:s31] =	ssyncset.done $0x0  }
0xb0: {  	s5 =	sadd.s32 $0x29E8, s5;
	[sflag:s31] =	ssyncadd.s32 $0xFFFFDC00  }
0xb1: {  	[spmem:s2] =	stream.indirect.scatter.add.f32 [tilespmem:s23], [sflag:$0x6], $0x80, s5, s21, $0xb8;
	[tilespmem:$0x1F900] =	vst v63  }
0xb2: {  	_ =	swait.ge [sflag:s29], $0x2400  }
0xb3: {  	[sflag:s29] =	ssyncset.done $0x0  }
0xb4: {  	[sflag:s29] =	ssyncadd.s32 $0xFFFFDC00  }
0xb5: {  	_ =	swait.ge [sflag:s0], $0x2400  }
0xb6: {  	[sflag:s0] =	ssyncset.done $0x0  }
0xb7: {  	[sflag:s0] =	ssyncadd.s32 $0xFFFFDC00  }
0xb8: {  	_ =	swait.ge [sflag:s28], $0x2400  }
0xb9: {  	s9 =	stileid.u32;
	[sflag:s28] =	ssyncset.done $0x0  }
0xba: {  	s5 =	sshll.u32 s9, $0x6;
	[sflag:s28] =	ssyncadd.s32 $0xFFFFDC00  }
0xbb: {  	s5 =	sor.u32 $0x1C07, s5;
	[bflag:$0x0] =	sbarrier.arrive $0xFFFF  }
0xbc: {  	[hbm:s16], [sflag:s5] =	dma.local [spmem:s24], $0x2700  }
0xbd: {  	_ =	swait.ge [sflag:s19], $0x2700  }
0xbe: {  	s4 =	sadd.s32 $0x1, s4;
	[sflag:s19] =	ssyncset.done $0x0  }
0xbf: {  	p1 =	sne.s32 s4, s18;
	[sflag:s19] =	ssyncadd.s32 $0xFFFFD900  }
0xc0: {  	[hbm:s17], [sflag:s5] =	dma.local @!p0 [spmem:s25], $0x100  }
.Ltmp2:
0xc1: {  	_ = 	snop;
	(pc) =	sbr.rel @p1 .LBB2_1-.Ltmp2, $4  }
0xc2: {  	s5 =	simm.s32 @!p0 $0x7  }
0xc3: {  	_ =	swait.ge @!p0 [sflag:s5], $0x100  }
0xc4: {  	[sflag:s5] =	ssyncset.done @!p0 $0x0  }
0xc5: {  	[sflag:s5] =	ssyncadd.s32 @!p0 $0xFFFFFF00  }
0xc6: {  	_ =	sfence.sel $0x180000  }
0xc7: {  	[bflag:$0x0] =	sbarrier.arrive $0xFFFF  }
0xc8: {  	_ =	strace $0x9000004D  }
0xc9: {  	s0 =	stileid.u32;
	[bflag:$0x2] =	sbarrier.arrive $0xFFFF  }
0xca: {  	p0 =	sne.s32 s0, $0x0;
	s0 =	rddreg [dreg:$0x3]  }
0xcb: {  	s0 =	sadd.s32 @!p0 $0x100000, s0  }
0xcc: {  	[sflag:s0] =	ssyncadd.tile.s32 @!p0 $0x1;
	_ =	shalt  }
.Lfunc_end2:
_tile_overlayer_lowered:
.L_overlay_start_2:
0xcd: {  	(tag) =	ssettag $0x2  }
0xce: {  	s0 =	rddreg [dreg:$0x0];
	s2 =	stileid.u32  }
0xcf: {  	s1 =	rddreg [dreg:$0x1];
	p0 =	sne.s32 s2, $0x0  }
0xd0: {  	s3 =	rddreg [dreg:$0x2];
	[bflag:$0x3] =	sbarrier.arrive $0xFFFF;
	s2 =	simm.s32 @!p0 $0x1C07  }
0xd1: {  	[timem:s3], [sflag:s2] =	dma.local @!p0 [hbm:s0], s1  }
0xd2: {  	s0 =	simm.s32 @!p0 $0x7  }
0xd3: {  	_ =	swait.ge @!p0 [sflag:s0], s1  }
0xd4: {  	s1 =	ssub.s32 @!p0 $0x0, s1;
	[sflag:s0] =	ssyncset.done @!p0 $0x0  }
0xd5: {  	[sflag:s0] =	ssyncadd.s32 @!p0 s1  }
0xd6: {  	[bflag:$0x3] =	sbarrier.arrive $0xFFFF  }
0xd7: {  	_ =	shalt  }

// kernel: kernel.8.cloned.1.call-start
scs
__scs_entry_jumppad:
0x0: {  	(pc) =	sbr.rel $0x88, $3  }
0x1: {  	(tag) =	ssettag $0x0;
	lr =	simm.s32 $0x1  }
0x2: {  	[smem:$0x3F89] =	sst lr;
	_ =	strace $0xD0000000  }
0x3: {  	_ = 	snop  }
0x4: {  	_ = 	snop  }
0x5: {  	_ = 	snop  }
0x6: {  	_ = 	snop  }
0x7: {  	_ = 	snop  }
__scs_overlays_trampoline_lowered:
0x8: {  	[smem:$0x3F98] =	sst s0  }
0x9: {  	[smem:$0x3F99] =	sst s1  }
0xa: {  	[smem:$0x3F9A] =	sst s2  }
0xb: {  	[smem:$0x3F9B] =	sst s3  }
0xc: {  	[smem:$0x3F9C] =	sst s4  }
0xd: {  	[smem:$0x3F9D] =	sst s5  }
0xe: {  	[smem:$0x3F9E] =	sst s6  }
0xf: {  	[smem:$0x3F9F] =	sst s7  }
0x10: {  	[smem:$0x3FA0] =	sst s8  }
0x11: {  	[smem:$0x3FA1] =	sst s9;
	s0 =	simm.s32 @!p0 $0x0  }
0x12: {  	s1 =	sld [smem:$0x3F87];
	s0 =	simm.s32 @p0 $0x1  }
0x13: {  	[smem:$0x3FA2] =	sst s0;
	s0 =	simm.s32 @!p1 $0x0  }
0x14: {  	s2 =	sld [smem:$0x3F86];
	s0 =	simm.s32 @p1 $0x1  }
0x15: {  	[smem:$0x3FA3] =	sst s0;
	s0 =	simm.s32 @!p2 $0x0  }
0x16: {  	s3 =	sld [smem:$0x3FDB];
	s0 =	simm.s32 @p2 $0x1  }
0x17: {  	s4 =	simm.s32 $0x1BF5;
	[smem:$0x3FA5] =	sst s0  }
0x18: {  	s0 =	sld [smem:$0x3F88];
	_ =	swait.ge [sflag:s4], $0x0  }
0x19: {  	s7 =	sld [smem:$0x3F89]  }
0x1a: {  	s8 =	sadd.s32 $0xFFFFE003, lr  }
0x1b: {  	s9 =	sadd.s32 $0xFFFFFEF7, lr;
	s5 =	simm.s32 $0xFFFFFFFF;
	p2 =	slt.u32 s8, $0xFFFFF086  }
0x1c: {  	p1 =	slt.u32 s9, $0xF7A;
	s5 =	simm.s32 @!p2 $0x0  }
0x1d: {  	s5 =	simm.s32 @p1 $0x1;
	p0 =	seq.s32 s7, s2  }
0x1e: {  	s7 =	smul.u32 @!p0 $0xF7A, s2;
	p2 =	seq.s32 @!p0 s5, $0x0  }
0x1f: {  	s9 =	smul.u32 $0xF7A, s1;
	s8 =	simm.s32 @!p0 $0x1BF5;
	p2 =	por !p2, p0  }
0x20: {  	[sflag:s8] =	ssyncset.s32 @!p0 $0xFFFFF086;
	s6 =	sadd.s32 @!p0 s3, s7;
	s7 =	simm.s32 @!p0 $0x108  }
0x21: {  	s3 =	sadd.s32 s3, s9;
	s6 =	sadd.s32 @!p0 $0x88, s6;
	s7 =	simm.s32 @p2 $0x1082  }
0x22: {  	[simem:s7], [sflag:s8] =	dma.local @!p0 [hbm:s6], $0xF7A  }
0x23: {  	s9 =	sor.u32 $0xD0000000, s2;
	s6 =	simm.s32 $0x108;
	_ =	swait.ge @!p0 [sflag:s8], $0x0  }
0x24: {  	s3 =	sadd.s32 $0x88, s3;
	s6 =	simm.s32 @!p1 $0x1082;
	[sflag:s4] =	ssyncset.s32 $0xFFFFF086  }
0x25: {  	[simem:s6], [sflag:s4] =	dma.local [hbm:s3], $0xF7A  }
0x26: {  	[smem:$0x3F89] =	sst s1;
	(tag) =	ssettag s2;
	_ =	strace s9  }
0x27: {  	s1 =	sld [smem:$0x3F99]  }
0x28: {  	s2 =	sld [smem:$0x3F9A]  }
0x29: {  	s4 =	sld [smem:$0x3F9C]  }
0x2a: {  	p0 =	seq.s32 s5, $0x0;
	s5 =	sld [smem:$0x3F9D]  }
0x2b: {  	s6 =	sld [smem:$0x3F9E]  }
0x2c: {  	s7 =	sld [smem:$0x3F9F]  }
0x2d: {  	s3 =	simm.s32 $0x108;
	s8 =	sld [smem:$0x3FA0]  }
0x2e: {  	s3 =	simm.s32 @!p0 $0x1082;
	s9 =	sld [smem:$0x3FA1]  }
0x2f: {  	lr =	sadd.s32 s0, s3;
	s0 =	sld [smem:$0x3F98]  }
0x30: {  	s3 =	sld [smem:$0x3F9B]  }
0x31: {  	[smem:$0x3FA4] =	sst s10  }
0x32: {  	s10 =	sld [smem:$0x3FA2];
	_ =	sdelay $0x3  }
0x33: {  	p0 =	seq.s32 s10, $0x1;
	s10 =	sld [smem:$0x3FA4];
	_ =	sdelay $0x3  }
0x34: {  	[smem:$0x3FA4] =	sst s10  }
0x35: {  	s10 =	sld [smem:$0x3FA3];
	_ =	sdelay $0x3  }
0x36: {  	p1 =	seq.s32 s10, $0x1;
	s10 =	sld [smem:$0x3FA4];
	_ =	sdelay $0x3  }
0x37: {  	[smem:$0x3FA4] =	sst s10  }
0x38: {  	s10 =	sld [smem:$0x3FA5]  }
0x39: {  	_ = 	snop;
	(pc) =	sbr.ind lr, $3  }
0x3a: {  	_ = 	snop  }
0x3b: {  	_ = 	snop  }
0x3c: {  	p2 =	seq.s32 s10, $0x1;
	s10 =	sld [smem:$0x3FA4]  }
0x3d: {  	_ =	shalt  }
0x3e: {  	_ =	shalt  }
0x3f: {  	_ =	shalt  }
0x40: {  	_ =	shalt  }
0x41: {  	_ =	shalt  }
0x42: {  	_ =	shalt  }
0x43: {  	_ =	shalt  }
0x44: {  	_ =	shalt  }
0x45: {  	_ =	shalt  }
0x46: {  	_ =	shalt  }
0x47: {  	_ =	shalt  }
0x48: {  	_ =	shalt  }
0x49: {  	_ =	shalt  }
0x4a: {  	_ =	shalt  }
0x4b: {  	_ =	shalt  }
0x4c: {  	_ =	shalt  }
0x4d: {  	_ =	shalt  }
0x4e: {  	_ =	shalt  }
0x4f: {  	_ =	shalt  }
0x50: {  	_ =	shalt  }
0x51: {  	_ =	shalt  }
0x52: {  	_ =	shalt  }
0x53: {  	_ =	shalt  }
0x54: {  	_ =	shalt  }
0x55: {  	_ =	shalt  }
0x56: {  	_ =	shalt  }
0x57: {  	_ =	shalt  }
0x58: {  	_ =	shalt  }
0x59: {  	_ =	shalt  }
0x5a: {  	_ =	shalt  }
0x5b: {  	_ =	shalt  }
0x5c: {  	_ =	shalt  }
0x5d: {  	_ =	shalt  }
0x5e: {  	_ =	shalt  }
0x5f: {  	_ =	shalt  }
0x60: {  	_ =	shalt  }
0x61: {  	_ =	shalt  }
0x62: {  	_ =	shalt  }
0x63: {  	_ =	shalt  }
0x64: {  	_ =	shalt  }
0x65: {  	_ =	shalt  }
0x66: {  	_ =	shalt  }
0x67: {  	_ =	shalt  }
0x68: {  	_ =	shalt  }
0x69: {  	_ =	shalt  }
0x6a: {  	_ =	shalt  }
0x6b: {  	_ =	shalt  }
0x6c: {  	_ =	shalt  }
0x6d: {  	_ =	shalt  }
0x6e: {  	_ =	shalt  }
0x6f: {  	_ =	shalt  }
0x70: {  	_ =	shalt  }
0x71: {  	_ =	shalt  }
0x72: {  	_ =	shalt  }
0x73: {  	_ =	shalt  }
0x74: {  	_ =	shalt  }
0x75: {  	_ =	shalt  }
0x76: {  	_ =	shalt  }
0x77: {  	_ =	shalt  }
0x78: {  	_ =	shalt  }
0x79: {  	_ =	shalt  }
0x7a: {  	_ =	shalt  }
0x7b: {  	_ =	shalt  }
0x7c: {  	_ =	shalt  }
0x7d: {  	_ =	shalt  }
0x7e: {  	_ =	shalt  }
0x7f: {  	_ =	shalt  }
0x80: {  	_ =	shalt  }
0x81: {  	_ =	shalt  }
0x82: {  	_ =	shalt  }
0x83: {  	_ =	shalt  }
0x84: {  	_ =	shalt  }
0x85: {  	_ =	shalt  }
0x86: {  	_ =	shalt  }
0x87: {  	_ =	shalt  }
.Lfunc_end0:
.L_simem_size_0:
called_computation_lowered:
.L_overlay_start_0:
0x88: {  	s2 =	sld [smem:$0x3FD9]  }
0x89: {  	s3 =	sld [smem:$0x3FFE];
	_ =	sdelay $0x1  }
0x8a: {  	s1 =	srdreg.scid  }
0x8b: {  	s0 =	sand.u32 $0x1, s1  }
0x8c: {  	s16 =	sshll.u32 s0, $0xA;
	s2 =	sadd.s32 s3, s2  }
0x8d: {  	s2 =	sadd.s32 s2, s16  }
0x8e: {  	[smem:$0x3FB0] =	sst s2  }
0x8f: {  	_ = 	snop  }
0x90: {  	(tm) =	ssettm $0x1  }
0x91: {  	s17 =	sld [smem:$0x3FFB];
	_ =	sdelay $0x3  }
0x92: {  	_ =	strace s17  }
0x93: {  	s2 =	sld [smem:$0x3FFC];
	_ =	sdelay $0x3  }
0x94: {  	_ =	strace s2  }
0x95: {  	s2 =	sld [smem:$0x3FFD];
	_ =	sdelay $0x3  }
0x96: {  	_ =	strace s2  }
0x97: {  	_ =	strace $0x8FFFFFFF  }
0x98: {  	s18 =	sld [smem:$0x3FDB];
	_ =	sdelay $0x1  }
0x99: {  	s19 =	simm.s32 $_scs_section_size  }
0x9a: {  	s4 =	simm.s32 $_size__tile_overlayer_lowered;
	s5 =	simm.s32 $_tile_overlayer_lowered  }
0x9b: {  	s22 =	simm.s32 $0x1BFF;
	s21 =	sshll.u32 s5, $0x1;
	s2 =	sadd.s32 s19, s18  }
0x9c: {  	s6 =	simm.s32 $0x0;
	s20 =	sshll.u32 s4, $0x1;
	s4 =	sadd.s32 s21, s2  }
0x9d: {  	[timem:s6], [sflag:s22] =	dma.local [hbm:s4], s20  }
0x9e: {  	_ =	swait.ge [sflag:s22], s20  }
0x9f: {  	s3 =	ssub.s32 $0x0, s20;
	[sflag:s22] =	ssyncset.done $0x0  }
0xa0: {  	[sflag:s22] =	ssyncadd.s32 s3;
	_ =	sdelay $0x1  }
0xa1: {  	s23 =	simm.s32 $0x1B8B  }
0xa2: {  	_ =	swait.ge [sflag:s23], $0x1  }
0xa3: {  	[sflag:s23] =	ssyncset.done $0x0  }
0xa4: {  	s25 =	simm.s32 $0x1B8E;
	s24 =	sld [smem:$0x3FFE];
	[sflag:s23] =	ssyncadd.s32 $0xFFFFFFFF  }
0xa5: {  	s26 =	simm.s32 $execute0_lowered;
	[smem:$0x3FD2] =	sst s25  }
0xa6: {  	s4 =	sshll.u32 s26, $0x1;
	_ =	strace $0x80000046;
	[dreg:$0x1] =	wrdreg $0xFFFFFFFF  }
0xa7: {  	s28 =	simm.s32 $_size_execute0_lowered;
	s2 =	sadd.s32 s2, s4;
	[dreg:$0x0] =	wrdreg $0x0  }
0xa8: {  	s4 =	sshll.u32 s28, $0x1;
	[dreg:$0x2] =	wrdreg s2  }
0xa9: {  	[dreg:$0x3] =	wrdreg s4  }
0xaa: {  	[dreg:$0x4] =	wrdreg $0xC0  }
0xab: {  	_ =	task [dreg:s6], $0x5FFFF  }
0xac: {  	[dreg:$0x1] =	wrdreg $0xFFFFFFFF  }
0xad: {  	[dreg:$0x0] =	wrdreg $0x60  }
0xae: {  	[dreg:$0x2] =	wrdreg s24  }
0xaf: {  	[dreg:$0x3] =	wrdreg $0x2B780  }
0xb0: {  	[dreg:$0x4] =	wrdreg $0x9  }
0xb1: {  	_ =	task.clear_ibuf [dreg:s6], $0x5FFFF;
	_ =	strace $0x90000046  }
0xb2: {  	s29 =	simm.s32 $0x9;
	_ =	strace $0x80000048  }
0xb3: {  	_ =	swait.ge [sflag:s29], $0x1  }
0xb4: {  	[sflag:s29] =	ssyncadd.s32 $0xFFFFFFFF  }
0xb5: {  	_ =	strace $0x90000048  }
0xb6: {  	_ =	sfence  }
0xb7: {  	s30 =	sld [smem:$0x0];
	_ =	sdelay $0x2  }
0xb8: {  	s31 =	sshll.u32 s1, $0xD;
	s1 =	sshrl.u32 s1, $0x2  }
0xb9: {  	s3 =	sand.u32 $0x4000, s31;
	s1 =	sadd.s32 s1, s30  }
0xba: {  	s0 =	sor.u32 s3, s0;
	s1 =	sshll.u32 s1, $0x11  }
0xbb: {  	s0 =	sor.u32 s1, s0  }
0xbc: {  	s0 =	sadd.s32 $0x8F2B, s0  }
0xbd: {  	[sflag:s0] =	ssyncadd.remote.s32 $0x1  }
0xbe: {  	_ =	sfence.sel $0xFFFF  }
0xbf: {  	[dreg:$0x0] =	wrdreg $0xFFFFFFFF;
	(pc) =	sbr.abs _section_cstart, $3  }
0xc0: {  	[dreg:$0x1] =	wrdreg $0xFFFFFFFF  }
0xc1: {  	_ =	task.clear_ibuf [dreg:s6], $0x2FFFF;
	_ =	strace $0x9FFFFFFF  }
0xc2: {  	(tm) =	ssettm $0x7FFFFFFF  }
0xc3: {  	_ =	shalt  }
tec
execute0_lowered:
.L_overlay_start_1:
0x0: {  	(tag) =	ssettag $0x1  }
0x1: {  	s5 =	rddreg [dreg:$0x0]  }
0x2: {  	s0 =	srdreg.scid;
	s2 =	rddreg [dreg:$0x1]  }
0x3: {  	s3 =	simm.s32 $0x0;
	s12 =	simm.s32 $0x2880;
	s16 =	simm.s32 $0x0  }
0x4: {  	s4 =	sand.u32 $0x1, s0;
	s0 =	stileid.u32;
	[smem:$0x7FF] =	sst s3  }
0x5: {  	s11 =	sadd.s32 $0x18200, s5;
	s15 =	sadd.s32 $0x2700, s2;
	s7 =	smul.u32 $0x9E0, s0  }
0x6: {  	s1 =	sshll.u32 s4, $0x4;
	s8 =	ssub.s32 $0x2, s4;
	s9 =	smul.u32 $0x2710, s4  }
0x7: {  	s10 =	smul.u32 $0x270, s0;
	s13 =	sshll.u32 s0, $0x6;
	p0 =	sne.s32 s0, $0xF  }
0x8: {  	s6 =	sor.u32 s0, s1;
	s1 =	rddreg [dreg:$0x2];
	_ =	strace $0x80000047  }
0x9: {  	s28 =	sshrl.u32 s8, $0x1;
	s13 =	sor.u32 $0x1C01, s13;
	s15 =	sshrl.u32 @!p0 s15, $0x3  }
0xa: {  	s6 =	smul.u32 $0x510, s6;
	s8 =	ssub.s32 s8, s28;
	s29 =	sshrl.u32 s7, $0x2  }
0xb: {  	s30 =	sadd.s32 s10, s9;
	s31 =	sshrl.u32 s9, $0x3;
	s14 =	sadd.s32 s10, s2  }
0xc: {  	s9 =	simm.s32 $0x1;
	s10 =	simm.s32 $0x2900;
	s7 =	sadd.s32 s11, s31  }
0xd: {  	s8 =	smax.u32 s8, $0x1;
	s14 =	sshrl.u32 s14, $0x3;
	s26 =	sadd.s32 s6, s5  }
0xe: {  	s5 =	sadd.s32 s29, s2;
	s6 =	sshrl.u32 s30, $0x3;
	s7 =	sadd.s32 $0x4E0, s7  }
0xf: {  	v0 =	vimm.f32 $1.000000000e+00;
	v1 =	vimm.f32 $0.0e+00;
	s4 =	sadd.s32 $0xE000, s26;
	s6 =	sadd.s32 s11, s6;
	s11 =	simm.s32 $0x80  }
.LBB2_1:
0x10: {  	[tilespmem:s3], [sflag:$0x1] =	stream.linear.gather [hbm4b:s4+s3], $0x2880, $0x38;
	[tilespmem:$0x2DF0] =	vst v63  }
0x11: {  	_ =	swait.ge [sflag:s9], $0x2880  }
0x12: {  	[sflag:s9] =	ssyncset.done $0x0  }
0x13: {  	[sflag:s9] =	ssyncadd.s32 $0xFFFFD780  }
0x14: {  	[tilespmem:$0x2880] =	vst v0  }
0x15: {  	[tilespmem:$0x2890] =	vst v0  }
0x16: {  	[tilespmem:$0x28A0] =	vst v0  }
0x17: {  	[tilespmem:$0x28B0] =	vst v0  }
0x18: {  	[tilespmem:$0x28C0] =	vst v0  }
0x19: {  	[tilespmem:$0x28D0] =	vst v0  }
0x1a: {  	[tilespmem:$0x28E0] =	vst v0  }
0x1b: {  	s17 =	simm.s32 $0x40;
	s18 =	simm.s32 $0x0;
	[tilespmem:$0x28F0] =	vst v0  }
.LBB2_2:
0x1c: {  	p1 =	sne.s32 s17, $0x1380;
	[tilespmem:s18+$0x2900] =	vst v1;
	s18 =	smov.u32 s17;
	s17 =	sadd.s32 $0x40, s17  }
.Ltmp0:
0x1d: {  	(pc) =	sbr.rel @p1 .LBB2_2-.Ltmp0, $2  }
0x1e: {  	_ =	sdelay $0x2  }
0x1f: {  	s18 =	sshra.s32 s18, $0x2  }
0x20: {  	[tilespmem:s18+$0x2900] =	vst v1  }
0x21: {  	[spmem:s5] =	stream.linear.scatter [tilespmem:s10], [sflag:$0x1], $0x278, $0x38;
	[tilespmem:$0x2DF0] =	vst v63  }
0x22: {  	_ =	swait.ge [sflag:s9], $0x278  }
0x23: {  	[sflag:s9] =	ssyncset.done $0x0  }
0x24: {  	[sflag:s9] =	ssyncadd.s32 $0xFFFFFD88  }
0x25: {  	s17 =	simm.s32 $0x0;
	[bflag:$0x0] =	sbarrier.arrive $0xFFFF  }
0x26: {  	[spmem:s2] =	stream.indirect.scatter.add.f32 [tilespmem:s12], [sflag:$0x1], $0x1, s17, s11, $0xb8;
	[tilespmem:$0x2DF0] =	vst v63  }
0x27: {  	_ =	swait.ge [sflag:s9], $0x80  }
0x28: {  	s17 =	simm.s32 $0x200;
	[sflag:s9] =	ssyncset.done $0x0  }
.LBB2_4:
0x29: {  	s18 =	sshra.s32 s17, $0x2;
	[sflag:s9] =	ssyncadd.s32 $0xFFFFFF80;
	p1 =	sne.s32 s17, $0xA000  }
0x2a: {  	[spmem:s2] =	stream.indirect.scatter.add.f32 [tilespmem:s12], [sflag:$0x1], $0x1, s18, s11, $0xb8;
	[tilespmem:$0x2DF0] =	vst v63  }
.Ltmp1:
0x2b: {  	_ = 	snop;
	(pc) =	sbr.rel @p1 .LBB2_4-.Ltmp1, $4  }
0x2c: {  	_ = 	snop  }
0x2d: {  	s17 =	sadd.s32 $0x200, s17  }
0x2e: {  	_ =	swait.ge [sflag:s9], $0x80  }
0x2f: {  	[sflag:s9] =	ssyncset.done $0x0  }
0x30: {  	[sflag:s9] =	ssyncadd.s32 $0xFFFFFF80  }
0x31: {  	[bflag:$0x0] =	sbarrier.arrive $0xFFFF  }
0x32: {  	[hbm:s6], [sflag:s13] =	dma.local [spmem:s14], $0x4E  }
0x33: {  	s16 =	sadd.s32 $0x1, s16;
	_ =	swait.ge [sflag:s9], $0x4E  }
0x34: {  	p1 =	sne.s32 s16, s8;
	[sflag:s9] =	ssyncset.done $0x0  }
.Ltmp2:
0x35: {  	s17 =	simm.s32 @!p0 $0x1;
	[sflag:s9] =	ssyncadd.s32 $0xFFFFFFB2;
	(pc) =	sbr.rel @p1 .LBB2_1-.Ltmp2, $4  }
0x36: {  	[hbm:s7], [sflag:s13] =	dma.local @!p0 [spmem:s15], $0x2  }
0x37: {  	_ =	swait.ge @!p0 [sflag:s17], $0x2  }
0x38: {  	[sflag:s17] =	ssyncset.done @!p0 $0x0  }
0x39: {  	[sflag:s17] =	ssyncadd.s32 @!p0 $0xFFFFFFFE  }
0x3a: {  	_ =	sfence.sel $0x180000  }
0x3b: {  	[bflag:$0x0] =	sbarrier.arrive $0xFFFF  }
0x3c: {  	p0 =	sne.s32 s0, $0x0;
	_ =	strace $0x90000047  }
0x3d: {  	s0 =	sadd.s32 @!p0 $0x100000, s1;
	[bflag:$0x2] =	sbarrier.arrive $0xFFFF  }
0x3e: {  	[sflag:s0] =	ssyncadd.tile.s32 @!p0 $0x1;
	_ =	shalt  }
.Lfunc_end2:
_tile_overlayer_lowered:
.L_overlay_start_2:
0x3f: {  	(tag) =	ssettag $0x2  }
0x40: {  	s0 =	rddreg [dreg:$0x0];
	s2 =	stileid.u32  }
0x41: {  	s1 =	rddreg [dreg:$0x1];
	p0 =	sne.s32 s2, $0x0  }
0x42: {  	s3 =	rddreg [dreg:$0x2];
	[bflag:$0x3] =	sbarrier.arrive $0xFFFF;
	s2 =	simm.s32 @!p0 $0x1C01  }
0x43: {  	[timem:s3], [sflag:s2] =	dma.local @!p0 [hbm:s0], s1  }
0x44: {  	s0 =	simm.s32 @!p0 $0x1  }
0x45: {  	_ =	swait.ge @!p0 [sflag:s0], s1  }
0x46: {  	s1 =	ssub.s32 @!p0 $0x0, s1;
	[sflag:s0] =	ssyncset.done @!p0 $0x0  }
0x47: {  	[sflag:s0] =	ssyncadd.s32 @!p0 s1  }
0x48: {  	[bflag:$0x3] =	sbarrier.arrive $0xFFFF  }
0x49: {  	_ =	shalt  }

</sc_bundles>
